<compile_context>
chip_gen: v7x
topology: tpu7x:2x2x1
jax: 0.10.2.dev20260603
libtpu: 0.0.44.dev20260713+nightly
codegen_flags: <defaults>
</compile_context>

<pallas_src>
import functools

import jax
import jax.numpy as jnp
from jax import lax
from jax.experimental import pallas as pl
from jax.experimental.pallas import tpu as pltpu
from jax.experimental.pallas import tpu_sc as plsc

OUT_C = 32
IN_C = 16
NBF = 45
NFEAT = IN_C * NBF
BIAS_ROW = NFEAT
FPAD = 768
BATCH = 8
SPAD = 320


def _pair_slot(u, v):
    lo, hi = min(u, v), max(u, v)
    return 9 + lo * 8 - (lo * (lo - 1)) // 2 + (hi - lo - 1)


def _build_w_sc(mask_flat, lut_flat):
    mesh = plsc.VectorSubcoreMesh(core_axis_name="c", subcore_axis_name="s")

    @functools.partial(
        pl.kernel,
        mesh=mesh,
        out_type=jax.ShapeDtypeStruct((OUT_C, FPAD), jnp.float32),
        scratch_types=[
            pltpu.VMEM((864,), jnp.int32),
            pltpu.VMEM((576,), jnp.float32),
            pltpu.VMEM((FPAD,), jnp.float32),
            pltpu.SemaphoreType.DMA,
        ],
        compiler_params=pltpu.CompilerParams(needs_layout_passes=False),
    )
    def body(mask_hbm, lut_hbm, w_hbm, maskv, lutv, wrow, sem):
        oc = lax.axis_index("s") * 2 + lax.axis_index("c")
        cp1 = pltpu.async_copy(mask_hbm.at[pl.ds(oc * 864, 864)], maskv, sem)
        cp2 = pltpu.async_copy(lut_hbm.at[pl.ds(oc * 576, 576)], lutv, sem)
        zeros = jnp.zeros((16,), jnp.float32)
        for i in range(FPAD // 16):
            wrow[pl.ds(i * 16, 16)] = zeros
        cp1.wait()
        cp2.wait()
        lane = lax.iota(jnp.int32, 16)
        acc_a = zeros
        for u in range(9):
            q = lane * 9 + u
            m0 = q * 6
            c = plsc.load_gather(maskv, [m0])
            a = plsc.load_gather(maskv, [m0 + 1])
            b = plsc.load_gather(maskv, [m0 + 2])
            a2 = plsc.load_gather(maskv, [m0 + 4])
            b2 = plsc.load_gather(maskv, [m0 + 5])
            wq = q * 4
            w0 = plsc.load_gather(lutv, [wq])
            w1 = plsc.load_gather(lutv, [wq + 1])
            w2 = plsc.load_gather(lutv, [wq + 2])
            w3 = plsc.load_gather(lutv, [wq + 3])
            uu = a * 3 + b
            vv = a2 * 3 + b2
            acc_a = acc_a + w0
            lo = jnp.minimum(uu, vv)
            hi = jnp.maximum(uu, vv)
            pidx = (9 + lo * 8 - lax.shift_right_arithmetic(lo * (lo - 1), 1)
                    + (hi - lo - 1))
            plsc.addupdate_scatter(wrow, [uu * IN_C + c], w1 - w0)
            plsc.addupdate_scatter(wrow, [vv * IN_C + c], w2 - w0)
            plsc.addupdate_scatter(wrow, [pidx * IN_C + c], w0 - w1 - w2 + w3)
        bias = jnp.where(lane == 0, jnp.sum(acc_a), 0.0)
        plsc.store_scatter(wrow, [BIAS_ROW + lane], bias)
        pltpu.sync_copy(wrow, w_hbm.at[oc])

    return body(mask_flat, lut_flat)


def _tc_body(x_ref, w_ref, o_ref, sp_ref, f_ref):
    sp_ref[...] = jnp.zeros((IN_C, BATCH * SPAD), jnp.float32)
    for b in range(BATCH):
        for i in range(14):
            sp_ref[:, pl.ds(b * SPAD + 16 * (i + 1) + 1, 14)] = x_ref[b, :, i, :]
    sig = jax.nn.sigmoid(sp_ref[...])

    taps = []
    for du in range(3):
        for dv in range(3):
            off = du * 16 + dv
            taps.append(jnp.concatenate(
                [sig[:, b * SPAD + off: b * SPAD + off + 256]
                 for b in range(BATCH)], axis=1))

    for u in range(9):
        f_ref[pl.ds(u * IN_C, IN_C), :] = (taps[u] - 0.5).astype(jnp.bfloat16)
    for u in range(9):
        for v in range(u + 1, 9):
            f_ref[pl.ds(_pair_slot(u, v) * IN_C, IN_C), :] = (
                taps[u] * taps[v] - 0.5).astype(jnp.bfloat16)
    f_ref[pl.ds(BIAS_ROW, 16), :] = jnp.concatenate(
        [jnp.full((1, 2048), 0.5, jnp.bfloat16),
         jnp.zeros((15, 2048), jnp.bfloat16)], axis=0)
    f_ref[pl.ds(BIAS_ROW + 16, FPAD - BIAS_ROW - 16), :] = jnp.zeros(
        (FPAD - BIAS_ROW - 16, 2048), jnp.bfloat16)

    wf32 = w_ref[...]
    wbf = wf32.astype(jnp.bfloat16)
    wlo = (wf32 - wbf.astype(jnp.float32)).astype(jnp.bfloat16)
    acc0 = 0.5 * jnp.broadcast_to(jnp.sum(wf32, axis=1)[:, None], (OUT_C, 512))
    dn = (((1,), (0,)), ((), ()))
    for n in range(4):
        acc = acc0
        for k in range(FPAD // 128):
            fk = f_ref[pl.ds(k * 128, 128), pl.ds(n * 512, 512)]
            acc += lax.dot_general(
                wbf[:, k * 128:(k + 1) * 128], fk, dn,
                preferred_element_type=jnp.float32,
            )
            acc += lax.dot_general(
                wlo[:, k * 128:(k + 1) * 128], fk, dn,
                preferred_element_type=jnp.float32,
            )
        o_ref[2 * n] = acc[:, :256]
        o_ref[2 * n + 1] = acc[:, 256:]


def _tc_compute(x, w):
    return pl.pallas_call(
        _tc_body,
        out_shape=jax.ShapeDtypeStruct((BATCH, OUT_C, 256), jnp.float32),
        scratch_shapes=[
            pltpu.VMEM((IN_C, BATCH * SPAD), jnp.float32),
            pltpu.VMEM((FPAD, BATCH * 256), jnp.bfloat16),
        ],
    )(x, w)


def kernel(input, lut_weights, input_mask):
    w = _build_w_sc(input_mask.reshape(-1), lut_weights.reshape(-1))
    o = _tc_compute(input, w)
    return o.reshape(BATCH, OUT_C, 16, 16)[:, :, :14, :14]

# --- scband reference (transcript-rebuilt; emitter-appended) ---
"""Pipeline reference for scband-conv2d-61615600828583 (READ-ONLY COPY).

The authoritative reference and input builder live on the scoring server;
editing this copy changes nothing except your own understanding.
"""

import jax, jax.numpy as jnp
import numpy as np

OUT_C, IN_C, KH, KW, K = 32, 16, 3, 3, 2
H = W = 14
PAD, STRIDE = 1, 1
OUT_H = (H + 2 * PAD - (KH - 1) - 1) // STRIDE + 1
OUT_W = (W + 2 * PAD - (KW - 1) - 1) // STRIDE + 1
TABLES = OUT_C * IN_C * KH * KW
BATCH = 8


def _build_input_mask():
    # One LUT table per (out_c, in_c, kh, kw); each table reads k inputs from the
    # same input channel's kernel window: the conv tap itself + (k-1) random other taps.
    o, c, a, b = np.meshgrid(np.arange(OUT_C), np.arange(IN_C), np.arange(KH), np.arange(KW), indexing='ij')
    c = c.ravel(); a = a.ravel(); b = b.ravel()
    p0 = a * KW + b
    rng = np.random.default_rng(0)
    alt = rng.integers(0, KH * KW - 1, size=c.shape)
    alt = alt + (alt >= p0)
    a2, b2 = alt // KW, alt % KW
    row0 = np.stack([c, a, b], axis=1)
    row1 = np.stack([c, a2, b2], axis=1)
    mask = np.stack([row0, row1], axis=1).reshape(-1, 3)  # [TABLES*K, 3]
    return jnp.asarray(mask, dtype=jnp.int32)


def setup_inputs(seed: int = 0) -> dict:
    key = jax.random.key(seed)
    k1, k2 = jax.random.split(key)
    x = jax.random.normal(k1, (BATCH, IN_C, H, W), dtype=jnp.float32)
    lut_weights = jax.random.normal(k2, (TABLES, 2 ** K), dtype=jnp.float32) * 0.1
    input_mask = _build_input_mask()
    return {"input": x, "lut_weights": lut_weights, "input_mask": input_mask}


def reference(input, lut_weights, input_mask):
    x = input
    B = x.shape[0]
    # --- Unfold (im2col), matching torch.nn.Unfold channel-major (c, kh, kw) ordering ---
    xp = jnp.pad(x, ((0, 0), (0, 0), (PAD, PAD), (PAD, PAD)))
    taps = [xp[:, :, i:i + OUT_H, j:j + OUT_W] for i in range(KH) for j in range(KW)]
    patches = jnp.stack(taps, axis=2)                      # [B, C, KH*KW, oH, oW]
    patches = patches.reshape(B, IN_C, KH, KW, OUT_H, OUT_W)
    patches = jnp.transpose(patches, (0, 4, 5, 1, 2, 3))   # [B, oH, oW, C, KH, KW]
    patches = patches.reshape(B, OUT_H * OUT_W, IN_C, KH, KW)
    # --- Expanded input gather via input_mask (the embedding-lookup-style gather) ---
    expanded = patches[:, :, input_mask[:, 0], input_mask[:, 1], input_mask[:, 2]]  # [B, L, TABLES*K]
    expanded = expanded.reshape(B, OUT_H * OUT_W, TABLES, K)
    # --- Differentiable LUT trainer (Lagrange/soft-LUT): mixture over 2^k entries ---
    p = jax.nn.sigmoid(expanded)                           # [B, L, T, K]
    ebits = ((jnp.arange(2 ** K)[:, None] >> jnp.arange(K)[None, :]) & 1).astype(p.dtype)  # [2^K, K]
    probs = jnp.prod(ebits[None, None, None] * p[..., None, :] + (1.0 - ebits[None, None, None]) * (1.0 - p[..., None, :]), axis=-1)  # [B, L, T, 2^K]
    out = jnp.einsum('blte,te->blt', probs, lut_weights)   # [B, L, TABLES]
    # --- Output folding exactly as in the torch module ---
    o = out.reshape(B, OUT_C, OUT_H, OUT_W, -1).sum(-1)
    o = o.reshape(B, OUT_H * OUT_W, -1)
    o = jnp.swapaxes(o, 1, 2)
    o = o.reshape(B, OUT_C, OUT_H, OUT_W)
    return o

if __name__ == "__main__":
    import jax
    _d = setup_inputs()
    print(jax.jit(kernel)(*tuple(_d.values())))

</pallas_src>

<mosaic_0001>
#map = affine_map<(d0, d1) -> (0)>
#map1 = affine_map<(d0, d1) -> (0, 0)>
module attributes {stable_mosaic.version = 14 : i64} {
  func.func @body(%arg0: i32, %arg1: i32, %arg2: memref<27648xi32, #tpu.memory_space<hbm>>, %arg3: memref<18432xf32, #tpu.memory_space<hbm>>, %arg4: memref<32x768xf32, #tpu.memory_space<hbm>>, %arg5: memref<864xi32, #tpu.memory_space<vmem>>, %arg6: memref<576xf32, #tpu.memory_space<vmem>>, %arg7: memref<768xf32, #tpu.memory_space<vmem>>, %arg8: memref<!tpu.dma_semaphore, #tpu.memory_space<semaphore_mem>>) attributes {dimension_semantics = [#tpu.dimension_semantics<core_parallel>, #tpu.dimension_semantics<subcore_parallel>], iteration_bounds = array<i64: 2, 16>, scalar_prefetch = 0 : i64, scratch_operands = 4 : i64, tpu.core_type = #tpu.core_type<sc_vector_subcore>, window_params = [{transform_indices = #map}, {transform_indices = #map}, {transform_indices = #map1}]} {
    %mul3A = arith.constant 2 : i32
    %mul3A_0 = arith.muli %arg1, %mul3A : i32
    %add3A = arith.addi %mul3A_0, %arg0 : i32
    %mul3A_1 = arith.constant 864 : i32
    %mul3A_2 = arith.muli %add3A, %mul3A_1 : i32
    %dma_start3A = tpu.memref_slice %arg2[%mul3A_2] : memref<27648xi32, #tpu.memory_space<hbm>> -> memref<864xi32, #tpu.memory_space<hbm>>
    %dma_start3A_3 = tpu.memref_slice %arg2[%mul3A_2] : memref<27648xi32, #tpu.memory_space<hbm>> -> memref<864xi32, #tpu.memory_space<hbm>>
    tpu.enqueue_dma source(%dma_start3A_3 : memref<864xi32, #tpu.memory_space<hbm>>) target(%arg5 : memref<864xi32, #tpu.memory_space<vmem>>) target_semaphore(%arg8 : memref<!tpu.dma_semaphore, #tpu.memory_space<semaphore_mem>>)
    %mul3A_4 = arith.constant 576 : i32
    %mul3A_5 = arith.muli %add3A, %mul3A_4 : i32
    %dma_start3A_6 = tpu.memref_slice %arg3[%mul3A_5] : memref<18432xf32, #tpu.memory_space<hbm>> -> memref<576xf32, #tpu.memory_space<hbm>>
    %dma_start3A_7 = tpu.memref_slice %arg3[%mul3A_5] : memref<18432xf32, #tpu.memory_space<hbm>> -> memref<576xf32, #tpu.memory_space<hbm>>
    tpu.enqueue_dma source(%dma_start3A_7 : memref<576xf32, #tpu.memory_space<hbm>>) target(%arg6 : memref<576xf32, #tpu.memory_space<vmem>>) target_semaphore(%arg8 : memref<!tpu.dma_semaphore, #tpu.memory_space<semaphore_mem>>)
    %broadcast_in_dim3A = arith.constant 0.000000e+00 : f32
    %broadcast_in_dim3A_8 = vector.broadcast %broadcast_in_dim3A : f32 to vector<16xf32>
    %swap3A = arith.constant 0 : index
    %swap3A_9 = tpu.vector_load %arg7[%swap3A] {strides = array<i32>} : memref<768xf32, #tpu.memory_space<vmem>>, vector<16xf32>,
    tpu.vector_store %arg7[%swap3A], %broadcast_in_dim3A_8 {strides = array<i32>} : memref<768xf32, #tpu.memory_space<vmem>>, vector<16xf32>,
    %swap3A_10 = arith.constant 16 : index
    %swap3A_11 = tpu.vector_load %arg7[%swap3A_10] {strides = array<i32>} : memref<768xf32, #tpu.memory_space<vmem>>, vector<16xf32>,
    tpu.vector_store %arg7[%swap3A_10], %broadcast_in_dim3A_8 {strides = array<i32>} : memref<768xf32, #tpu.memory_space<vmem>>, vector<16xf32>,
    %swap3A_12 = arith.constant 32 : index
    %swap3A_13 = tpu.vector_load %arg7[%swap3A_12] {strides = array<i32>} : memref<768xf32, #tpu.memory_space<vmem>>, vector<16xf32>,
    tpu.vector_store %arg7[%swap3A_12], %broadcast_in_dim3A_8 {strides = array<i32>} : memref<768xf32, #tpu.memory_space<vmem>>, vector<16xf32>,
    %swap3A_14 = arith.constant 48 : index
    %swap3A_15 = tpu.vector_load %arg7[%swap3A_14] {strides = array<i32>} : memref<768xf32, #tpu.memory_space<vmem>>, vector<16xf32>,
    tpu.vector_store %arg7[%swap3A_14], %broadcast_in_dim3A_8 {strides = array<i32>} : memref<768xf32, #tpu.memory_space<vmem>>, vector<16xf32>,
    %swap3A_16 = arith.constant 64 : index
    %swap3A_17 = tpu.vector_load %arg7[%swap3A_16] {strides = array<i32>} : memref<768xf32, #tpu.memory_space<vmem>>, vector<16xf32>,
    tpu.vector_store %arg7[%swap3A_16], %broadcast_in_dim3A_8 {strides = array<i32>} : memref<768xf32, #tpu.memory_space<vmem>>, vector<16xf32>,
    %swap3A_18 = arith.constant 80 : index
    %swap3A_19 = tpu.vector_load %arg7[%swap3A_18] {strides = array<i32>} : memref<768xf32, #tpu.memory_space<vmem>>, vector<16xf32>,
    tpu.vector_store %arg7[%swap3A_18], %broadcast_in_dim3A_8 {strides = array<i32>} : memref<768xf32, #tpu.memory_space<vmem>>, vector<16xf32>,
    %swap3A_20 = arith.constant 96 : index
    %swap3A_21 = tpu.vector_load %arg7[%swap3A_20] {strides = array<i32>} : memref<768xf32, #tpu.memory_space<vmem>>, vector<16xf32>,
    tpu.vector_store %arg7[%swap3A_20], %broadcast_in_dim3A_8 {strides = array<i32>} : memref<768xf32, #tpu.memory_space<vmem>>, vector<16xf32>,
    %swap3A_22 = arith.constant 112 : index
    %swap3A_23 = tpu.vector_load %arg7[%swap3A_22] {strides = array<i32>} : memref<768xf32, #tpu.memory_space<vmem>>, vector<16xf32>,
    tpu.vector_store %arg7[%swap3A_22], %broadcast_in_dim3A_8 {strides = array<i32>} : memref<768xf32, #tpu.memory_space<vmem>>, vector<16xf32>,
    %swap3A_24 = arith.constant 128 : index
    %swap3A_25 = tpu.vector_load %arg7[%swap3A_24] {strides = array<i32>} : memref<768xf32, #tpu.memory_space<vmem>>, vector<16xf32>,
    tpu.vector_store %arg7[%swap3A_24], %broadcast_in_dim3A_8 {strides = array<i32>} : memref<768xf32, #tpu.memory_space<vmem>>, vector<16xf32>,
    %swap3A_26 = arith.constant 144 : index
    %swap3A_27 = tpu.vector_load %arg7[%swap3A_26] {strides = array<i32>} : memref<768xf32, #tpu.memory_space<vmem>>, vector<16xf32>,
    tpu.vector_store %arg7[%swap3A_26], %broadcast_in_dim3A_8 {strides = array<i32>} : memref<768xf32, #tpu.memory_space<vmem>>, vector<16xf32>,
    %swap3A_28 = arith.constant 160 : index
    %swap3A_29 = tpu.vector_load %arg7[%swap3A_28] {strides = array<i32>} : memref<768xf32, #tpu.memory_space<vmem>>, vector<16xf32>,
    tpu.vector_store %arg7[%swap3A_28], %broadcast_in_dim3A_8 {strides = array<i32>} : memref<768xf32, #tpu.memory_space<vmem>>, vector<16xf32>,
    %swap3A_30 = arith.constant 176 : index
    %swap3A_31 = tpu.vector_load %arg7[%swap3A_30] {strides = array<i32>} : memref<768xf32, #tpu.memory_space<vmem>>, vector<16xf32>,
    tpu.vector_store %arg7[%swap3A_30], %broadcast_in_dim3A_8 {strides = array<i32>} : memref<768xf32, #tpu.memory_space<vmem>>, vector<16xf32>,
    %swap3A_32 = arith.constant 192 : index
    %swap3A_33 = tpu.vector_load %arg7[%swap3A_32] {strides = array<i32>} : memref<768xf32, #tpu.memory_space<vmem>>, vector<16xf32>,
    tpu.vector_store %arg7[%swap3A_32], %broadcast_in_dim3A_8 {strides = array<i32>} : memref<768xf32, #tpu.memory_space<vmem>>, vector<16xf32>,
    %swap3A_34 = arith.constant 208 : index
    %swap3A_35 = tpu.vector_load %arg7[%swap3A_34] {strides = array<i32>} : memref<768xf32, #tpu.memory_space<vmem>>, vector<16xf32>,
    tpu.vector_store %arg7[%swap3A_34], %broadcast_in_dim3A_8 {strides = array<i32>} : memref<768xf32, #tpu.memory_space<vmem>>, vector<16xf32>,
    %swap3A_36 = arith.constant 224 : index
    %swap3A_37 = tpu.vector_load %arg7[%swap3A_36] {strides = array<i32>} : memref<768xf32, #tpu.memory_space<vmem>>, vector<16xf32>,
    tpu.vector_store %arg7[%swap3A_36], %broadcast_in_dim3A_8 {strides = array<i32>} : memref<768xf32, #tpu.memory_space<vmem>>, vector<16xf32>,
    %swap3A_38 = arith.constant 240 : index
    %swap3A_39 = tpu.vector_load %arg7[%swap3A_38] {strides = array<i32>} : memref<768xf32, #tpu.memory_space<vmem>>, vector<16xf32>,
    tpu.vector_store %arg7[%swap3A_38], %broadcast_in_dim3A_8 {strides = array<i32>} : memref<768xf32, #tpu.memory_space<vmem>>, vector<16xf32>,
    %swap3A_40 = arith.constant 256 : index
    %swap3A_41 = tpu.vector_load %arg7[%swap3A_40] {strides = array<i32>} : memref<768xf32, #tpu.memory_space<vmem>>, vector<16xf32>,
    tpu.vector_store %arg7[%swap3A_40], %broadcast_in_dim3A_8 {strides = array<i32>} : memref<768xf32, #tpu.memory_space<vmem>>, vector<16xf32>,
    %swap3A_42 = arith.constant 272 : index
    %swap3A_43 = tpu.vector_load %arg7[%swap3A_42] {strides = array<i32>} : memref<768xf32, #tpu.memory_space<vmem>>, vector<16xf32>,
    tpu.vector_store %arg7[%swap3A_42], %broadcast_in_dim3A_8 {strides = array<i32>} : memref<768xf32, #tpu.memory_space<vmem>>, vector<16xf32>,
    %swap3A_44 = arith.constant 288 : index
    %swap3A_45 = tpu.vector_load %arg7[%swap3A_44] {strides = array<i32>} : memref<768xf32, #tpu.memory_space<vmem>>, vector<16xf32>,
    tpu.vector_store %arg7[%swap3A_44], %broadcast_in_dim3A_8 {strides = array<i32>} : memref<768xf32, #tpu.memory_space<vmem>>, vector<16xf32>,
    %swap3A_46 = arith.constant 304 : index
    %swap3A_47 = tpu.vector_load %arg7[%swap3A_46] {strides = array<i32>} : memref<768xf32, #tpu.memory_space<vmem>>, vector<16xf32>,
    tpu.vector_store %arg7[%swap3A_46], %broadcast_in_dim3A_8 {strides = array<i32>} : memref<768xf32, #tpu.memory_space<vmem>>, vector<16xf32>,
    %swap3A_48 = arith.constant 320 : index
    %swap3A_49 = tpu.vector_load %arg7[%swap3A_48] {strides = array<i32>} : memref<768xf32, #tpu.memory_space<vmem>>, vector<16xf32>,
    tpu.vector_store %arg7[%swap3A_48], %broadcast_in_dim3A_8 {strides = array<i32>} : memref<768xf32, #tpu.memory_space<vmem>>, vector<16xf32>,
    %swap3A_50 = arith.constant 336 : index
    %swap3A_51 = tpu.vector_load %arg7[%swap3A_50] {strides = array<i32>} : memref<768xf32, #tpu.memory_space<vmem>>, vector<16xf32>,
    tpu.vector_store %arg7[%swap3A_50], %broadcast_in_dim3A_8 {strides = array<i32>} : memref<768xf32, #tpu.memory_space<vmem>>, vector<16xf32>,
    %swap3A_52 = arith.constant 352 : index
    %swap3A_53 = tpu.vector_load %arg7[%swap3A_52] {strides = array<i32>} : memref<768xf32, #tpu.memory_space<vmem>>, vector<16xf32>,
    tpu.vector_store %arg7[%swap3A_52], %broadcast_in_dim3A_8 {strides = array<i32>} : memref<768xf32, #tpu.memory_space<vmem>>, vector<16xf32>,
    %swap3A_54 = arith.constant 368 : index
    %swap3A_55 = tpu.vector_load %arg7[%swap3A_54] {strides = array<i32>} : memref<768xf32, #tpu.memory_space<vmem>>, vector<16xf32>,
    tpu.vector_store %arg7[%swap3A_54], %broadcast_in_dim3A_8 {strides = array<i32>} : memref<768xf32, #tpu.memory_space<vmem>>, vector<16xf32>,
    %swap3A_56 = arith.constant 384 : index
    %swap3A_57 = tpu.vector_load %arg7[%swap3A_56] {strides = array<i32>} : memref<768xf32, #tpu.memory_space<vmem>>, vector<16xf32>,
    tpu.vector_store %arg7[%swap3A_56], %broadcast_in_dim3A_8 {strides = array<i32>} : memref<768xf32, #tpu.memory_space<vmem>>, vector<16xf32>,
    %swap3A_58 = arith.constant 400 : index
    %swap3A_59 = tpu.vector_load %arg7[%swap3A_58] {strides = array<i32>} : memref<768xf32, #tpu.memory_space<vmem>>, vector<16xf32>,
    tpu.vector_store %arg7[%swap3A_58], %broadcast_in_dim3A_8 {strides = array<i32>} : memref<768xf32, #tpu.memory_space<vmem>>, vector<16xf32>,
    %swap3A_60 = arith.constant 416 : index
    %swap3A_61 = tpu.vector_load %arg7[%swap3A_60] {strides = array<i32>} : memref<768xf32, #tpu.memory_space<vmem>>, vector<16xf32>,
    tpu.vector_store %arg7[%swap3A_60], %broadcast_in_dim3A_8 {strides = array<i32>} : memref<768xf32, #tpu.memory_space<vmem>>, vector<16xf32>,
    %swap3A_62 = arith.constant 432 : index
    %swap3A_63 = tpu.vector_load %arg7[%swap3A_62] {strides = array<i32>} : memref<768xf32, #tpu.memory_space<vmem>>, vector<16xf32>,
    tpu.vector_store %arg7[%swap3A_62], %broadcast_in_dim3A_8 {strides = array<i32>} : memref<768xf32, #tpu.memory_space<vmem>>, vector<16xf32>,
    %swap3A_64 = arith.constant 448 : index
    %swap3A_65 = tpu.vector_load %arg7[%swap3A_64] {strides = array<i32>} : memref<768xf32, #tpu.memory_space<vmem>>, vector<16xf32>,
    tpu.vector_store %arg7[%swap3A_64], %broadcast_in_dim3A_8 {strides = array<i32>} : memref<768xf32, #tpu.memory_space<vmem>>, vector<16xf32>,
    %swap3A_66 = arith.constant 464 : index
    %swap3A_67 = tpu.vector_load %arg7[%swap3A_66] {strides = array<i32>} : memref<768xf32, #tpu.memory_space<vmem>>, vector<16xf32>,
    tpu.vector_store %arg7[%swap3A_66], %broadcast_in_dim3A_8 {strides = array<i32>} : memref<768xf32, #tpu.memory_space<vmem>>, vector<16xf32>,
    %swap3A_68 = arith.constant 480 : index
    %swap3A_69 = tpu.vector_load %arg7[%swap3A_68] {strides = array<i32>} : memref<768xf32, #tpu.memory_space<vmem>>, vector<16xf32>,
    tpu.vector_store %arg7[%swap3A_68], %broadcast_in_dim3A_8 {strides = array<i32>} : memref<768xf32, #tpu.memory_space<vmem>>, vector<16xf32>,
    %swap3A_70 = arith.constant 496 : index
    %swap3A_71 = tpu.vector_load %arg7[%swap3A_70] {strides = array<i32>} : memref<768xf32, #tpu.memory_space<vmem>>, vector<16xf32>,
    tpu.vector_store %arg7[%swap3A_70], %broadcast_in_dim3A_8 {strides = array<i32>} : memref<768xf32, #tpu.memory_space<vmem>>, vector<16xf32>,
    %swap3A_72 = arith.constant 512 : index
    %swap3A_73 = tpu.vector_load %arg7[%swap3A_72] {strides = array<i32>} : memref<768xf32, #tpu.memory_space<vmem>>, vector<16xf32>,
    tpu.vector_store %arg7[%swap3A_72], %broadcast_in_dim3A_8 {strides = array<i32>} : memref<768xf32, #tpu.memory_space<vmem>>, vector<16xf32>,
    %swap3A_74 = arith.constant 528 : index
    %swap3A_75 = tpu.vector_load %arg7[%swap3A_74] {strides = array<i32>} : memref<768xf32, #tpu.memory_space<vmem>>, vector<16xf32>,
    tpu.vector_store %arg7[%swap3A_74], %broadcast_in_dim3A_8 {strides = array<i32>} : memref<768xf32, #tpu.memory_space<vmem>>, vector<16xf32>,
    %swap3A_76 = arith.constant 544 : index
    %swap3A_77 = tpu.vector_load %arg7[%swap3A_76] {strides = array<i32>} : memref<768xf32, #tpu.memory_space<vmem>>, vector<16xf32>,
    tpu.vector_store %arg7[%swap3A_76], %broadcast_in_dim3A_8 {strides = array<i32>} : memref<768xf32, #tpu.memory_space<vmem>>, vector<16xf32>,
    %swap3A_78 = arith.constant 560 : index
    %swap3A_79 = tpu.vector_load %arg7[%swap3A_78] {strides = array<i32>} : memref<768xf32, #tpu.memory_space<vmem>>, vector<16xf32>,
    tpu.vector_store %arg7[%swap3A_78], %broadcast_in_dim3A_8 {strides = array<i32>} : memref<768xf32, #tpu.memory_space<vmem>>, vector<16xf32>,
    %swap3A_80 = arith.constant 576 : index
    %swap3A_81 = tpu.vector_load %arg7[%swap3A_80] {strides = array<i32>} : memref<768xf32, #tpu.memory_space<vmem>>, vector<16xf32>,
    tpu.vector_store %arg7[%swap3A_80], %broadcast_in_dim3A_8 {strides = array<i32>} : memref<768xf32, #tpu.memory_space<vmem>>, vector<16xf32>,
    %swap3A_82 = arith.constant 592 : index
    %swap3A_83 = tpu.vector_load %arg7[%swap3A_82] {strides = array<i32>} : memref<768xf32, #tpu.memory_space<vmem>>, vector<16xf32>,
    tpu.vector_store %arg7[%swap3A_82], %broadcast_in_dim3A_8 {strides = array<i32>} : memref<768xf32, #tpu.memory_space<vmem>>, vector<16xf32>,
    %swap3A_84 = arith.constant 608 : index
    %swap3A_85 = tpu.vector_load %arg7[%swap3A_84] {strides = array<i32>} : memref<768xf32, #tpu.memory_space<vmem>>, vector<16xf32>,
    tpu.vector_store %arg7[%swap3A_84], %broadcast_in_dim3A_8 {strides = array<i32>} : memref<768xf32, #tpu.memory_space<vmem>>, vector<16xf32>,
    %swap3A_86 = arith.constant 624 : index
    %swap3A_87 = tpu.vector_load %arg7[%swap3A_86] {strides = array<i32>} : memref<768xf32, #tpu.memory_space<vmem>>, vector<16xf32>,
    tpu.vector_store %arg7[%swap3A_86], %broadcast_in_dim3A_8 {strides = array<i32>} : memref<768xf32, #tpu.memory_space<vmem>>, vector<16xf32>,
    %swap3A_88 = arith.constant 640 : index
    %swap3A_89 = tpu.vector_load %arg7[%swap3A_88] {strides = array<i32>} : memref<768xf32, #tpu.memory_space<vmem>>, vector<16xf32>,
    tpu.vector_store %arg7[%swap3A_88], %broadcast_in_dim3A_8 {strides = array<i32>} : memref<768xf32, #tpu.memory_space<vmem>>, vector<16xf32>,
    %swap3A_90 = arith.constant 656 : index
    %swap3A_91 = tpu.vector_load %arg7[%swap3A_90] {strides = array<i32>} : memref<768xf32, #tpu.memory_space<vmem>>, vector<16xf32>,
    tpu.vector_store %arg7[%swap3A_90], %broadcast_in_dim3A_8 {strides = array<i32>} : memref<768xf32, #tpu.memory_space<vmem>>, vector<16xf32>,
    %swap3A_92 = arith.constant 672 : index
    %swap3A_93 = tpu.vector_load %arg7[%swap3A_92] {strides = array<i32>} : memref<768xf32, #tpu.memory_space<vmem>>, vector<16xf32>,
    tpu.vector_store %arg7[%swap3A_92], %broadcast_in_dim3A_8 {strides = array<i32>} : memref<768xf32, #tpu.memory_space<vmem>>, vector<16xf32>,
    %swap3A_94 = arith.constant 688 : index
    %swap3A_95 = tpu.vector_load %arg7[%swap3A_94] {strides = array<i32>} : memref<768xf32, #tpu.memory_space<vmem>>, vector<16xf32>,
    tpu.vector_store %arg7[%swap3A_94], %broadcast_in_dim3A_8 {strides = array<i32>} : memref<768xf32, #tpu.memory_space<vmem>>, vector<16xf32>,
    %swap3A_96 = arith.constant 704 : index
    %swap3A_97 = tpu.vector_load %arg7[%swap3A_96] {strides = array<i32>} : memref<768xf32, #tpu.memory_space<vmem>>, vector<16xf32>,
    tpu.vector_store %arg7[%swap3A_96], %broadcast_in_dim3A_8 {strides = array<i32>} : memref<768xf32, #tpu.memory_space<vmem>>, vector<16xf32>,
    %swap3A_98 = arith.constant 720 : index
    %swap3A_99 = tpu.vector_load %arg7[%swap3A_98] {strides = array<i32>} : memref<768xf32, #tpu.memory_space<vmem>>, vector<16xf32>,
    tpu.vector_store %arg7[%swap3A_98], %broadcast_in_dim3A_8 {strides = array<i32>} : memref<768xf32, #tpu.memory_space<vmem>>, vector<16xf32>,
    %swap3A_100 = arith.constant 736 : index
    %swap3A_101 = tpu.vector_load %arg7[%swap3A_100] {strides = array<i32>} : memref<768xf32, #tpu.memory_space<vmem>>, vector<16xf32>,
    tpu.vector_store %arg7[%swap3A_100], %broadcast_in_dim3A_8 {strides = array<i32>} : memref<768xf32, #tpu.memory_space<vmem>>, vector<16xf32>,
    %swap3A_102 = arith.constant 752 : index
    %swap3A_103 = tpu.vector_load %arg7[%swap3A_102] {strides = array<i32>} : memref<768xf32, #tpu.memory_space<vmem>>, vector<16xf32>,
    tpu.vector_store %arg7[%swap3A_102], %broadcast_in_dim3A_8 {strides = array<i32>} : memref<768xf32, #tpu.memory_space<vmem>>, vector<16xf32>,
    %dma_wait3A = tpu.memref_slice %arg2[%mul3A_2] : memref<27648xi32, #tpu.memory_space<hbm>> -> memref<864xi32, #tpu.memory_space<hbm>>
    %dma_wait3A_104 = tpu.memref_slice %arg2[%mul3A_2] : memref<27648xi32, #tpu.memory_space<hbm>> -> memref<864xi32, #tpu.memory_space<hbm>>
    tpu.wait_dma2 semaphore(%arg8 : memref<!tpu.dma_semaphore, #tpu.memory_space<semaphore_mem>>) src(%dma_wait3A_104 : memref<864xi32, #tpu.memory_space<hbm>>) dst(%arg5 : memref<864xi32, #tpu.memory_space<vmem>>)
    %dma_wait3A_105 = tpu.memref_slice %arg3[%mul3A_5] : memref<18432xf32, #tpu.memory_space<hbm>> -> memref<576xf32, #tpu.memory_space<hbm>>
    %dma_wait3A_106 = tpu.memref_slice %arg3[%mul3A_5] : memref<18432xf32, #tpu.memory_space<hbm>> -> memref<576xf32, #tpu.memory_space<hbm>>
    tpu.wait_dma2 semaphore(%arg8 : memref<!tpu.dma_semaphore, #tpu.memory_space<semaphore_mem>>) src(%dma_wait3A_106 : memref<576xf32, #tpu.memory_space<hbm>>) dst(%arg6 : memref<576xf32, #tpu.memory_space<vmem>>)
    %iota3A = tpu.iota {dimensions = array<i32: 0>} : vector<16xi32>
    %mul3A_107 = arith.constant 9 : i32
    %mul3A_108 = vector.broadcast %mul3A_107 : i32 to vector<16xi32>
    %mul3A_109 = arith.muli %iota3A, %mul3A_108 : vector<16xi32>
    %add3A_110 = arith.constant 0 : i32
    %add3A_111 = vector.broadcast %add3A_110 : i32 to vector<16xi32>
    %add3A_112 = arith.addi %mul3A_109, %add3A_111 : vector<16xi32>
    %mul3A_113 = arith.constant 6 : i32
    %mul3A_114 = vector.broadcast %mul3A_113 : i32 to vector<16xi32>
    %mul3A_115 = arith.muli %add3A_112, %mul3A_114 : vector<16xi32>
    %gather3A = tpu.vector_load_idx %arg5[%mul3A_115] : memref<864xi32, #tpu.memory_space<vmem>>[vector<16xi32>], vector<16xi32>,
    %add3A_116 = arith.constant 1 : i32
    %add3A_117 = vector.broadcast %add3A_116 : i32 to vector<16xi32>
    %add3A_118 = arith.addi %mul3A_115, %add3A_117 : vector<16xi32>
    %gather3A_119 = tpu.vector_load_idx %arg5[%add3A_118] : memref<864xi32, #tpu.memory_space<vmem>>[vector<16xi32>], vector<16xi32>,
    %add3A_120 = arith.constant 2 : i32
    %add3A_121 = vector.broadcast %add3A_120 : i32 to vector<16xi32>
    %add3A_122 = arith.addi %mul3A_115, %add3A_121 : vector<16xi32>
    %gather3A_123 = tpu.vector_load_idx %arg5[%add3A_122] : memref<864xi32, #tpu.memory_space<vmem>>[vector<16xi32>], vector<16xi32>,
    %add3A_124 = arith.constant 4 : i32
    %add3A_125 = vector.broadcast %add3A_124 : i32 to vector<16xi32>
    %add3A_126 = arith.addi %mul3A_115, %add3A_125 : vector<16xi32>
    %gather3A_127 = tpu.vector_load_idx %arg5[%add3A_126] : memref<864xi32, #tpu.memory_space<vmem>>[vector<16xi32>], vector<16xi32>,
    %add3A_128 = arith.constant 5 : i32
    %add3A_129 = vector.broadcast %add3A_128 : i32 to vector<16xi32>
    %add3A_130 = arith.addi %mul3A_115, %add3A_129 : vector<16xi32>
    %gather3A_131 = tpu.vector_load_idx %arg5[%add3A_130] : memref<864xi32, #tpu.memory_space<vmem>>[vector<16xi32>], vector<16xi32>,
    %mul3A_132 = arith.constant 4 : i32
    %mul3A_133 = vector.broadcast %mul3A_132 : i32 to vector<16xi32>
    %mul3A_134 = arith.muli %add3A_112, %mul3A_133 : vector<16xi32>
    %gather3A_135 = tpu.vector_load_idx %arg6[%mul3A_134] : memref<576xf32, #tpu.memory_space<vmem>>[vector<16xi32>], vector<16xf32>,
    %add3A_136 = arith.constant 1 : i32
    %add3A_137 = vector.broadcast %add3A_136 : i32 to vector<16xi32>
    %add3A_138 = arith.addi %mul3A_134, %add3A_137 : vector<16xi32>
    %gather3A_139 = tpu.vector_load_idx %arg6[%add3A_138] : memref<576xf32, #tpu.memory_space<vmem>>[vector<16xi32>], vector<16xf32>,
    %add3A_140 = arith.constant 2 : i32
    %add3A_141 = vector.broadcast %add3A_140 : i32 to vector<16xi32>
    %add3A_142 = arith.addi %mul3A_134, %add3A_141 : vector<16xi32>
    %gather3A_143 = tpu.vector_load_idx %arg6[%add3A_142] : memref<576xf32, #tpu.memory_space<vmem>>[vector<16xi32>], vector<16xf32>,
    %add3A_144 = arith.constant 3 : i32
    %add3A_145 = vector.broadcast %add3A_144 : i32 to vector<16xi32>
    %add3A_146 = arith.addi %mul3A_134, %add3A_145 : vector<16xi32>
    %gather3A_147 = tpu.vector_load_idx %arg6[%add3A_146] : memref<576xf32, #tpu.memory_space<vmem>>[vector<16xi32>], vector<16xf32>,
    %mul3A_148 = arith.constant 3 : i32
    %mul3A_149 = vector.broadcast %mul3A_148 : i32 to vector<16xi32>
    %mul3A_150 = arith.muli %gather3A_119, %mul3A_149 : vector<16xi32>
    %add3A_151 = arith.addi %mul3A_150, %gather3A_123 : vector<16xi32>
    %mul3A_152 = arith.constant 3 : i32
    %mul3A_153 = vector.broadcast %mul3A_152 : i32 to vector<16xi32>
    %mul3A_154 = arith.muli %gather3A_127, %mul3A_153 : vector<16xi32>
    %add3A_155 = arith.addi %mul3A_154, %gather3A_131 : vector<16xi32>
    %add3A_156 = arith.addf %broadcast_in_dim3A_8, %gather3A_135 : vector<16xf32>
    %min3A = arith.minsi %add3A_151, %add3A_155 : vector<16xi32>
    %max3A = arith.maxsi %add3A_151, %add3A_155 : vector<16xi32>
    %mul3A_157 = arith.constant 8 : i32
    %mul3A_158 = vector.broadcast %mul3A_157 : i32 to vector<16xi32>
    %mul3A_159 = arith.muli %min3A, %mul3A_158 : vector<16xi32>
    %add3A_160 = arith.constant 9 : i32
    %add3A_161 = vector.broadcast %add3A_160 : i32 to vector<16xi32>
    %add3A_162 = arith.addi %add3A_161, %mul3A_159 : vector<16xi32>
    %sub3A = arith.constant 1 : i32
    %sub3A_163 = vector.broadcast %sub3A : i32 to vector<16xi32>
    %sub3A_164 = arith.subi %min3A, %sub3A_163 : vector<16xi32>
    %mul3A_165 = arith.muli %min3A, %sub3A_164 : vector<16xi32>
    %shift_right_arithmetic3A = arith.constant 1 : i32
    %shift_right_arithmetic3A_166 = vector.broadcast %shift_right_arithmetic3A : i32 to vector<16xi32>
    %shift_right_arithmetic3A_167 = arith.shrsi %mul3A_165, %shift_right_arithmetic3A_166 : vector<16xi32>
    %sub3A_168 = arith.subi %add3A_162, %shift_right_arithmetic3A_167 : vector<16xi32>
    %sub3A_169 = arith.subi %max3A, %min3A : vector<16xi32>
    %sub3A_170 = arith.constant 1 : i32
    %sub3A_171 = vector.broadcast %sub3A_170 : i32 to vector<16xi32>
    %sub3A_172 = arith.subi %sub3A_169, %sub3A_171 : vector<16xi32>
    %add3A_173 = arith.addi %sub3A_168, %sub3A_172 : vector<16xi32>
    %mul3A_174 = arith.constant 16 : i32
    %mul3A_175 = vector.broadcast %mul3A_174 : i32 to vector<16xi32>
    %mul3A_176 = arith.muli %add3A_151, %mul3A_175 : vector<16xi32>
    %add3A_177 = arith.addi %mul3A_176, %gather3A : vector<16xi32>
    %sub3A_178 = arith.subf %gather3A_139, %gather3A_135 : vector<16xf32>
    tpu.vector_store_idx %arg7[%add3A_177], %sub3A_178 {add = true} : memref<768xf32, #tpu.memory_space<vmem>>[vector<16xi32>], vector<16xf32>,
    %mul3A_179 = arith.constant 16 : i32
    %mul3A_180 = vector.broadcast %mul3A_179 : i32 to vector<16xi32>
    %mul3A_181 = arith.muli %add3A_155, %mul3A_180 : vector<16xi32>
    %add3A_182 = arith.addi %mul3A_181, %gather3A : vector<16xi32>
    %sub3A_183 = arith.subf %gather3A_143, %gather3A_135 : vector<16xf32>
    tpu.vector_store_idx %arg7[%add3A_182], %sub3A_183 {add = true} : memref<768xf32, #tpu.memory_space<vmem>>[vector<16xi32>], vector<16xf32>,
    %mul3A_184 = arith.constant 16 : i32
    %mul3A_185 = vector.broadcast %mul3A_184 : i32 to vector<16xi32>
    %mul3A_186 = arith.muli %add3A_173, %mul3A_185 : vector<16xi32>
    %add3A_187 = arith.addi %mul3A_186, %gather3A : vector<16xi32>
    %sub3A_188 = arith.subf %gather3A_135, %gather3A_139 : vector<16xf32>
    %sub3A_189 = arith.subf %sub3A_188, %gather3A_143 : vector<16xf32>
    %add3A_190 = arith.addf %sub3A_189, %gather3A_147 : vector<16xf32>
    tpu.vector_store_idx %arg7[%add3A_187], %add3A_190 {add = true} : memref<768xf32, #tpu.memory_space<vmem>>[vector<16xi32>], vector<16xf32>,
    %mul3A_191 = arith.constant 9 : i32
    %mul3A_192 = vector.broadcast %mul3A_191 : i32 to vector<16xi32>
    %mul3A_193 = arith.muli %iota3A, %mul3A_192 : vector<16xi32>
    %add3A_194 = arith.constant 1 : i32
    %add3A_195 = vector.broadcast %add3A_194 : i32 to vector<16xi32>
    %add3A_196 = arith.addi %mul3A_193, %add3A_195 : vector<16xi32>
    %mul3A_197 = arith.constant 6 : i32
    %mul3A_198 = vector.broadcast %mul3A_197 : i32 to vector<16xi32>
    %mul3A_199 = arith.muli %add3A_196, %mul3A_198 : vector<16xi32>
    %gather3A_200 = tpu.vector_load_idx %arg5[%mul3A_199] : memref<864xi32, #tpu.memory_space<vmem>>[vector<16xi32>], vector<16xi32>,
    %add3A_201 = arith.constant 1 : i32
    %add3A_202 = vector.broadcast %add3A_201 : i32 to vector<16xi32>
    %add3A_203 = arith.addi %mul3A_199, %add3A_202 : vector<16xi32>
    %gather3A_204 = tpu.vector_load_idx %arg5[%add3A_203] : memref<864xi32, #tpu.memory_space<vmem>>[vector<16xi32>], vector<16xi32>,
    %add3A_205 = arith.constant 2 : i32
    %add3A_206 = vector.broadcast %add3A_205 : i32 to vector<16xi32>
    %add3A_207 = arith.addi %mul3A_199, %add3A_206 : vector<16xi32>
    %gather3A_208 = tpu.vector_load_idx %arg5[%add3A_207] : memref<864xi32, #tpu.memory_space<vmem>>[vector<16xi32>], vector<16xi32>,
    %add3A_209 = arith.constant 4 : i32
    %add3A_210 = vector.broadcast %add3A_209 : i32 to vector<16xi32>
    %add3A_211 = arith.addi %mul3A_199, %add3A_210 : vector<16xi32>
    %gather3A_212 = tpu.vector_load_idx %arg5[%add3A_211] : memref<864xi32, #tpu.memory_space<vmem>>[vector<16xi32>], vector<16xi32>,
    %add3A_213 = arith.constant 5 : i32
    %add3A_214 = vector.broadcast %add3A_213 : i32 to vector<16xi32>
    %add3A_215 = arith.addi %mul3A_199, %add3A_214 : vector<16xi32>
    %gather3A_216 = tpu.vector_load_idx %arg5[%add3A_215] : memref<864xi32, #tpu.memory_space<vmem>>[vector<16xi32>], vector<16xi32>,
    %mul3A_217 = arith.constant 4 : i32
    %mul3A_218 = vector.broadcast %mul3A_217 : i32 to vector<16xi32>
    %mul3A_219 = arith.muli %add3A_196, %mul3A_218 : vector<16xi32>
    %gather3A_220 = tpu.vector_load_idx %arg6[%mul3A_219] : memref<576xf32, #tpu.memory_space<vmem>>[vector<16xi32>], vector<16xf32>,
    %add3A_221 = arith.constant 1 : i32
    %add3A_222 = vector.broadcast %add3A_221 : i32 to vector<16xi32>
    %add3A_223 = arith.addi %mul3A_219, %add3A_222 : vector<16xi32>
    %gather3A_224 = tpu.vector_load_idx %arg6[%add3A_223] : memref<576xf32, #tpu.memory_space<vmem>>[vector<16xi32>], vector<16xf32>,
    %add3A_225 = arith.constant 2 : i32
    %add3A_226 = vector.broadcast %add3A_225 : i32 to vector<16xi32>
    %add3A_227 = arith.addi %mul3A_219, %add3A_226 : vector<16xi32>
    %gather3A_228 = tpu.vector_load_idx %arg6[%add3A_227] : memref<576xf32, #tpu.memory_space<vmem>>[vector<16xi32>], vector<16xf32>,
    %add3A_229 = arith.constant 3 : i32
    %add3A_230 = vector.broadcast %add3A_229 : i32 to vector<16xi32>
    %add3A_231 = arith.addi %mul3A_219, %add3A_230 : vector<16xi32>
    %gather3A_232 = tpu.vector_load_idx %arg6[%add3A_231] : memref<576xf32, #tpu.memory_space<vmem>>[vector<16xi32>], vector<16xf32>,
    %mul3A_233 = arith.constant 3 : i32
    %mul3A_234 = vector.broadcast %mul3A_233 : i32 to vector<16xi32>
    %mul3A_235 = arith.muli %gather3A_204, %mul3A_234 : vector<16xi32>
    %add3A_236 = arith.addi %mul3A_235, %gather3A_208 : vector<16xi32>
    %mul3A_237 = arith.constant 3 : i32
    %mul3A_238 = vector.broadcast %mul3A_237 : i32 to vector<16xi32>
    %mul3A_239 = arith.muli %gather3A_212, %mul3A_238 : vector<16xi32>
    %add3A_240 = arith.addi %mul3A_239, %gather3A_216 : vector<16xi32>
    %add3A_241 = arith.addf %add3A_156, %gather3A_220 : vector<16xf32>
    %min3A_242 = arith.minsi %add3A_236, %add3A_240 : vector<16xi32>
    %max3A_243 = arith.maxsi %add3A_236, %add3A_240 : vector<16xi32>
    %mul3A_244 = arith.constant 8 : i32
    %mul3A_245 = vector.broadcast %mul3A_244 : i32 to vector<16xi32>
    %mul3A_246 = arith.muli %min3A_242, %mul3A_245 : vector<16xi32>
    %add3A_247 = arith.constant 9 : i32
    %add3A_248 = vector.broadcast %add3A_247 : i32 to vector<16xi32>
    %add3A_249 = arith.addi %add3A_248, %mul3A_246 : vector<16xi32>
    %sub3A_250 = arith.constant 1 : i32
    %sub3A_251 = vector.broadcast %sub3A_250 : i32 to vector<16xi32>
    %sub3A_252 = arith.subi %min3A_242, %sub3A_251 : vector<16xi32>
    %mul3A_253 = arith.muli %min3A_242, %sub3A_252 : vector<16xi32>
    %shift_right_arithmetic3A_254 = arith.constant 1 : i32
    %shift_right_arithmetic3A_255 = vector.broadcast %shift_right_arithmetic3A_254 : i32 to vector<16xi32>
    %shift_right_arithmetic3A_256 = arith.shrsi %mul3A_253, %shift_right_arithmetic3A_255 : vector<16xi32>
    %sub3A_257 = arith.subi %add3A_249, %shift_right_arithmetic3A_256 : vector<16xi32>
    %sub3A_258 = arith.subi %max3A_243, %min3A_242 : vector<16xi32>
    %sub3A_259 = arith.constant 1 : i32
    %sub3A_260 = vector.broadcast %sub3A_259 : i32 to vector<16xi32>
    %sub3A_261 = arith.subi %sub3A_258, %sub3A_260 : vector<16xi32>
    %add3A_262 = arith.addi %sub3A_257, %sub3A_261 : vector<16xi32>
    %mul3A_263 = arith.constant 16 : i32
    %mul3A_264 = vector.broadcast %mul3A_263 : i32 to vector<16xi32>
    %mul3A_265 = arith.muli %add3A_236, %mul3A_264 : vector<16xi32>
    %add3A_266 = arith.addi %mul3A_265, %gather3A_200 : vector<16xi32>
    %sub3A_267 = arith.subf %gather3A_224, %gather3A_220 : vector<16xf32>
    tpu.vector_store_idx %arg7[%add3A_266], %sub3A_267 {add = true} : memref<768xf32, #tpu.memory_space<vmem>>[vector<16xi32>], vector<16xf32>,
    %mul3A_268 = arith.constant 16 : i32
    %mul3A_269 = vector.broadcast %mul3A_268 : i32 to vector<16xi32>
    %mul3A_270 = arith.muli %add3A_240, %mul3A_269 : vector<16xi32>
    %add3A_271 = arith.addi %mul3A_270, %gather3A_200 : vector<16xi32>
    %sub3A_272 = arith.subf %gather3A_228, %gather3A_220 : vector<16xf32>
    tpu.vector_store_idx %arg7[%add3A_271], %sub3A_272 {add = true} : memref<768xf32, #tpu.memory_space<vmem>>[vector<16xi32>], vector<16xf32>,
    %mul3A_273 = arith.constant 16 : i32
    %mul3A_274 = vector.broadcast %mul3A_273 : i32 to vector<16xi32>
    %mul3A_275 = arith.muli %add3A_262, %mul3A_274 : vector<16xi32>
    %add3A_276 = arith.addi %mul3A_275, %gather3A_200 : vector<16xi32>
    %sub3A_277 = arith.subf %gather3A_220, %gather3A_224 : vector<16xf32>
    %sub3A_278 = arith.subf %sub3A_277, %gather3A_228 : vector<16xf32>
    %add3A_279 = arith.addf %sub3A_278, %gather3A_232 : vector<16xf32>
    tpu.vector_store_idx %arg7[%add3A_276], %add3A_279 {add = true} : memref<768xf32, #tpu.memory_space<vmem>>[vector<16xi32>], vector<16xf32>,
    %mul3A_280 = arith.constant 9 : i32
    %mul3A_281 = vector.broadcast %mul3A_280 : i32 to vector<16xi32>
    %mul3A_282 = arith.muli %iota3A, %mul3A_281 : vector<16xi32>
    %add3A_283 = arith.constant 2 : i32
    %add3A_284 = vector.broadcast %add3A_283 : i32 to vector<16xi32>
    %add3A_285 = arith.addi %mul3A_282, %add3A_284 : vector<16xi32>
    %mul3A_286 = arith.constant 6 : i32
    %mul3A_287 = vector.broadcast %mul3A_286 : i32 to vector<16xi32>
    %mul3A_288 = arith.muli %add3A_285, %mul3A_287 : vector<16xi32>
    %gather3A_289 = tpu.vector_load_idx %arg5[%mul3A_288] : memref<864xi32, #tpu.memory_space<vmem>>[vector<16xi32>], vector<16xi32>,
    %add3A_290 = arith.constant 1 : i32
    %add3A_291 = vector.broadcast %add3A_290 : i32 to vector<16xi32>
    %add3A_292 = arith.addi %mul3A_288, %add3A_291 : vector<16xi32>
    %gather3A_293 = tpu.vector_load_idx %arg5[%add3A_292] : memref<864xi32, #tpu.memory_space<vmem>>[vector<16xi32>], vector<16xi32>,
    %add3A_294 = arith.constant 2 : i32
    %add3A_295 = vector.broadcast %add3A_294 : i32 to vector<16xi32>
    %add3A_296 = arith.addi %mul3A_288, %add3A_295 : vector<16xi32>
    %gather3A_297 = tpu.vector_load_idx %arg5[%add3A_296] : memref<864xi32, #tpu.memory_space<vmem>>[vector<16xi32>], vector<16xi32>,
    %add3A_298 = arith.constant 4 : i32
    %add3A_299 = vector.broadcast %add3A_298 : i32 to vector<16xi32>
    %add3A_300 = arith.addi %mul3A_288, %add3A_299 : vector<16xi32>
    %gather3A_301 = tpu.vector_load_idx %arg5[%add3A_300] : memref<864xi32, #tpu.memory_space<vmem>>[vector<16xi32>], vector<16xi32>,
    %add3A_302 = arith.constant 5 : i32
    %add3A_303 = vector.broadcast %add3A_302 : i32 to vector<16xi32>
    %add3A_304 = arith.addi %mul3A_288, %add3A_303 : vector<16xi32>
    %gather3A_305 = tpu.vector_load_idx %arg5[%add3A_304] : memref<864xi32, #tpu.memory_space<vmem>>[vector<16xi32>], vector<16xi32>,
    %mul3A_306 = arith.constant 4 : i32
    %mul3A_307 = vector.broadcast %mul3A_306 : i32 to vector<16xi32>
    %mul3A_308 = arith.muli %add3A_285, %mul3A_307 : vector<16xi32>
    %gather3A_309 = tpu.vector_load_idx %arg6[%mul3A_308] : memref<576xf32, #tpu.memory_space<vmem>>[vector<16xi32>], vector<16xf32>,
    %add3A_310 = arith.constant 1 : i32
    %add3A_311 = vector.broadcast %add3A_310 : i32 to vector<16xi32>
    %add3A_312 = arith.addi %mul3A_308, %add3A_311 : vector<16xi32>
    %gather3A_313 = tpu.vector_load_idx %arg6[%add3A_312] : memref<576xf32, #tpu.memory_space<vmem>>[vector<16xi32>], vector<16xf32>,
    %add3A_314 = arith.constant 2 : i32
    %add3A_315 = vector.broadcast %add3A_314 : i32 to vector<16xi32>
    %add3A_316 = arith.addi %mul3A_308, %add3A_315 : vector<16xi32>
    %gather3A_317 = tpu.vector_load_idx %arg6[%add3A_316] : memref<576xf32, #tpu.memory_space<vmem>>[vector<16xi32>], vector<16xf32>,
    %add3A_318 = arith.constant 3 : i32
    %add3A_319 = vector.broadcast %add3A_318 : i32 to vector<16xi32>
    %add3A_320 = arith.addi %mul3A_308, %add3A_319 : vector<16xi32>
    %gather3A_321 = tpu.vector_load_idx %arg6[%add3A_320] : memref<576xf32, #tpu.memory_space<vmem>>[vector<16xi32>], vector<16xf32>,
    %mul3A_322 = arith.constant 3 : i32
    %mul3A_323 = vector.broadcast %mul3A_322 : i32 to vector<16xi32>
    %mul3A_324 = arith.muli %gather3A_293, %mul3A_323 : vector<16xi32>
    %add3A_325 = arith.addi %mul3A_324, %gather3A_297 : vector<16xi32>
    %mul3A_326 = arith.constant 3 : i32
    %mul3A_327 = vector.broadcast %mul3A_326 : i32 to vector<16xi32>
    %mul3A_328 = arith.muli %gather3A_301, %mul3A_327 : vector<16xi32>
    %add3A_329 = arith.addi %mul3A_328, %gather3A_305 : vector<16xi32>
    %add3A_330 = arith.addf %add3A_241, %gather3A_309 : vector<16xf32>
    %min3A_331 = arith.minsi %add3A_325, %add3A_329 : vector<16xi32>
    %max3A_332 = arith.maxsi %add3A_325, %add3A_329 : vector<16xi32>
    %mul3A_333 = arith.constant 8 : i32
    %mul3A_334 = vector.broadcast %mul3A_333 : i32 to vector<16xi32>
    %mul3A_335 = arith.muli %min3A_331, %mul3A_334 : vector<16xi32>
    %add3A_336 = arith.constant 9 : i32
    %add3A_337 = vector.broadcast %add3A_336 : i32 to vector<16xi32>
    %add3A_338 = arith.addi %add3A_337, %mul3A_335 : vector<16xi32>
    %sub3A_339 = arith.constant 1 : i32
    %sub3A_340 = vector.broadcast %sub3A_339 : i32 to vector<16xi32>
    %sub3A_341 = arith.subi %min3A_331, %sub3A_340 : vector<16xi32>
    %mul3A_342 = arith.muli %min3A_331, %sub3A_341 : vector<16xi32>
    %shift_right_arithmetic3A_343 = arith.constant 1 : i32
    %shift_right_arithmetic3A_344 = vector.broadcast %shift_right_arithmetic3A_343 : i32 to vector<16xi32>
    %shift_right_arithmetic3A_345 = arith.shrsi %mul3A_342, %shift_right_arithmetic3A_344 : vector<16xi32>
    %sub3A_346 = arith.subi %add3A_338, %shift_right_arithmetic3A_345 : vector<16xi32>
    %sub3A_347 = arith.subi %max3A_332, %min3A_331 : vector<16xi32>
    %sub3A_348 = arith.constant 1 : i32
    %sub3A_349 = vector.broadcast %sub3A_348 : i32 to vector<16xi32>
    %sub3A_350 = arith.subi %sub3A_347, %sub3A_349 : vector<16xi32>
    %add3A_351 = arith.addi %sub3A_346, %sub3A_350 : vector<16xi32>
    %mul3A_352 = arith.constant 16 : i32
    %mul3A_353 = vector.broadcast %mul3A_352 : i32 to vector<16xi32>
    %mul3A_354 = arith.muli %add3A_325, %mul3A_353 : vector<16xi32>
    %add3A_355 = arith.addi %mul3A_354, %gather3A_289 : vector<16xi32>
    %sub3A_356 = arith.subf %gather3A_313, %gather3A_309 : vector<16xf32>
    tpu.vector_store_idx %arg7[%add3A_355], %sub3A_356 {add = true} : memref<768xf32, #tpu.memory_space<vmem>>[vector<16xi32>], vector<16xf32>,
    %mul3A_357 = arith.constant 16 : i32
    %mul3A_358 = vector.broadcast %mul3A_357 : i32 to vector<16xi32>
    %mul3A_359 = arith.muli %add3A_329, %mul3A_358 : vector<16xi32>
    %add3A_360 = arith.addi %mul3A_359, %gather3A_289 : vector<16xi32>
    %sub3A_361 = arith.subf %gather3A_317, %gather3A_309 : vector<16xf32>
    tpu.vector_store_idx %arg7[%add3A_360], %sub3A_361 {add = true} : memref<768xf32, #tpu.memory_space<vmem>>[vector<16xi32>], vector<16xf32>,
    %mul3A_362 = arith.constant 16 : i32
    %mul3A_363 = vector.broadcast %mul3A_362 : i32 to vector<16xi32>
    %mul3A_364 = arith.muli %add3A_351, %mul3A_363 : vector<16xi32>
    %add3A_365 = arith.addi %mul3A_364, %gather3A_289 : vector<16xi32>
    %sub3A_366 = arith.subf %gather3A_309, %gather3A_313 : vector<16xf32>
    %sub3A_367 = arith.subf %sub3A_366, %gather3A_317 : vector<16xf32>
    %add3A_368 = arith.addf %sub3A_367, %gather3A_321 : vector<16xf32>
    tpu.vector_store_idx %arg7[%add3A_365], %add3A_368 {add = true} : memref<768xf32, #tpu.memory_space<vmem>>[vector<16xi32>], vector<16xf32>,
    %mul3A_369 = arith.constant 9 : i32
    %mul3A_370 = vector.broadcast %mul3A_369 : i32 to vector<16xi32>
    %mul3A_371 = arith.muli %iota3A, %mul3A_370 : vector<16xi32>
    %add3A_372 = arith.constant 3 : i32
    %add3A_373 = vector.broadcast %add3A_372 : i32 to vector<16xi32>
    %add3A_374 = arith.addi %mul3A_371, %add3A_373 : vector<16xi32>
    %mul3A_375 = arith.constant 6 : i32
    %mul3A_376 = vector.broadcast %mul3A_375 : i32 to vector<16xi32>
    %mul3A_377 = arith.muli %add3A_374, %mul3A_376 : vector<16xi32>
    %gather3A_378 = tpu.vector_load_idx %arg5[%mul3A_377] : memref<864xi32, #tpu.memory_space<vmem>>[vector<16xi32>], vector<16xi32>,
    %add3A_379 = arith.constant 1 : i32
    %add3A_380 = vector.broadcast %add3A_379 : i32 to vector<16xi32>
    %add3A_381 = arith.addi %mul3A_377, %add3A_380 : vector<16xi32>
    %gather3A_382 = tpu.vector_load_idx %arg5[%add3A_381] : memref<864xi32, #tpu.memory_space<vmem>>[vector<16xi32>], vector<16xi32>,
    %add3A_383 = arith.constant 2 : i32
    %add3A_384 = vector.broadcast %add3A_383 : i32 to vector<16xi32>
    %add3A_385 = arith.addi %mul3A_377, %add3A_384 : vector<16xi32>
    %gather3A_386 = tpu.vector_load_idx %arg5[%add3A_385] : memref<864xi32, #tpu.memory_space<vmem>>[vector<16xi32>], vector<16xi32>,
    %add3A_387 = arith.constant 4 : i32
    %add3A_388 = vector.broadcast %add3A_387 : i32 to vector<16xi32>
    %add3A_389 = arith.addi %mul3A_377, %add3A_388 : vector<16xi32>
    %gather3A_390 = tpu.vector_load_idx %arg5[%add3A_389] : memref<864xi32, #tpu.memory_space<vmem>>[vector<16xi32>], vector<16xi32>,
    %add3A_391 = arith.constant 5 : i32
    %add3A_392 = vector.broadcast %add3A_391 : i32 to vector<16xi32>
    %add3A_393 = arith.addi %mul3A_377, %add3A_392 : vector<16xi32>
    %gather3A_394 = tpu.vector_load_idx %arg5[%add3A_393] : memref<864xi32, #tpu.memory_space<vmem>>[vector<16xi32>], vector<16xi32>,
    %mul3A_395 = arith.constant 4 : i32
    %mul3A_396 = vector.broadcast %mul3A_395 : i32 to vector<16xi32>
    %mul3A_397 = arith.muli %add3A_374, %mul3A_396 : vector<16xi32>
    %gather3A_398 = tpu.vector_load_idx %arg6[%mul3A_397] : memref<576xf32, #tpu.memory_space<vmem>>[vector<16xi32>], vector<16xf32>,
    %add3A_399 = arith.constant 1 : i32
    %add3A_400 = vector.broadcast %add3A_399 : i32 to vector<16xi32>
    %add3A_401 = arith.addi %mul3A_397, %add3A_400 : vector<16xi32>
    %gather3A_402 = tpu.vector_load_idx %arg6[%add3A_401] : memref<576xf32, #tpu.memory_space<vmem>>[vector<16xi32>], vector<16xf32>,
    %add3A_403 = arith.constant 2 : i32
    %add3A_404 = vector.broadcast %add3A_403 : i32 to vector<16xi32>
    %add3A_405 = arith.addi %mul3A_397, %add3A_404 : vector<16xi32>
    %gather3A_406 = tpu.vector_load_idx %arg6[%add3A_405] : memref<576xf32, #tpu.memory_space<vmem>>[vector<16xi32>], vector<16xf32>,
    %add3A_407 = arith.constant 3 : i32
    %add3A_408 = vector.broadcast %add3A_407 : i32 to vector<16xi32>
    %add3A_409 = arith.addi %mul3A_397, %add3A_408 : vector<16xi32>
    %gather3A_410 = tpu.vector_load_idx %arg6[%add3A_409] : memref<576xf32, #tpu.memory_space<vmem>>[vector<16xi32>], vector<16xf32>,
    %mul3A_411 = arith.constant 3 : i32
    %mul3A_412 = vector.broadcast %mul3A_411 : i32 to vector<16xi32>
    %mul3A_413 = arith.muli %gather3A_382, %mul3A_412 : vector<16xi32>
    %add3A_414 = arith.addi %mul3A_413, %gather3A_386 : vector<16xi32>
    %mul3A_415 = arith.constant 3 : i32
    %mul3A_416 = vector.broadcast %mul3A_415 : i32 to vector<16xi32>
    %mul3A_417 = arith.muli %gather3A_390, %mul3A_416 : vector<16xi32>
    %add3A_418 = arith.addi %mul3A_417, %gather3A_394 : vector<16xi32>
    %add3A_419 = arith.addf %add3A_330, %gather3A_398 : vector<16xf32>
    %min3A_420 = arith.minsi %add3A_414, %add3A_418 : vector<16xi32>
    %max3A_421 = arith.maxsi %add3A_414, %add3A_418 : vector<16xi32>
    %mul3A_422 = arith.constant 8 : i32
    %mul3A_423 = vector.broadcast %mul3A_422 : i32 to vector<16xi32>
    %mul3A_424 = arith.muli %min3A_420, %mul3A_423 : vector<16xi32>
    %add3A_425 = arith.constant 9 : i32
    %add3A_426 = vector.broadcast %add3A_425 : i32 to vector<16xi32>
    %add3A_427 = arith.addi %add3A_426, %mul3A_424 : vector<16xi32>
    %sub3A_428 = arith.constant 1 : i32
    %sub3A_429 = vector.broadcast %sub3A_428 : i32 to vector<16xi32>
    %sub3A_430 = arith.subi %min3A_420, %sub3A_429 : vector<16xi32>
    %mul3A_431 = arith.muli %min3A_420, %sub3A_430 : vector<16xi32>
    %shift_right_arithmetic3A_432 = arith.constant 1 : i32
    %shift_right_arithmetic3A_433 = vector.broadcast %shift_right_arithmetic3A_432 : i32 to vector<16xi32>
    %shift_right_arithmetic3A_434 = arith.shrsi %mul3A_431, %shift_right_arithmetic3A_433 : vector<16xi32>
    %sub3A_435 = arith.subi %add3A_427, %shift_right_arithmetic3A_434 : vector<16xi32>
    %sub3A_436 = arith.subi %max3A_421, %min3A_420 : vector<16xi32>
    %sub3A_437 = arith.constant 1 : i32
    %sub3A_438 = vector.broadcast %sub3A_437 : i32 to vector<16xi32>
    %sub3A_439 = arith.subi %sub3A_436, %sub3A_438 : vector<16xi32>
    %add3A_440 = arith.addi %sub3A_435, %sub3A_439 : vector<16xi32>
    %mul3A_441 = arith.constant 16 : i32
    %mul3A_442 = vector.broadcast %mul3A_441 : i32 to vector<16xi32>
    %mul3A_443 = arith.muli %add3A_414, %mul3A_442 : vector<16xi32>
    %add3A_444 = arith.addi %mul3A_443, %gather3A_378 : vector<16xi32>
    %sub3A_445 = arith.subf %gather3A_402, %gather3A_398 : vector<16xf32>
    tpu.vector_store_idx %arg7[%add3A_444], %sub3A_445 {add = true} : memref<768xf32, #tpu.memory_space<vmem>>[vector<16xi32>], vector<16xf32>,
    %mul3A_446 = arith.constant 16 : i32
    %mul3A_447 = vector.broadcast %mul3A_446 : i32 to vector<16xi32>
    %mul3A_448 = arith.muli %add3A_418, %mul3A_447 : vector<16xi32>
    %add3A_449 = arith.addi %mul3A_448, %gather3A_378 : vector<16xi32>
    %sub3A_450 = arith.subf %gather3A_406, %gather3A_398 : vector<16xf32>
    tpu.vector_store_idx %arg7[%add3A_449], %sub3A_450 {add = true} : memref<768xf32, #tpu.memory_space<vmem>>[vector<16xi32>], vector<16xf32>,
    %mul3A_451 = arith.constant 16 : i32
    %mul3A_452 = vector.broadcast %mul3A_451 : i32 to vector<16xi32>
    %mul3A_453 = arith.muli %add3A_440, %mul3A_452 : vector<16xi32>
    %add3A_454 = arith.addi %mul3A_453, %gather3A_378 : vector<16xi32>
    %sub3A_455 = arith.subf %gather3A_398, %gather3A_402 : vector<16xf32>
    %sub3A_456 = arith.subf %sub3A_455, %gather3A_406 : vector<16xf32>
    %add3A_457 = arith.addf %sub3A_456, %gather3A_410 : vector<16xf32>
    tpu.vector_store_idx %arg7[%add3A_454], %add3A_457 {add = true} : memref<768xf32, #tpu.memory_space<vmem>>[vector<16xi32>], vector<16xf32>,
    %mul3A_458 = arith.constant 9 : i32
    %mul3A_459 = vector.broadcast %mul3A_458 : i32 to vector<16xi32>
    %mul3A_460 = arith.muli %iota3A, %mul3A_459 : vector<16xi32>
    %add3A_461 = arith.constant 4 : i32
    %add3A_462 = vector.broadcast %add3A_461 : i32 to vector<16xi32>
    %add3A_463 = arith.addi %mul3A_460, %add3A_462 : vector<16xi32>
    %mul3A_464 = arith.constant 6 : i32
    %mul3A_465 = vector.broadcast %mul3A_464 : i32 to vector<16xi32>
    %mul3A_466 = arith.muli %add3A_463, %mul3A_465 : vector<16xi32>
    %gather3A_467 = tpu.vector_load_idx %arg5[%mul3A_466] : memref<864xi32, #tpu.memory_space<vmem>>[vector<16xi32>], vector<16xi32>,
    %add3A_468 = arith.constant 1 : i32
    %add3A_469 = vector.broadcast %add3A_468 : i32 to vector<16xi32>
    %add3A_470 = arith.addi %mul3A_466, %add3A_469 : vector<16xi32>
    %gather3A_471 = tpu.vector_load_idx %arg5[%add3A_470] : memref<864xi32, #tpu.memory_space<vmem>>[vector<16xi32>], vector<16xi32>,
    %add3A_472 = arith.constant 2 : i32
    %add3A_473 = vector.broadcast %add3A_472 : i32 to vector<16xi32>
    %add3A_474 = arith.addi %mul3A_466, %add3A_473 : vector<16xi32>
    %gather3A_475 = tpu.vector_load_idx %arg5[%add3A_474] : memref<864xi32, #tpu.memory_space<vmem>>[vector<16xi32>], vector<16xi32>,
    %add3A_476 = arith.constant 4 : i32
    %add3A_477 = vector.broadcast %add3A_476 : i32 to vector<16xi32>
    %add3A_478 = arith.addi %mul3A_466, %add3A_477 : vector<16xi32>
    %gather3A_479 = tpu.vector_load_idx %arg5[%add3A_478] : memref<864xi32, #tpu.memory_space<vmem>>[vector<16xi32>], vector<16xi32>,
    %add3A_480 = arith.constant 5 : i32
    %add3A_481 = vector.broadcast %add3A_480 : i32 to vector<16xi32>
    %add3A_482 = arith.addi %mul3A_466, %add3A_481 : vector<16xi32>
    %gather3A_483 = tpu.vector_load_idx %arg5[%add3A_482] : memref<864xi32, #tpu.memory_space<vmem>>[vector<16xi32>], vector<16xi32>,
    %mul3A_484 = arith.constant 4 : i32
    %mul3A_485 = vector.broadcast %mul3A_484 : i32 to vector<16xi32>
    %mul3A_486 = arith.muli %add3A_463, %mul3A_485 : vector<16xi32>
    %gather3A_487 = tpu.vector_load_idx %arg6[%mul3A_486] : memref<576xf32, #tpu.memory_space<vmem>>[vector<16xi32>], vector<16xf32>,
    %add3A_488 = arith.constant 1 : i32
    %add3A_489 = vector.broadcast %add3A_488 : i32 to vector<16xi32>
    %add3A_490 = arith.addi %mul3A_486, %add3A_489 : vector<16xi32>
    %gather3A_491 = tpu.vector_load_idx %arg6[%add3A_490] : memref<576xf32, #tpu.memory_space<vmem>>[vector<16xi32>], vector<16xf32>,
    %add3A_492 = arith.constant 2 : i32
    %add3A_493 = vector.broadcast %add3A_492 : i32 to vector<16xi32>
    %add3A_494 = arith.addi %mul3A_486, %add3A_493 : vector<16xi32>
    %gather3A_495 = tpu.vector_load_idx %arg6[%add3A_494] : memref<576xf32, #tpu.memory_space<vmem>>[vector<16xi32>], vector<16xf32>,
    %add3A_496 = arith.constant 3 : i32
    %add3A_497 = vector.broadcast %add3A_496 : i32 to vector<16xi32>
    %add3A_498 = arith.addi %mul3A_486, %add3A_497 : vector<16xi32>
    %gather3A_499 = tpu.vector_load_idx %arg6[%add3A_498] : memref<576xf32, #tpu.memory_space<vmem>>[vector<16xi32>], vector<16xf32>,
    %mul3A_500 = arith.constant 3 : i32
    %mul3A_501 = vector.broadcast %mul3A_500 : i32 to vector<16xi32>
    %mul3A_502 = arith.muli %gather3A_471, %mul3A_501 : vector<16xi32>
    %add3A_503 = arith.addi %mul3A_502, %gather3A_475 : vector<16xi32>
    %mul3A_504 = arith.constant 3 : i32
    %mul3A_505 = vector.broadcast %mul3A_504 : i32 to vector<16xi32>
    %mul3A_506 = arith.muli %gather3A_479, %mul3A_505 : vector<16xi32>
    %add3A_507 = arith.addi %mul3A_506, %gather3A_483 : vector<16xi32>
    %add3A_508 = arith.addf %add3A_419, %gather3A_487 : vector<16xf32>
    %min3A_509 = arith.minsi %add3A_503, %add3A_507 : vector<16xi32>
    %max3A_510 = arith.maxsi %add3A_503, %add3A_507 : vector<16xi32>
    %mul3A_511 = arith.constant 8 : i32
    %mul3A_512 = vector.broadcast %mul3A_511 : i32 to vector<16xi32>
    %mul3A_513 = arith.muli %min3A_509, %mul3A_512 : vector<16xi32>
    %add3A_514 = arith.constant 9 : i32
    %add3A_515 = vector.broadcast %add3A_514 : i32 to vector<16xi32>
    %add3A_516 = arith.addi %add3A_515, %mul3A_513 : vector<16xi32>
    %sub3A_517 = arith.constant 1 : i32
    %sub3A_518 = vector.broadcast %sub3A_517 : i32 to vector<16xi32>
    %sub3A_519 = arith.subi %min3A_509, %sub3A_518 : vector<16xi32>
    %mul3A_520 = arith.muli %min3A_509, %sub3A_519 : vector<16xi32>
    %shift_right_arithmetic3A_521 = arith.constant 1 : i32
    %shift_right_arithmetic3A_522 = vector.broadcast %shift_right_arithmetic3A_521 : i32 to vector<16xi32>
    %shift_right_arithmetic3A_523 = arith.shrsi %mul3A_520, %shift_right_arithmetic3A_522 : vector<16xi32>
    %sub3A_524 = arith.subi %add3A_516, %shift_right_arithmetic3A_523 : vector<16xi32>
    %sub3A_525 = arith.subi %max3A_510, %min3A_509 : vector<16xi32>
    %sub3A_526 = arith.constant 1 : i32
    %sub3A_527 = vector.broadcast %sub3A_526 : i32 to vector<16xi32>
    %sub3A_528 = arith.subi %sub3A_525, %sub3A_527 : vector<16xi32>
    %add3A_529 = arith.addi %sub3A_524, %sub3A_528 : vector<16xi32>
    %mul3A_530 = arith.constant 16 : i32
    %mul3A_531 = vector.broadcast %mul3A_530 : i32 to vector<16xi32>
    %mul3A_532 = arith.muli %add3A_503, %mul3A_531 : vector<16xi32>
    %add3A_533 = arith.addi %mul3A_532, %gather3A_467 : vector<16xi32>
    %sub3A_534 = arith.subf %gather3A_491, %gather3A_487 : vector<16xf32>
    tpu.vector_store_idx %arg7[%add3A_533], %sub3A_534 {add = true} : memref<768xf32, #tpu.memory_space<vmem>>[vector<16xi32>], vector<16xf32>,
    %mul3A_535 = arith.constant 16 : i32
    %mul3A_536 = vector.broadcast %mul3A_535 : i32 to vector<16xi32>
    %mul3A_537 = arith.muli %add3A_507, %mul3A_536 : vector<16xi32>
    %add3A_538 = arith.addi %mul3A_537, %gather3A_467 : vector<16xi32>
    %sub3A_539 = arith.subf %gather3A_495, %gather3A_487 : vector<16xf32>
    tpu.vector_store_idx %arg7[%add3A_538], %sub3A_539 {add = true} : memref<768xf32, #tpu.memory_space<vmem>>[vector<16xi32>], vector<16xf32>,
    %mul3A_540 = arith.constant 16 : i32
    %mul3A_541 = vector.broadcast %mul3A_540 : i32 to vector<16xi32>
    %mul3A_542 = arith.muli %add3A_529, %mul3A_541 : vector<16xi32>
    %add3A_543 = arith.addi %mul3A_542, %gather3A_467 : vector<16xi32>
    %sub3A_544 = arith.subf %gather3A_487, %gather3A_491 : vector<16xf32>
    %sub3A_545 = arith.subf %sub3A_544, %gather3A_495 : vector<16xf32>
    %add3A_546 = arith.addf %sub3A_545, %gather3A_499 : vector<16xf32>
    tpu.vector_store_idx %arg7[%add3A_543], %add3A_546 {add = true} : memref<768xf32, #tpu.memory_space<vmem>>[vector<16xi32>], vector<16xf32>,
    %mul3A_547 = arith.constant 9 : i32
    %mul3A_548 = vector.broadcast %mul3A_547 : i32 to vector<16xi32>
    %mul3A_549 = arith.muli %iota3A, %mul3A_548 : vector<16xi32>
    %add3A_550 = arith.constant 5 : i32
    %add3A_551 = vector.broadcast %add3A_550 : i32 to vector<16xi32>
    %add3A_552 = arith.addi %mul3A_549, %add3A_551 : vector<16xi32>
    %mul3A_553 = arith.constant 6 : i32
    %mul3A_554 = vector.broadcast %mul3A_553 : i32 to vector<16xi32>
    %mul3A_555 = arith.muli %add3A_552, %mul3A_554 : vector<16xi32>
    %gather3A_556 = tpu.vector_load_idx %arg5[%mul3A_555] : memref<864xi32, #tpu.memory_space<vmem>>[vector<16xi32>], vector<16xi32>,
    %add3A_557 = arith.constant 1 : i32
    %add3A_558 = vector.broadcast %add3A_557 : i32 to vector<16xi32>
    %add3A_559 = arith.addi %mul3A_555, %add3A_558 : vector<16xi32>
    %gather3A_560 = tpu.vector_load_idx %arg5[%add3A_559] : memref<864xi32, #tpu.memory_space<vmem>>[vector<16xi32>], vector<16xi32>,
    %add3A_561 = arith.constant 2 : i32
    %add3A_562 = vector.broadcast %add3A_561 : i32 to vector<16xi32>
    %add3A_563 = arith.addi %mul3A_555, %add3A_562 : vector<16xi32>
    %gather3A_564 = tpu.vector_load_idx %arg5[%add3A_563] : memref<864xi32, #tpu.memory_space<vmem>>[vector<16xi32>], vector<16xi32>,
    %add3A_565 = arith.constant 4 : i32
    %add3A_566 = vector.broadcast %add3A_565 : i32 to vector<16xi32>
    %add3A_567 = arith.addi %mul3A_555, %add3A_566 : vector<16xi32>
    %gather3A_568 = tpu.vector_load_idx %arg5[%add3A_567] : memref<864xi32, #tpu.memory_space<vmem>>[vector<16xi32>], vector<16xi32>,
    %add3A_569 = arith.constant 5 : i32
    %add3A_570 = vector.broadcast %add3A_569 : i32 to vector<16xi32>
    %add3A_571 = arith.addi %mul3A_555, %add3A_570 : vector<16xi32>
    %gather3A_572 = tpu.vector_load_idx %arg5[%add3A_571] : memref<864xi32, #tpu.memory_space<vmem>>[vector<16xi32>], vector<16xi32>,
    %mul3A_573 = arith.constant 4 : i32
    %mul3A_574 = vector.broadcast %mul3A_573 : i32 to vector<16xi32>
    %mul3A_575 = arith.muli %add3A_552, %mul3A_574 : vector<16xi32>
    %gather3A_576 = tpu.vector_load_idx %arg6[%mul3A_575] : memref<576xf32, #tpu.memory_space<vmem>>[vector<16xi32>], vector<16xf32>,
    %add3A_577 = arith.constant 1 : i32
    %add3A_578 = vector.broadcast %add3A_577 : i32 to vector<16xi32>
    %add3A_579 = arith.addi %mul3A_575, %add3A_578 : vector<16xi32>
    %gather3A_580 = tpu.vector_load_idx %arg6[%add3A_579] : memref<576xf32, #tpu.memory_space<vmem>>[vector<16xi32>], vector<16xf32>,
    %add3A_581 = arith.constant 2 : i32
    %add3A_582 = vector.broadcast %add3A_581 : i32 to vector<16xi32>
    %add3A_583 = arith.addi %mul3A_575, %add3A_582 : vector<16xi32>
    %gather3A_584 = tpu.vector_load_idx %arg6[%add3A_583] : memref<576xf32, #tpu.memory_space<vmem>>[vector<16xi32>], vector<16xf32>,
    %add3A_585 = arith.constant 3 : i32
    %add3A_586 = vector.broadcast %add3A_585 : i32 to vector<16xi32>
    %add3A_587 = arith.addi %mul3A_575, %add3A_586 : vector<16xi32>
    %gather3A_588 = tpu.vector_load_idx %arg6[%add3A_587] : memref<576xf32, #tpu.memory_space<vmem>>[vector<16xi32>], vector<16xf32>,
    %mul3A_589 = arith.constant 3 : i32
    %mul3A_590 = vector.broadcast %mul3A_589 : i32 to vector<16xi32>
    %mul3A_591 = arith.muli %gather3A_560, %mul3A_590 : vector<16xi32>
    %add3A_592 = arith.addi %mul3A_591, %gather3A_564 : vector<16xi32>
    %mul3A_593 = arith.constant 3 : i32
    %mul3A_594 = vector.broadcast %mul3A_593 : i32 to vector<16xi32>
    %mul3A_595 = arith.muli %gather3A_568, %mul3A_594 : vector<16xi32>
    %add3A_596 = arith.addi %mul3A_595, %gather3A_572 : vector<16xi32>
    %add3A_597 = arith.addf %add3A_508, %gather3A_576 : vector<16xf32>
    %min3A_598 = arith.minsi %add3A_592, %add3A_596 : vector<16xi32>
    %max3A_599 = arith.maxsi %add3A_592, %add3A_596 : vector<16xi32>
    %mul3A_600 = arith.constant 8 : i32
    %mul3A_601 = vector.broadcast %mul3A_600 : i32 to vector<16xi32>
    %mul3A_602 = arith.muli %min3A_598, %mul3A_601 : vector<16xi32>
    %add3A_603 = arith.constant 9 : i32
    %add3A_604 = vector.broadcast %add3A_603 : i32 to vector<16xi32>
    %add3A_605 = arith.addi %add3A_604, %mul3A_602 : vector<16xi32>
    %sub3A_606 = arith.constant 1 : i32
    %sub3A_607 = vector.broadcast %sub3A_606 : i32 to vector<16xi32>
    %sub3A_608 = arith.subi %min3A_598, %sub3A_607 : vector<16xi32>
    %mul3A_609 = arith.muli %min3A_598, %sub3A_608 : vector<16xi32>
    %shift_right_arithmetic3A_610 = arith.constant 1 : i32
    %shift_right_arithmetic3A_611 = vector.broadcast %shift_right_arithmetic3A_610 : i32 to vector<16xi32>
    %shift_right_arithmetic3A_612 = arith.shrsi %mul3A_609, %shift_right_arithmetic3A_611 : vector<16xi32>
    %sub3A_613 = arith.subi %add3A_605, %shift_right_arithmetic3A_612 : vector<16xi32>
    %sub3A_614 = arith.subi %max3A_599, %min3A_598 : vector<16xi32>
    %sub3A_615 = arith.constant 1 : i32
    %sub3A_616 = vector.broadcast %sub3A_615 : i32 to vector<16xi32>
    %sub3A_617 = arith.subi %sub3A_614, %sub3A_616 : vector<16xi32>
    %add3A_618 = arith.addi %sub3A_613, %sub3A_617 : vector<16xi32>
    %mul3A_619 = arith.constant 16 : i32
    %mul3A_620 = vector.broadcast %mul3A_619 : i32 to vector<16xi32>
    %mul3A_621 = arith.muli %add3A_592, %mul3A_620 : vector<16xi32>
    %add3A_622 = arith.addi %mul3A_621, %gather3A_556 : vector<16xi32>
    %sub3A_623 = arith.subf %gather3A_580, %gather3A_576 : vector<16xf32>
    tpu.vector_store_idx %arg7[%add3A_622], %sub3A_623 {add = true} : memref<768xf32, #tpu.memory_space<vmem>>[vector<16xi32>], vector<16xf32>,
    %mul3A_624 = arith.constant 16 : i32
    %mul3A_625 = vector.broadcast %mul3A_624 : i32 to vector<16xi32>
    %mul3A_626 = arith.muli %add3A_596, %mul3A_625 : vector<16xi32>
    %add3A_627 = arith.addi %mul3A_626, %gather3A_556 : vector<16xi32>
    %sub3A_628 = arith.subf %gather3A_584, %gather3A_576 : vector<16xf32>
    tpu.vector_store_idx %arg7[%add3A_627], %sub3A_628 {add = true} : memref<768xf32, #tpu.memory_space<vmem>>[vector<16xi32>], vector<16xf32>,
    %mul3A_629 = arith.constant 16 : i32
    %mul3A_630 = vector.broadcast %mul3A_629 : i32 to vector<16xi32>
    %mul3A_631 = arith.muli %add3A_618, %mul3A_630 : vector<16xi32>
    %add3A_632 = arith.addi %mul3A_631, %gather3A_556 : vector<16xi32>
    %sub3A_633 = arith.subf %gather3A_576, %gather3A_580 : vector<16xf32>
    %sub3A_634 = arith.subf %sub3A_633, %gather3A_584 : vector<16xf32>
    %add3A_635 = arith.addf %sub3A_634, %gather3A_588 : vector<16xf32>
    tpu.vector_store_idx %arg7[%add3A_632], %add3A_635 {add = true} : memref<768xf32, #tpu.memory_space<vmem>>[vector<16xi32>], vector<16xf32>,
    %mul3A_636 = arith.constant 9 : i32
    %mul3A_637 = vector.broadcast %mul3A_636 : i32 to vector<16xi32>
    %mul3A_638 = arith.muli %iota3A, %mul3A_637 : vector<16xi32>
    %add3A_639 = arith.constant 6 : i32
    %add3A_640 = vector.broadcast %add3A_639 : i32 to vector<16xi32>
    %add3A_641 = arith.addi %mul3A_638, %add3A_640 : vector<16xi32>
    %mul3A_642 = arith.constant 6 : i32
    %mul3A_643 = vector.broadcast %mul3A_642 : i32 to vector<16xi32>
    %mul3A_644 = arith.muli %add3A_641, %mul3A_643 : vector<16xi32>
    %gather3A_645 = tpu.vector_load_idx %arg5[%mul3A_644] : memref<864xi32, #tpu.memory_space<vmem>>[vector<16xi32>], vector<16xi32>,
    %add3A_646 = arith.constant 1 : i32
    %add3A_647 = vector.broadcast %add3A_646 : i32 to vector<16xi32>
    %add3A_648 = arith.addi %mul3A_644, %add3A_647 : vector<16xi32>
    %gather3A_649 = tpu.vector_load_idx %arg5[%add3A_648] : memref<864xi32, #tpu.memory_space<vmem>>[vector<16xi32>], vector<16xi32>,
    %add3A_650 = arith.constant 2 : i32
    %add3A_651 = vector.broadcast %add3A_650 : i32 to vector<16xi32>
    %add3A_652 = arith.addi %mul3A_644, %add3A_651 : vector<16xi32>
    %gather3A_653 = tpu.vector_load_idx %arg5[%add3A_652] : memref<864xi32, #tpu.memory_space<vmem>>[vector<16xi32>], vector<16xi32>,
    %add3A_654 = arith.constant 4 : i32
    %add3A_655 = vector.broadcast %add3A_654 : i32 to vector<16xi32>
    %add3A_656 = arith.addi %mul3A_644, %add3A_655 : vector<16xi32>
    %gather3A_657 = tpu.vector_load_idx %arg5[%add3A_656] : memref<864xi32, #tpu.memory_space<vmem>>[vector<16xi32>], vector<16xi32>,
    %add3A_658 = arith.constant 5 : i32
    %add3A_659 = vector.broadcast %add3A_658 : i32 to vector<16xi32>
    %add3A_660 = arith.addi %mul3A_644, %add3A_659 : vector<16xi32>
    %gather3A_661 = tpu.vector_load_idx %arg5[%add3A_660] : memref<864xi32, #tpu.memory_space<vmem>>[vector<16xi32>], vector<16xi32>,
    %mul3A_662 = arith.constant 4 : i32
    %mul3A_663 = vector.broadcast %mul3A_662 : i32 to vector<16xi32>
    %mul3A_664 = arith.muli %add3A_641, %mul3A_663 : vector<16xi32>
    %gather3A_665 = tpu.vector_load_idx %arg6[%mul3A_664] : memref<576xf32, #tpu.memory_space<vmem>>[vector<16xi32>], vector<16xf32>,
    %add3A_666 = arith.constant 1 : i32
    %add3A_667 = vector.broadcast %add3A_666 : i32 to vector<16xi32>
    %add3A_668 = arith.addi %mul3A_664, %add3A_667 : vector<16xi32>
    %gather3A_669 = tpu.vector_load_idx %arg6[%add3A_668] : memref<576xf32, #tpu.memory_space<vmem>>[vector<16xi32>], vector<16xf32>,
    %add3A_670 = arith.constant 2 : i32
    %add3A_671 = vector.broadcast %add3A_670 : i32 to vector<16xi32>
    %add3A_672 = arith.addi %mul3A_664, %add3A_671 : vector<16xi32>
    %gather3A_673 = tpu.vector_load_idx %arg6[%add3A_672] : memref<576xf32, #tpu.memory_space<vmem>>[vector<16xi32>], vector<16xf32>,
    %add3A_674 = arith.constant 3 : i32
    %add3A_675 = vector.broadcast %add3A_674 : i32 to vector<16xi32>
    %add3A_676 = arith.addi %mul3A_664, %add3A_675 : vector<16xi32>
    %gather3A_677 = tpu.vector_load_idx %arg6[%add3A_676] : memref<576xf32, #tpu.memory_space<vmem>>[vector<16xi32>], vector<16xf32>,
    %mul3A_678 = arith.constant 3 : i32
    %mul3A_679 = vector.broadcast %mul3A_678 : i32 to vector<16xi32>
    %mul3A_680 = arith.muli %gather3A_649, %mul3A_679 : vector<16xi32>
    %add3A_681 = arith.addi %mul3A_680, %gather3A_653 : vector<16xi32>
    %mul3A_682 = arith.constant 3 : i32
    %mul3A_683 = vector.broadcast %mul3A_682 : i32 to vector<16xi32>
    %mul3A_684 = arith.muli %gather3A_657, %mul3A_683 : vector<16xi32>
    %add3A_685 = arith.addi %mul3A_684, %gather3A_661 : vector<16xi32>
    %add3A_686 = arith.addf %add3A_597, %gather3A_665 : vector<16xf32>
    %min3A_687 = arith.minsi %add3A_681, %add3A_685 : vector<16xi32>
    %max3A_688 = arith.maxsi %add3A_681, %add3A_685 : vector<16xi32>
    %mul3A_689 = arith.constant 8 : i32
    %mul3A_690 = vector.broadcast %mul3A_689 : i32 to vector<16xi32>
    %mul3A_691 = arith.muli %min3A_687, %mul3A_690 : vector<16xi32>
    %add3A_692 = arith.constant 9 : i32
    %add3A_693 = vector.broadcast %add3A_692 : i32 to vector<16xi32>
    %add3A_694 = arith.addi %add3A_693, %mul3A_691 : vector<16xi32>
    %sub3A_695 = arith.constant 1 : i32
    %sub3A_696 = vector.broadcast %sub3A_695 : i32 to vector<16xi32>
    %sub3A_697 = arith.subi %min3A_687, %sub3A_696 : vector<16xi32>
    %mul3A_698 = arith.muli %min3A_687, %sub3A_697 : vector<16xi32>
    %shift_right_arithmetic3A_699 = arith.constant 1 : i32
    %shift_right_arithmetic3A_700 = vector.broadcast %shift_right_arithmetic3A_699 : i32 to vector<16xi32>
    %shift_right_arithmetic3A_701 = arith.shrsi %mul3A_698, %shift_right_arithmetic3A_700 : vector<16xi32>
    %sub3A_702 = arith.subi %add3A_694, %shift_right_arithmetic3A_701 : vector<16xi32>
    %sub3A_703 = arith.subi %max3A_688, %min3A_687 : vector<16xi32>
    %sub3A_704 = arith.constant 1 : i32
    %sub3A_705 = vector.broadcast %sub3A_704 : i32 to vector<16xi32>
    %sub3A_706 = arith.subi %sub3A_703, %sub3A_705 : vector<16xi32>
    %add3A_707 = arith.addi %sub3A_702, %sub3A_706 : vector<16xi32>
    %mul3A_708 = arith.constant 16 : i32
    %mul3A_709 = vector.broadcast %mul3A_708 : i32 to vector<16xi32>
    %mul3A_710 = arith.muli %add3A_681, %mul3A_709 : vector<16xi32>
    %add3A_711 = arith.addi %mul3A_710, %gather3A_645 : vector<16xi32>
    %sub3A_712 = arith.subf %gather3A_669, %gather3A_665 : vector<16xf32>
    tpu.vector_store_idx %arg7[%add3A_711], %sub3A_712 {add = true} : memref<768xf32, #tpu.memory_space<vmem>>[vector<16xi32>], vector<16xf32>,
    %mul3A_713 = arith.constant 16 : i32
    %mul3A_714 = vector.broadcast %mul3A_713 : i32 to vector<16xi32>
    %mul3A_715 = arith.muli %add3A_685, %mul3A_714 : vector<16xi32>
    %add3A_716 = arith.addi %mul3A_715, %gather3A_645 : vector<16xi32>
    %sub3A_717 = arith.subf %gather3A_673, %gather3A_665 : vector<16xf32>
    tpu.vector_store_idx %arg7[%add3A_716], %sub3A_717 {add = true} : memref<768xf32, #tpu.memory_space<vmem>>[vector<16xi32>], vector<16xf32>,
    %mul3A_718 = arith.constant 16 : i32
    %mul3A_719 = vector.broadcast %mul3A_718 : i32 to vector<16xi32>
    %mul3A_720 = arith.muli %add3A_707, %mul3A_719 : vector<16xi32>
    %add3A_721 = arith.addi %mul3A_720, %gather3A_645 : vector<16xi32>
    %sub3A_722 = arith.subf %gather3A_665, %gather3A_669 : vector<16xf32>
    %sub3A_723 = arith.subf %sub3A_722, %gather3A_673 : vector<16xf32>
    %add3A_724 = arith.addf %sub3A_723, %gather3A_677 : vector<16xf32>
    tpu.vector_store_idx %arg7[%add3A_721], %add3A_724 {add = true} : memref<768xf32, #tpu.memory_space<vmem>>[vector<16xi32>], vector<16xf32>,
    %mul3A_725 = arith.constant 9 : i32
    %mul3A_726 = vector.broadcast %mul3A_725 : i32 to vector<16xi32>
    %mul3A_727 = arith.muli %iota3A, %mul3A_726 : vector<16xi32>
    %add3A_728 = arith.constant 7 : i32
    %add3A_729 = vector.broadcast %add3A_728 : i32 to vector<16xi32>
    %add3A_730 = arith.addi %mul3A_727, %add3A_729 : vector<16xi32>
    %mul3A_731 = arith.constant 6 : i32
    %mul3A_732 = vector.broadcast %mul3A_731 : i32 to vector<16xi32>
    %mul3A_733 = arith.muli %add3A_730, %mul3A_732 : vector<16xi32>
    %gather3A_734 = tpu.vector_load_idx %arg5[%mul3A_733] : memref<864xi32, #tpu.memory_space<vmem>>[vector<16xi32>], vector<16xi32>,
    %add3A_735 = arith.constant 1 : i32
    %add3A_736 = vector.broadcast %add3A_735 : i32 to vector<16xi32>
    %add3A_737 = arith.addi %mul3A_733, %add3A_736 : vector<16xi32>
    %gather3A_738 = tpu.vector_load_idx %arg5[%add3A_737] : memref<864xi32, #tpu.memory_space<vmem>>[vector<16xi32>], vector<16xi32>,
    %add3A_739 = arith.constant 2 : i32
    %add3A_740 = vector.broadcast %add3A_739 : i32 to vector<16xi32>
    %add3A_741 = arith.addi %mul3A_733, %add3A_740 : vector<16xi32>
    %gather3A_742 = tpu.vector_load_idx %arg5[%add3A_741] : memref<864xi32, #tpu.memory_space<vmem>>[vector<16xi32>], vector<16xi32>,
    %add3A_743 = arith.constant 4 : i32
    %add3A_744 = vector.broadcast %add3A_743 : i32 to vector<16xi32>
    %add3A_745 = arith.addi %mul3A_733, %add3A_744 : vector<16xi32>
    %gather3A_746 = tpu.vector_load_idx %arg5[%add3A_745] : memref<864xi32, #tpu.memory_space<vmem>>[vector<16xi32>], vector<16xi32>,
    %add3A_747 = arith.constant 5 : i32
    %add3A_748 = vector.broadcast %add3A_747 : i32 to vector<16xi32>
    %add3A_749 = arith.addi %mul3A_733, %add3A_748 : vector<16xi32>
    %gather3A_750 = tpu.vector_load_idx %arg5[%add3A_749] : memref<864xi32, #tpu.memory_space<vmem>>[vector<16xi32>], vector<16xi32>,
    %mul3A_751 = arith.constant 4 : i32
    %mul3A_752 = vector.broadcast %mul3A_751 : i32 to vector<16xi32>
    %mul3A_753 = arith.muli %add3A_730, %mul3A_752 : vector<16xi32>
    %gather3A_754 = tpu.vector_load_idx %arg6[%mul3A_753] : memref<576xf32, #tpu.memory_space<vmem>>[vector<16xi32>], vector<16xf32>,
    %add3A_755 = arith.constant 1 : i32
    %add3A_756 = vector.broadcast %add3A_755 : i32 to vector<16xi32>
    %add3A_757 = arith.addi %mul3A_753, %add3A_756 : vector<16xi32>
    %gather3A_758 = tpu.vector_load_idx %arg6[%add3A_757] : memref<576xf32, #tpu.memory_space<vmem>>[vector<16xi32>], vector<16xf32>,
    %add3A_759 = arith.constant 2 : i32
    %add3A_760 = vector.broadcast %add3A_759 : i32 to vector<16xi32>
    %add3A_761 = arith.addi %mul3A_753, %add3A_760 : vector<16xi32>
    %gather3A_762 = tpu.vector_load_idx %arg6[%add3A_761] : memref<576xf32, #tpu.memory_space<vmem>>[vector<16xi32>], vector<16xf32>,
    %add3A_763 = arith.constant 3 : i32
    %add3A_764 = vector.broadcast %add3A_763 : i32 to vector<16xi32>
    %add3A_765 = arith.addi %mul3A_753, %add3A_764 : vector<16xi32>
    %gather3A_766 = tpu.vector_load_idx %arg6[%add3A_765] : memref<576xf32, #tpu.memory_space<vmem>>[vector<16xi32>], vector<16xf32>,
    %mul3A_767 = arith.constant 3 : i32
    %mul3A_768 = vector.broadcast %mul3A_767 : i32 to vector<16xi32>
    %mul3A_769 = arith.muli %gather3A_738, %mul3A_768 : vector<16xi32>
    %add3A_770 = arith.addi %mul3A_769, %gather3A_742 : vector<16xi32>
    %mul3A_771 = arith.constant 3 : i32
    %mul3A_772 = vector.broadcast %mul3A_771 : i32 to vector<16xi32>
    %mul3A_773 = arith.muli %gather3A_746, %mul3A_772 : vector<16xi32>
    %add3A_774 = arith.addi %mul3A_773, %gather3A_750 : vector<16xi32>
    %add3A_775 = arith.addf %add3A_686, %gather3A_754 : vector<16xf32>
    %min3A_776 = arith.minsi %add3A_770, %add3A_774 : vector<16xi32>
    %max3A_777 = arith.maxsi %add3A_770, %add3A_774 : vector<16xi32>
    %mul3A_778 = arith.constant 8 : i32
    %mul3A_779 = vector.broadcast %mul3A_778 : i32 to vector<16xi32>
    %mul3A_780 = arith.muli %min3A_776, %mul3A_779 : vector<16xi32>
    %add3A_781 = arith.constant 9 : i32
    %add3A_782 = vector.broadcast %add3A_781 : i32 to vector<16xi32>
    %add3A_783 = arith.addi %add3A_782, %mul3A_780 : vector<16xi32>
    %sub3A_784 = arith.constant 1 : i32
    %sub3A_785 = vector.broadcast %sub3A_784 : i32 to vector<16xi32>
    %sub3A_786 = arith.subi %min3A_776, %sub3A_785 : vector<16xi32>
    %mul3A_787 = arith.muli %min3A_776, %sub3A_786 : vector<16xi32>
    %shift_right_arithmetic3A_788 = arith.constant 1 : i32
    %shift_right_arithmetic3A_789 = vector.broadcast %shift_right_arithmetic3A_788 : i32 to vector<16xi32>
    %shift_right_arithmetic3A_790 = arith.shrsi %mul3A_787, %shift_right_arithmetic3A_789 : vector<16xi32>
    %sub3A_791 = arith.subi %add3A_783, %shift_right_arithmetic3A_790 : vector<16xi32>
    %sub3A_792 = arith.subi %max3A_777, %min3A_776 : vector<16xi32>
    %sub3A_793 = arith.constant 1 : i32
    %sub3A_794 = vector.broadcast %sub3A_793 : i32 to vector<16xi32>
    %sub3A_795 = arith.subi %sub3A_792, %sub3A_794 : vector<16xi32>
    %add3A_796 = arith.addi %sub3A_791, %sub3A_795 : vector<16xi32>
    %mul3A_797 = arith.constant 16 : i32
    %mul3A_798 = vector.broadcast %mul3A_797 : i32 to vector<16xi32>
    %mul3A_799 = arith.muli %add3A_770, %mul3A_798 : vector<16xi32>
    %add3A_800 = arith.addi %mul3A_799, %gather3A_734 : vector<16xi32>
    %sub3A_801 = arith.subf %gather3A_758, %gather3A_754 : vector<16xf32>
    tpu.vector_store_idx %arg7[%add3A_800], %sub3A_801 {add = true} : memref<768xf32, #tpu.memory_space<vmem>>[vector<16xi32>], vector<16xf32>,
    %mul3A_802 = arith.constant 16 : i32
    %mul3A_803 = vector.broadcast %mul3A_802 : i32 to vector<16xi32>
    %mul3A_804 = arith.muli %add3A_774, %mul3A_803 : vector<16xi32>
    %add3A_805 = arith.addi %mul3A_804, %gather3A_734 : vector<16xi32>
    %sub3A_806 = arith.subf %gather3A_762, %gather3A_754 : vector<16xf32>
    tpu.vector_store_idx %arg7[%add3A_805], %sub3A_806 {add = true} : memref<768xf32, #tpu.memory_space<vmem>>[vector<16xi32>], vector<16xf32>,
    %mul3A_807 = arith.constant 16 : i32
    %mul3A_808 = vector.broadcast %mul3A_807 : i32 to vector<16xi32>
    %mul3A_809 = arith.muli %add3A_796, %mul3A_808 : vector<16xi32>
    %add3A_810 = arith.addi %mul3A_809, %gather3A_734 : vector<16xi32>
    %sub3A_811 = arith.subf %gather3A_754, %gather3A_758 : vector<16xf32>
    %sub3A_812 = arith.subf %sub3A_811, %gather3A_762 : vector<16xf32>
    %add3A_813 = arith.addf %sub3A_812, %gather3A_766 : vector<16xf32>
    tpu.vector_store_idx %arg7[%add3A_810], %add3A_813 {add = true} : memref<768xf32, #tpu.memory_space<vmem>>[vector<16xi32>], vector<16xf32>,
    %mul3A_814 = arith.constant 9 : i32
    %mul3A_815 = vector.broadcast %mul3A_814 : i32 to vector<16xi32>
    %mul3A_816 = arith.muli %iota3A, %mul3A_815 : vector<16xi32>
    %add3A_817 = arith.constant 8 : i32
    %add3A_818 = vector.broadcast %add3A_817 : i32 to vector<16xi32>
    %add3A_819 = arith.addi %mul3A_816, %add3A_818 : vector<16xi32>
    %mul3A_820 = arith.constant 6 : i32
    %mul3A_821 = vector.broadcast %mul3A_820 : i32 to vector<16xi32>
    %mul3A_822 = arith.muli %add3A_819, %mul3A_821 : vector<16xi32>
    %gather3A_823 = tpu.vector_load_idx %arg5[%mul3A_822] : memref<864xi32, #tpu.memory_space<vmem>>[vector<16xi32>], vector<16xi32>,
    %add3A_824 = arith.constant 1 : i32
    %add3A_825 = vector.broadcast %add3A_824 : i32 to vector<16xi32>
    %add3A_826 = arith.addi %mul3A_822, %add3A_825 : vector<16xi32>
    %gather3A_827 = tpu.vector_load_idx %arg5[%add3A_826] : memref<864xi32, #tpu.memory_space<vmem>>[vector<16xi32>], vector<16xi32>,
    %add3A_828 = arith.constant 2 : i32
    %add3A_829 = vector.broadcast %add3A_828 : i32 to vector<16xi32>
    %add3A_830 = arith.addi %mul3A_822, %add3A_829 : vector<16xi32>
    %gather3A_831 = tpu.vector_load_idx %arg5[%add3A_830] : memref<864xi32, #tpu.memory_space<vmem>>[vector<16xi32>], vector<16xi32>,
    %add3A_832 = arith.constant 4 : i32
    %add3A_833 = vector.broadcast %add3A_832 : i32 to vector<16xi32>
    %add3A_834 = arith.addi %mul3A_822, %add3A_833 : vector<16xi32>
    %gather3A_835 = tpu.vector_load_idx %arg5[%add3A_834] : memref<864xi32, #tpu.memory_space<vmem>>[vector<16xi32>], vector<16xi32>,
    %add3A_836 = arith.constant 5 : i32
    %add3A_837 = vector.broadcast %add3A_836 : i32 to vector<16xi32>
    %add3A_838 = arith.addi %mul3A_822, %add3A_837 : vector<16xi32>
    %gather3A_839 = tpu.vector_load_idx %arg5[%add3A_838] : memref<864xi32, #tpu.memory_space<vmem>>[vector<16xi32>], vector<16xi32>,
    %mul3A_840 = arith.constant 4 : i32
    %mul3A_841 = vector.broadcast %mul3A_840 : i32 to vector<16xi32>
    %mul3A_842 = arith.muli %add3A_819, %mul3A_841 : vector<16xi32>
    %gather3A_843 = tpu.vector_load_idx %arg6[%mul3A_842] : memref<576xf32, #tpu.memory_space<vmem>>[vector<16xi32>], vector<16xf32>,
    %add3A_844 = arith.constant 1 : i32
    %add3A_845 = vector.broadcast %add3A_844 : i32 to vector<16xi32>
    %add3A_846 = arith.addi %mul3A_842, %add3A_845 : vector<16xi32>
    %gather3A_847 = tpu.vector_load_idx %arg6[%add3A_846] : memref<576xf32, #tpu.memory_space<vmem>>[vector<16xi32>], vector<16xf32>,
    %add3A_848 = arith.constant 2 : i32
    %add3A_849 = vector.broadcast %add3A_848 : i32 to vector<16xi32>
    %add3A_850 = arith.addi %mul3A_842, %add3A_849 : vector<16xi32>
    %gather3A_851 = tpu.vector_load_idx %arg6[%add3A_850] : memref<576xf32, #tpu.memory_space<vmem>>[vector<16xi32>], vector<16xf32>,
    %add3A_852 = arith.constant 3 : i32
    %add3A_853 = vector.broadcast %add3A_852 : i32 to vector<16xi32>
    %add3A_854 = arith.addi %mul3A_842, %add3A_853 : vector<16xi32>
    %gather3A_855 = tpu.vector_load_idx %arg6[%add3A_854] : memref<576xf32, #tpu.memory_space<vmem>>[vector<16xi32>], vector<16xf32>,
    %mul3A_856 = arith.constant 3 : i32
    %mul3A_857 = vector.broadcast %mul3A_856 : i32 to vector<16xi32>
    %mul3A_858 = arith.muli %gather3A_827, %mul3A_857 : vector<16xi32>
    %add3A_859 = arith.addi %mul3A_858, %gather3A_831 : vector<16xi32>
    %mul3A_860 = arith.constant 3 : i32
    %mul3A_861 = vector.broadcast %mul3A_860 : i32 to vector<16xi32>
    %mul3A_862 = arith.muli %gather3A_835, %mul3A_861 : vector<16xi32>
    %add3A_863 = arith.addi %mul3A_862, %gather3A_839 : vector<16xi32>
    %add3A_864 = arith.addf %add3A_775, %gather3A_843 : vector<16xf32>
    %min3A_865 = arith.minsi %add3A_859, %add3A_863 : vector<16xi32>
    %max3A_866 = arith.maxsi %add3A_859, %add3A_863 : vector<16xi32>
    %mul3A_867 = arith.constant 8 : i32
    %mul3A_868 = vector.broadcast %mul3A_867 : i32 to vector<16xi32>
    %mul3A_869 = arith.muli %min3A_865, %mul3A_868 : vector<16xi32>
    %add3A_870 = arith.constant 9 : i32
    %add3A_871 = vector.broadcast %add3A_870 : i32 to vector<16xi32>
    %add3A_872 = arith.addi %add3A_871, %mul3A_869 : vector<16xi32>
    %sub3A_873 = arith.constant 1 : i32
    %sub3A_874 = vector.broadcast %sub3A_873 : i32 to vector<16xi32>
    %sub3A_875 = arith.subi %min3A_865, %sub3A_874 : vector<16xi32>
    %mul3A_876 = arith.muli %min3A_865, %sub3A_875 : vector<16xi32>
    %shift_right_arithmetic3A_877 = arith.constant 1 : i32
    %shift_right_arithmetic3A_878 = vector.broadcast %shift_right_arithmetic3A_877 : i32 to vector<16xi32>
    %shift_right_arithmetic3A_879 = arith.shrsi %mul3A_876, %shift_right_arithmetic3A_878 : vector<16xi32>
    %sub3A_880 = arith.subi %add3A_872, %shift_right_arithmetic3A_879 : vector<16xi32>
    %sub3A_881 = arith.subi %max3A_866, %min3A_865 : vector<16xi32>
    %sub3A_882 = arith.constant 1 : i32
    %sub3A_883 = vector.broadcast %sub3A_882 : i32 to vector<16xi32>
    %sub3A_884 = arith.subi %sub3A_881, %sub3A_883 : vector<16xi32>
    %add3A_885 = arith.addi %sub3A_880, %sub3A_884 : vector<16xi32>
    %mul3A_886 = arith.constant 16 : i32
    %mul3A_887 = vector.broadcast %mul3A_886 : i32 to vector<16xi32>
    %mul3A_888 = arith.muli %add3A_859, %mul3A_887 : vector<16xi32>
    %add3A_889 = arith.addi %mul3A_888, %gather3A_823 : vector<16xi32>
    %sub3A_890 = arith.subf %gather3A_847, %gather3A_843 : vector<16xf32>
    tpu.vector_store_idx %arg7[%add3A_889], %sub3A_890 {add = true} : memref<768xf32, #tpu.memory_space<vmem>>[vector<16xi32>], vector<16xf32>,
    %mul3A_891 = arith.constant 16 : i32
    %mul3A_892 = vector.broadcast %mul3A_891 : i32 to vector<16xi32>
    %mul3A_893 = arith.muli %add3A_863, %mul3A_892 : vector<16xi32>
    %add3A_894 = arith.addi %mul3A_893, %gather3A_823 : vector<16xi32>
    %sub3A_895 = arith.subf %gather3A_851, %gather3A_843 : vector<16xf32>
    tpu.vector_store_idx %arg7[%add3A_894], %sub3A_895 {add = true} : memref<768xf32, #tpu.memory_space<vmem>>[vector<16xi32>], vector<16xf32>,
    %mul3A_896 = arith.constant 16 : i32
    %mul3A_897 = vector.broadcast %mul3A_896 : i32 to vector<16xi32>
    %mul3A_898 = arith.muli %add3A_885, %mul3A_897 : vector<16xi32>
    %add3A_899 = arith.addi %mul3A_898, %gather3A_823 : vector<16xi32>
    %sub3A_900 = arith.subf %gather3A_843, %gather3A_847 : vector<16xf32>
    %sub3A_901 = arith.subf %sub3A_900, %gather3A_851 : vector<16xf32>
    %add3A_902 = arith.addf %sub3A_901, %gather3A_855 : vector<16xf32>
    tpu.vector_store_idx %arg7[%add3A_899], %add3A_902 {add = true} : memref<768xf32, #tpu.memory_space<vmem>>[vector<16xi32>], vector<16xf32>,
    %eq3A = arith.constant 0 : i32
    %eq3A_903 = vector.broadcast %eq3A : i32 to vector<16xi32>
    %eq3A_904 = arith.cmpi eq, %iota3A, %eq3A_903 : vector<16xi32>
    %reduce_sum3A = arith.constant true
    %reduce_sum3A_905 = vector.broadcast %reduce_sum3A : i1 to vector<16xi1>
    %reduce_sum3A_906 = tpu.scan <sum>, %add3A_864 masked %reduce_sum3A_905 : vector<16xf32>, vector<16xi1> -> vector<16xf32>
    %reduce_sum3A_907 = vector.extract %reduce_sum3A_906[15] : f32 from vector<16xf32>
    %jit3A = arith.constant 0.000000e+00 : f32
    %broadcast_in_dim3A_908 = vector.broadcast %reduce_sum3A_907 : f32 to vector<16xf32>
    %broadcast_in_dim3A_909 = vector.broadcast %jit3A : f32 to vector<16xf32>
    %select_n3A = arith.select %eq3A_904, %broadcast_in_dim3A_908, %broadcast_in_dim3A_909 : vector<16xi1>, vector<16xf32>
    %add3A_910 = arith.constant 720 : i32
    %add3A_911 = vector.broadcast %add3A_910 : i32 to vector<16xi32>
    %add3A_912 = arith.addi %add3A_911, %iota3A : vector<16xi32>
    tpu.vector_store_idx %arg7[%add3A_912], %select_n3A : memref<768xf32, #tpu.memory_space<vmem>>[vector<16xi32>], vector<16xf32>,
    "tpu.region"() ({
      %run_scoped3A = tpu.sem_alloc : memref<!tpu.dma_semaphore, #tpu.memory_space<semaphore_mem>>
      %dma_start3A_913 = arith.constant 0 : i32
      %dma_start3A_914 = tpu.memref_slice %arg4[%add3A, %dma_start3A_913] : memref<32x768xf32, #tpu.memory_space<hbm>> -> memref<1x768xf32, #tpu.memory_space<hbm>>
      %dma_start3A_915 = tpu.memref_squeeze %dma_start3A_914 : memref<1x768xf32, #tpu.memory_space<hbm>> -> memref<768xf32, #tpu.memory_space<hbm>>
      %dma_start3A_916 = arith.constant 0 : i32
      %dma_start3A_917 = tpu.memref_slice %arg4[%add3A, %dma_start3A_916] : memref<32x768xf32, #tpu.memory_space<hbm>> -> memref<1x768xf32, #tpu.memory_space<hbm>>
      %dma_start3A_918 = tpu.memref_squeeze %dma_start3A_917 : memref<1x768xf32, #tpu.memory_space<hbm>> -> memref<768xf32, #tpu.memory_space<hbm>>
      tpu.enqueue_dma source(%arg7 : memref<768xf32, #tpu.memory_space<vmem>>) target(%dma_start3A_918 : memref<768xf32, #tpu.memory_space<hbm>>) target_semaphore(%run_scoped3A : memref<!tpu.dma_semaphore, #tpu.memory_space<semaphore_mem>>)
      %dma_wait3A_919 = arith.constant 0 : i32
      %dma_wait3A_920 = tpu.memref_slice %arg4[%add3A, %dma_wait3A_919] : memref<32x768xf32, #tpu.memory_space<hbm>> -> memref<1x768xf32, #tpu.memory_space<hbm>>
      %dma_wait3A_921 = tpu.memref_squeeze %dma_wait3A_920 : memref<1x768xf32, #tpu.memory_space<hbm>> -> memref<768xf32, #tpu.memory_space<hbm>>
      %dma_wait3A_922 = arith.constant 0 : i32
      %dma_wait3A_923 = tpu.memref_slice %arg4[%add3A, %dma_wait3A_922] : memref<32x768xf32, #tpu.memory_space<hbm>> -> memref<1x768xf32, #tpu.memory_space<hbm>>
      %dma_wait3A_924 = tpu.memref_squeeze %dma_wait3A_923 : memref<1x768xf32, #tpu.memory_space<hbm>> -> memref<768xf32, #tpu.memory_space<hbm>>
      tpu.wait_dma2 semaphore(%run_scoped3A : memref<!tpu.dma_semaphore, #tpu.memory_space<semaphore_mem>>) src(%arg7 : memref<768xf32, #tpu.memory_space<vmem>>) dst(%dma_wait3A_924 : memref<768xf32, #tpu.memory_space<hbm>>)
      tpu.yield
    }) : () -> ()
    return
  }
}

module attributes {stable_mosaic.version = 14 : i64} {
  func.func @_tc_body(%arg0: memref<8x16x14x14xf32, #tpu.memory_space<vmem>>, %arg1: memref<32x768xf32, #tpu.memory_space<vmem>>, %arg2: memref<8x32x256xf32, #tpu.memory_space<vmem>>, %arg3: memref<16x2560xf32, #tpu.memory_space<vmem>>, %arg4: memref<768x2048xbf16, #tpu.memory_space<vmem>>) attributes {dimension_semantics = [], scalar_prefetch = 0 : i64, scratch_operands = 2 : i64, tpu.core_type = #tpu.core_type<tc>} {
    %broadcast_in_dim3A = arith.constant 0.000000e+00 : f32
    %broadcast_in_dim3A_0 = vector.broadcast %broadcast_in_dim3A : f32 to vector<16x2560xf32>
    %swap3A = arith.constant 0 : index
    %swap3A_1 = arith.constant 0 : index
    %swap3A_2 = vector.load %arg3[%swap3A, %swap3A_1] : memref<16x2560xf32, #tpu.memory_space<vmem>>, vector<16x2560xf32>
    tpu.vector_store %arg3[%swap3A, %swap3A_1], %broadcast_in_dim3A_0 {strides = array<i32>} : memref<16x2560xf32, #tpu.memory_space<vmem>>, vector<16x2560xf32>,
    %get3A = arith.constant 0 : index
    %get3A_3 = arith.constant 0 : index
    %get3A_4 = arith.constant 0 : index
    %get3A_5 = arith.constant 0 : index
    %get3A_6 = vector.load %arg0[%get3A, %get3A_3, %get3A_4, %get3A_5] : memref<8x16x14x14xf32, #tpu.memory_space<vmem>>, vector<1x16x1x14xf32>
    %get3A_7 = vector.shape_cast %get3A_6 : vector<1x16x1x14xf32> to vector<16x14xf32>
    %swap3A_8 = arith.constant 0 : index
    %swap3A_9 = arith.constant 17 : index
    %swap3A_10 = vector.load %arg3[%swap3A_8, %swap3A_9] : memref<16x2560xf32, #tpu.memory_space<vmem>>, vector<16x14xf32>
    tpu.vector_store %arg3[%swap3A_8, %swap3A_9], %get3A_7 {strides = array<i32>} : memref<16x2560xf32, #tpu.memory_space<vmem>>, vector<16x14xf32>,
    %get3A_11 = arith.constant 0 : index
    %get3A_12 = arith.constant 0 : index
    %get3A_13 = arith.constant 1 : index
    %get3A_14 = arith.constant 0 : index
    %get3A_15 = vector.load %arg0[%get3A_11, %get3A_12, %get3A_13, %get3A_14] : memref<8x16x14x14xf32, #tpu.memory_space<vmem>>, vector<1x16x1x14xf32>
    %get3A_16 = vector.shape_cast %get3A_15 : vector<1x16x1x14xf32> to vector<16x14xf32>
    %swap3A_17 = arith.constant 0 : index
    %swap3A_18 = arith.constant 33 : index
    %swap3A_19 = vector.load %arg3[%swap3A_17, %swap3A_18] : memref<16x2560xf32, #tpu.memory_space<vmem>>, vector<16x14xf32>
    tpu.vector_store %arg3[%swap3A_17, %swap3A_18], %get3A_16 {strides = array<i32>} : memref<16x2560xf32, #tpu.memory_space<vmem>>, vector<16x14xf32>,
    %get3A_20 = arith.constant 0 : index
    %get3A_21 = arith.constant 0 : index
    %get3A_22 = arith.constant 2 : index
    %get3A_23 = arith.constant 0 : index
    %get3A_24 = vector.load %arg0[%get3A_20, %get3A_21, %get3A_22, %get3A_23] : memref<8x16x14x14xf32, #tpu.memory_space<vmem>>, vector<1x16x1x14xf32>
    %get3A_25 = vector.shape_cast %get3A_24 : vector<1x16x1x14xf32> to vector<16x14xf32>
    %swap3A_26 = arith.constant 0 : index
    %swap3A_27 = arith.constant 49 : index
    %swap3A_28 = vector.load %arg3[%swap3A_26, %swap3A_27] : memref<16x2560xf32, #tpu.memory_space<vmem>>, vector<16x14xf32>
    tpu.vector_store %arg3[%swap3A_26, %swap3A_27], %get3A_25 {strides = array<i32>} : memref<16x2560xf32, #tpu.memory_space<vmem>>, vector<16x14xf32>,
    %get3A_29 = arith.constant 0 : index
    %get3A_30 = arith.constant 0 : index
    %get3A_31 = arith.constant 3 : index
    %get3A_32 = arith.constant 0 : index
    %get3A_33 = vector.load %arg0[%get3A_29, %get3A_30, %get3A_31, %get3A_32] : memref<8x16x14x14xf32, #tpu.memory_space<vmem>>, vector<1x16x1x14xf32>
    %get3A_34 = vector.shape_cast %get3A_33 : vector<1x16x1x14xf32> to vector<16x14xf32>
    %swap3A_35 = arith.constant 0 : index
    %swap3A_36 = arith.constant 65 : index
    %swap3A_37 = vector.load %arg3[%swap3A_35, %swap3A_36] : memref<16x2560xf32, #tpu.memory_space<vmem>>, vector<16x14xf32>
    tpu.vector_store %arg3[%swap3A_35, %swap3A_36], %get3A_34 {strides = array<i32>} : memref<16x2560xf32, #tpu.memory_space<vmem>>, vector<16x14xf32>,
    %get3A_38 = arith.constant 0 : index
    %get3A_39 = arith.constant 0 : index
    %get3A_40 = arith.constant 4 : index
    %get3A_41 = arith.constant 0 : index
    %get3A_42 = vector.load %arg0[%get3A_38, %get3A_39, %get3A_40, %get3A_41] : memref<8x16x14x14xf32, #tpu.memory_space<vmem>>, vector<1x16x1x14xf32>
    %get3A_43 = vector.shape_cast %get3A_42 : vector<1x16x1x14xf32> to vector<16x14xf32>
    %swap3A_44 = arith.constant 0 : index
    %swap3A_45 = arith.constant 81 : index
    %swap3A_46 = vector.load %arg3[%swap3A_44, %swap3A_45] : memref<16x2560xf32, #tpu.memory_space<vmem>>, vector<16x14xf32>
    tpu.vector_store %arg3[%swap3A_44, %swap3A_45], %get3A_43 {strides = array<i32>} : memref<16x2560xf32, #tpu.memory_space<vmem>>, vector<16x14xf32>,
    %get3A_47 = arith.constant 0 : index
    %get3A_48 = arith.constant 0 : index
    %get3A_49 = arith.constant 5 : index
    %get3A_50 = arith.constant 0 : index
    %get3A_51 = vector.load %arg0[%get3A_47, %get3A_48, %get3A_49, %get3A_50] : memref<8x16x14x14xf32, #tpu.memory_space<vmem>>, vector<1x16x1x14xf32>
    %get3A_52 = vector.shape_cast %get3A_51 : vector<1x16x1x14xf32> to vector<16x14xf32>
    %swap3A_53 = arith.constant 0 : index
    %swap3A_54 = arith.constant 97 : index
    %swap3A_55 = vector.load %arg3[%swap3A_53, %swap3A_54] : memref<16x2560xf32, #tpu.memory_space<vmem>>, vector<16x14xf32>
    tpu.vector_store %arg3[%swap3A_53, %swap3A_54], %get3A_52 {strides = array<i32>} : memref<16x2560xf32, #tpu.memory_space<vmem>>, vector<16x14xf32>,
    %get3A_56 = arith.constant 0 : index
    %get3A_57 = arith.constant 0 : index
    %get3A_58 = arith.constant 6 : index
    %get3A_59 = arith.constant 0 : index
    %get3A_60 = vector.load %arg0[%get3A_56, %get3A_57, %get3A_58, %get3A_59] : memref<8x16x14x14xf32, #tpu.memory_space<vmem>>, vector<1x16x1x14xf32>
    %get3A_61 = vector.shape_cast %get3A_60 : vector<1x16x1x14xf32> to vector<16x14xf32>
    %swap3A_62 = arith.constant 0 : index
    %swap3A_63 = arith.constant 113 : index
    %swap3A_64 = vector.load %arg3[%swap3A_62, %swap3A_63] : memref<16x2560xf32, #tpu.memory_space<vmem>>, vector<16x14xf32>
    tpu.vector_store %arg3[%swap3A_62, %swap3A_63], %get3A_61 {strides = array<i32>} : memref<16x2560xf32, #tpu.memory_space<vmem>>, vector<16x14xf32>,
    %get3A_65 = arith.constant 0 : index
    %get3A_66 = arith.constant 0 : index
    %get3A_67 = arith.constant 7 : index
    %get3A_68 = arith.constant 0 : index
    %get3A_69 = vector.load %arg0[%get3A_65, %get3A_66, %get3A_67, %get3A_68] : memref<8x16x14x14xf32, #tpu.memory_space<vmem>>, vector<1x16x1x14xf32>
    %get3A_70 = vector.shape_cast %get3A_69 : vector<1x16x1x14xf32> to vector<16x14xf32>
    %swap3A_71 = arith.constant 0 : index
    %swap3A_72 = arith.constant 129 : index
    %swap3A_73 = vector.load %arg3[%swap3A_71, %swap3A_72] : memref<16x2560xf32, #tpu.memory_space<vmem>>, vector<16x14xf32>
    tpu.vector_store %arg3[%swap3A_71, %swap3A_72], %get3A_70 {strides = array<i32>} : memref<16x2560xf32, #tpu.memory_space<vmem>>, vector<16x14xf32>,
    %get3A_74 = arith.constant 0 : index
    %get3A_75 = arith.constant 0 : index
    %get3A_76 = arith.constant 8 : index
    %get3A_77 = arith.constant 0 : index
    %get3A_78 = vector.load %arg0[%get3A_74, %get3A_75, %get3A_76, %get3A_77] : memref<8x16x14x14xf32, #tpu.memory_space<vmem>>, vector<1x16x1x14xf32>
    %get3A_79 = vector.shape_cast %get3A_78 : vector<1x16x1x14xf32> to vector<16x14xf32>
    %swap3A_80 = arith.constant 0 : index
    %swap3A_81 = arith.constant 145 : index
    %swap3A_82 = vector.load %arg3[%swap3A_80, %swap3A_81] : memref<16x2560xf32, #tpu.memory_space<vmem>>, vector<16x14xf32>
    tpu.vector_store %arg3[%swap3A_80, %swap3A_81], %get3A_79 {strides = array<i32>} : memref<16x2560xf32, #tpu.memory_space<vmem>>, vector<16x14xf32>,
    %get3A_83 = arith.constant 0 : index
    %get3A_84 = arith.constant 0 : index
    %get3A_85 = arith.constant 9 : index
    %get3A_86 = arith.constant 0 : index
    %get3A_87 = vector.load %arg0[%get3A_83, %get3A_84, %get3A_85, %get3A_86] : memref<8x16x14x14xf32, #tpu.memory_space<vmem>>, vector<1x16x1x14xf32>
    %get3A_88 = vector.shape_cast %get3A_87 : vector<1x16x1x14xf32> to vector<16x14xf32>
    %swap3A_89 = arith.constant 0 : index
    %swap3A_90 = arith.constant 161 : index
    %swap3A_91 = vector.load %arg3[%swap3A_89, %swap3A_90] : memref<16x2560xf32, #tpu.memory_space<vmem>>, vector<16x14xf32>
    tpu.vector_store %arg3[%swap3A_89, %swap3A_90], %get3A_88 {strides = array<i32>} : memref<16x2560xf32, #tpu.memory_space<vmem>>, vector<16x14xf32>,
    %get3A_92 = arith.constant 0 : index
    %get3A_93 = arith.constant 0 : index
    %get3A_94 = arith.constant 10 : index
    %get3A_95 = arith.constant 0 : index
    %get3A_96 = vector.load %arg0[%get3A_92, %get3A_93, %get3A_94, %get3A_95] : memref<8x16x14x14xf32, #tpu.memory_space<vmem>>, vector<1x16x1x14xf32>
    %get3A_97 = vector.shape_cast %get3A_96 : vector<1x16x1x14xf32> to vector<16x14xf32>
    %swap3A_98 = arith.constant 0 : index
    %swap3A_99 = arith.constant 177 : index
    %swap3A_100 = vector.load %arg3[%swap3A_98, %swap3A_99] : memref<16x2560xf32, #tpu.memory_space<vmem>>, vector<16x14xf32>
    tpu.vector_store %arg3[%swap3A_98, %swap3A_99], %get3A_97 {strides = array<i32>} : memref<16x2560xf32, #tpu.memory_space<vmem>>, vector<16x14xf32>,
    %get3A_101 = arith.constant 0 : index
    %get3A_102 = arith.constant 0 : index
    %get3A_103 = arith.constant 11 : index
    %get3A_104 = arith.constant 0 : index
    %get3A_105 = vector.load %arg0[%get3A_101, %get3A_102, %get3A_103, %get3A_104] : memref<8x16x14x14xf32, #tpu.memory_space<vmem>>, vector<1x16x1x14xf32>
    %get3A_106 = vector.shape_cast %get3A_105 : vector<1x16x1x14xf32> to vector<16x14xf32>
    %swap3A_107 = arith.constant 0 : index
    %swap3A_108 = arith.constant 193 : index
    %swap3A_109 = vector.load %arg3[%swap3A_107, %swap3A_108] : memref<16x2560xf32, #tpu.memory_space<vmem>>, vector<16x14xf32>
    tpu.vector_store %arg3[%swap3A_107, %swap3A_108], %get3A_106 {strides = array<i32>} : memref<16x2560xf32, #tpu.memory_space<vmem>>, vector<16x14xf32>,
    %get3A_110 = arith.constant 0 : index
    %get3A_111 = arith.constant 0 : index
    %get3A_112 = arith.constant 12 : index
    %get3A_113 = arith.constant 0 : index
    %get3A_114 = vector.load %arg0[%get3A_110, %get3A_111, %get3A_112, %get3A_113] : memref<8x16x14x14xf32, #tpu.memory_space<vmem>>, vector<1x16x1x14xf32>
    %get3A_115 = vector.shape_cast %get3A_114 : vector<1x16x1x14xf32> to vector<16x14xf32>
    %swap3A_116 = arith.constant 0 : index
    %swap3A_117 = arith.constant 209 : index
    %swap3A_118 = vector.load %arg3[%swap3A_116, %swap3A_117] : memref<16x2560xf32, #tpu.memory_space<vmem>>, vector<16x14xf32>
    tpu.vector_store %arg3[%swap3A_116, %swap3A_117], %get3A_115 {strides = array<i32>} : memref<16x2560xf32, #tpu.memory_space<vmem>>, vector<16x14xf32>,
    %get3A_119 = arith.constant 0 : index
    %get3A_120 = arith.constant 0 : index
    %get3A_121 = arith.constant 13 : index
    %get3A_122 = arith.constant 0 : index
    %get3A_123 = vector.load %arg0[%get3A_119, %get3A_120, %get3A_121, %get3A_122] : memref<8x16x14x14xf32, #tpu.memory_space<vmem>>, vector<1x16x1x14xf32>
    %get3A_124 = vector.shape_cast %get3A_123 : vector<1x16x1x14xf32> to vector<16x14xf32>
    %swap3A_125 = arith.constant 0 : index
    %swap3A_126 = arith.constant 225 : index
    %swap3A_127 = vector.load %arg3[%swap3A_125, %swap3A_126] : memref<16x2560xf32, #tpu.memory_space<vmem>>, vector<16x14xf32>
    tpu.vector_store %arg3[%swap3A_125, %swap3A_126], %get3A_124 {strides = array<i32>} : memref<16x2560xf32, #tpu.memory_space<vmem>>, vector<16x14xf32>,
    %get3A_128 = arith.constant 1 : index
    %get3A_129 = arith.constant 0 : index
    %get3A_130 = arith.constant 0 : index
    %get3A_131 = arith.constant 0 : index
    %get3A_132 = vector.load %arg0[%get3A_128, %get3A_129, %get3A_130, %get3A_131] : memref<8x16x14x14xf32, #tpu.memory_space<vmem>>, vector<1x16x1x14xf32>
    %get3A_133 = vector.shape_cast %get3A_132 : vector<1x16x1x14xf32> to vector<16x14xf32>
    %swap3A_134 = arith.constant 0 : index
    %swap3A_135 = arith.constant 337 : index
    %swap3A_136 = vector.load %arg3[%swap3A_134, %swap3A_135] : memref<16x2560xf32, #tpu.memory_space<vmem>>, vector<16x14xf32>
    tpu.vector_store %arg3[%swap3A_134, %swap3A_135], %get3A_133 {strides = array<i32>} : memref<16x2560xf32, #tpu.memory_space<vmem>>, vector<16x14xf32>,
    %get3A_137 = arith.constant 1 : index
    %get3A_138 = arith.constant 0 : index
    %get3A_139 = arith.constant 1 : index
    %get3A_140 = arith.constant 0 : index
    %get3A_141 = vector.load %arg0[%get3A_137, %get3A_138, %get3A_139, %get3A_140] : memref<8x16x14x14xf32, #tpu.memory_space<vmem>>, vector<1x16x1x14xf32>
    %get3A_142 = vector.shape_cast %get3A_141 : vector<1x16x1x14xf32> to vector<16x14xf32>
    %swap3A_143 = arith.constant 0 : index
    %swap3A_144 = arith.constant 353 : index
    %swap3A_145 = vector.load %arg3[%swap3A_143, %swap3A_144] : memref<16x2560xf32, #tpu.memory_space<vmem>>, vector<16x14xf32>
    tpu.vector_store %arg3[%swap3A_143, %swap3A_144], %get3A_142 {strides = array<i32>} : memref<16x2560xf32, #tpu.memory_space<vmem>>, vector<16x14xf32>,
    %get3A_146 = arith.constant 1 : index
    %get3A_147 = arith.constant 0 : index
    %get3A_148 = arith.constant 2 : index
    %get3A_149 = arith.constant 0 : index
    %get3A_150 = vector.load %arg0[%get3A_146, %get3A_147, %get3A_148, %get3A_149] : memref<8x16x14x14xf32, #tpu.memory_space<vmem>>, vector<1x16x1x14xf32>
    %get3A_151 = vector.shape_cast %get3A_150 : vector<1x16x1x14xf32> to vector<16x14xf32>
    %swap3A_152 = arith.constant 0 : index
    %swap3A_153 = arith.constant 369 : index
    %swap3A_154 = vector.load %arg3[%swap3A_152, %swap3A_153] : memref<16x2560xf32, #tpu.memory_space<vmem>>, vector<16x14xf32>
    tpu.vector_store %arg3[%swap3A_152, %swap3A_153], %get3A_151 {strides = array<i32>} : memref<16x2560xf32, #tpu.memory_space<vmem>>, vector<16x14xf32>,
    %get3A_155 = arith.constant 1 : index
    %get3A_156 = arith.constant 0 : index
    %get3A_157 = arith.constant 3 : index
    %get3A_158 = arith.constant 0 : index
    %get3A_159 = vector.load %arg0[%get3A_155, %get3A_156, %get3A_157, %get3A_158] : memref<8x16x14x14xf32, #tpu.memory_space<vmem>>, vector<1x16x1x14xf32>
    %get3A_160 = vector.shape_cast %get3A_159 : vector<1x16x1x14xf32> to vector<16x14xf32>
    %swap3A_161 = arith.constant 0 : index
    %swap3A_162 = arith.constant 385 : index
    %swap3A_163 = vector.load %arg3[%swap3A_161, %swap3A_162] : memref<16x2560xf32, #tpu.memory_space<vmem>>, vector<16x14xf32>
    tpu.vector_store %arg3[%swap3A_161, %swap3A_162], %get3A_160 {strides = array<i32>} : memref<16x2560xf32, #tpu.memory_space<vmem>>, vector<16x14xf32>,
    %get3A_164 = arith.constant 1 : index
    %get3A_165 = arith.constant 0 : index
    %get3A_166 = arith.constant 4 : index
    %get3A_167 = arith.constant 0 : index
    %get3A_168 = vector.load %arg0[%get3A_164, %get3A_165, %get3A_166, %get3A_167] : memref<8x16x14x14xf32, #tpu.memory_space<vmem>>, vector<1x16x1x14xf32>
    %get3A_169 = vector.shape_cast %get3A_168 : vector<1x16x1x14xf32> to vector<16x14xf32>
    %swap3A_170 = arith.constant 0 : index
    %swap3A_171 = arith.constant 401 : index
    %swap3A_172 = vector.load %arg3[%swap3A_170, %swap3A_171] : memref<16x2560xf32, #tpu.memory_space<vmem>>, vector<16x14xf32>
    tpu.vector_store %arg3[%swap3A_170, %swap3A_171], %get3A_169 {strides = array<i32>} : memref<16x2560xf32, #tpu.memory_space<vmem>>, vector<16x14xf32>,
    %get3A_173 = arith.constant 1 : index
    %get3A_174 = arith.constant 0 : index
    %get3A_175 = arith.constant 5 : index
    %get3A_176 = arith.constant 0 : index
    %get3A_177 = vector.load %arg0[%get3A_173, %get3A_174, %get3A_175, %get3A_176] : memref<8x16x14x14xf32, #tpu.memory_space<vmem>>, vector<1x16x1x14xf32>
    %get3A_178 = vector.shape_cast %get3A_177 : vector<1x16x1x14xf32> to vector<16x14xf32>
    %swap3A_179 = arith.constant 0 : index
    %swap3A_180 = arith.constant 417 : index
    %swap3A_181 = vector.load %arg3[%swap3A_179, %swap3A_180] : memref<16x2560xf32, #tpu.memory_space<vmem>>, vector<16x14xf32>
    tpu.vector_store %arg3[%swap3A_179, %swap3A_180], %get3A_178 {strides = array<i32>} : memref<16x2560xf32, #tpu.memory_space<vmem>>, vector<16x14xf32>,
    %get3A_182 = arith.constant 1 : index
    %get3A_183 = arith.constant 0 : index
    %get3A_184 = arith.constant 6 : index
    %get3A_185 = arith.constant 0 : index
    %get3A_186 = vector.load %arg0[%get3A_182, %get3A_183, %get3A_184, %get3A_185] : memref<8x16x14x14xf32, #tpu.memory_space<vmem>>, vector<1x16x1x14xf32>
    %get3A_187 = vector.shape_cast %get3A_186 : vector<1x16x1x14xf32> to vector<16x14xf32>
    %swap3A_188 = arith.constant 0 : index
    %swap3A_189 = arith.constant 433 : index
    %swap3A_190 = vector.load %arg3[%swap3A_188, %swap3A_189] : memref<16x2560xf32, #tpu.memory_space<vmem>>, vector<16x14xf32>
    tpu.vector_store %arg3[%swap3A_188, %swap3A_189], %get3A_187 {strides = array<i32>} : memref<16x2560xf32, #tpu.memory_space<vmem>>, vector<16x14xf32>,
    %get3A_191 = arith.constant 1 : index
    %get3A_192 = arith.constant 0 : index
    %get3A_193 = arith.constant 7 : index
    %get3A_194 = arith.constant 0 : index
    %get3A_195 = vector.load %arg0[%get3A_191, %get3A_192, %get3A_193, %get3A_194] : memref<8x16x14x14xf32, #tpu.memory_space<vmem>>, vector<1x16x1x14xf32>
    %get3A_196 = vector.shape_cast %get3A_195 : vector<1x16x1x14xf32> to vector<16x14xf32>
    %swap3A_197 = arith.constant 0 : index
    %swap3A_198 = arith.constant 449 : index
    %swap3A_199 = vector.load %arg3[%swap3A_197, %swap3A_198] : memref<16x2560xf32, #tpu.memory_space<vmem>>, vector<16x14xf32>
    tpu.vector_store %arg3[%swap3A_197, %swap3A_198], %get3A_196 {strides = array<i32>} : memref<16x2560xf32, #tpu.memory_space<vmem>>, vector<16x14xf32>,
    %get3A_200 = arith.constant 1 : index
    %get3A_201 = arith.constant 0 : index
    %get3A_202 = arith.constant 8 : index
    %get3A_203 = arith.constant 0 : index
    %get3A_204 = vector.load %arg0[%get3A_200, %get3A_201, %get3A_202, %get3A_203] : memref<8x16x14x14xf32, #tpu.memory_space<vmem>>, vector<1x16x1x14xf32>
    %get3A_205 = vector.shape_cast %get3A_204 : vector<1x16x1x14xf32> to vector<16x14xf32>
    %swap3A_206 = arith.constant 0 : index
    %swap3A_207 = arith.constant 465 : index
    %swap3A_208 = vector.load %arg3[%swap3A_206, %swap3A_207] : memref<16x2560xf32, #tpu.memory_space<vmem>>, vector<16x14xf32>
    tpu.vector_store %arg3[%swap3A_206, %swap3A_207], %get3A_205 {strides = array<i32>} : memref<16x2560xf32, #tpu.memory_space<vmem>>, vector<16x14xf32>,
    %get3A_209 = arith.constant 1 : index
    %get3A_210 = arith.constant 0 : index
    %get3A_211 = arith.constant 9 : index
    %get3A_212 = arith.constant 0 : index
    %get3A_213 = vector.load %arg0[%get3A_209, %get3A_210, %get3A_211, %get3A_212] : memref<8x16x14x14xf32, #tpu.memory_space<vmem>>, vector<1x16x1x14xf32>
    %get3A_214 = vector.shape_cast %get3A_213 : vector<1x16x1x14xf32> to vector<16x14xf32>
    %swap3A_215 = arith.constant 0 : index
    %swap3A_216 = arith.constant 481 : index
    %swap3A_217 = vector.load %arg3[%swap3A_215, %swap3A_216] : memref<16x2560xf32, #tpu.memory_space<vmem>>, vector<16x14xf32>
    tpu.vector_store %arg3[%swap3A_215, %swap3A_216], %get3A_214 {strides = array<i32>} : memref<16x2560xf32, #tpu.memory_space<vmem>>, vector<16x14xf32>,
    %get3A_218 = arith.constant 1 : index
    %get3A_219 = arith.constant 0 : index
    %get3A_220 = arith.constant 10 : index
    %get3A_221 = arith.constant 0 : index
    %get3A_222 = vector.load %arg0[%get3A_218, %get3A_219, %get3A_220, %get3A_221] : memref<8x16x14x14xf32, #tpu.memory_space<vmem>>, vector<1x16x1x14xf32>
    %get3A_223 = vector.shape_cast %get3A_222 : vector<1x16x1x14xf32> to vector<16x14xf32>
    %swap3A_224 = arith.constant 0 : index
    %swap3A_225 = arith.constant 497 : index
    %swap3A_226 = vector.load %arg3[%swap3A_224, %swap3A_225] : memref<16x2560xf32, #tpu.memory_space<vmem>>, vector<16x14xf32>
    tpu.vector_store %arg3[%swap3A_224, %swap3A_225], %get3A_223 {strides = array<i32>} : memref<16x2560xf32, #tpu.memory_space<vmem>>, vector<16x14xf32>,
    %get3A_227 = arith.constant 1 : index
    %get3A_228 = arith.constant 0 : index
    %get3A_229 = arith.constant 11 : index
    %get3A_230 = arith.constant 0 : index
    %get3A_231 = vector.load %arg0[%get3A_227, %get3A_228, %get3A_229, %get3A_230] : memref<8x16x14x14xf32, #tpu.memory_space<vmem>>, vector<1x16x1x14xf32>
    %get3A_232 = vector.shape_cast %get3A_231 : vector<1x16x1x14xf32> to vector<16x14xf32>
    %swap3A_233 = arith.constant 0 : index
    %swap3A_234 = arith.constant 513 : index
    %swap3A_235 = vector.load %arg3[%swap3A_233, %swap3A_234] : memref<16x2560xf32, #tpu.memory_space<vmem>>, vector<16x14xf32>
    tpu.vector_store %arg3[%swap3A_233, %swap3A_234], %get3A_232 {strides = array<i32>} : memref<16x2560xf32, #tpu.memory_space<vmem>>, vector<16x14xf32>,
    %get3A_236 = arith.constant 1 : index
    %get3A_237 = arith.constant 0 : index
    %get3A_238 = arith.constant 12 : index
    %get3A_239 = arith.constant 0 : index
    %get3A_240 = vector.load %arg0[%get3A_236, %get3A_237, %get3A_238, %get3A_239] : memref<8x16x14x14xf32, #tpu.memory_space<vmem>>, vector<1x16x1x14xf32>
    %get3A_241 = vector.shape_cast %get3A_240 : vector<1x16x1x14xf32> to vector<16x14xf32>
    %swap3A_242 = arith.constant 0 : index
    %swap3A_243 = arith.constant 529 : index
    %swap3A_244 = vector.load %arg3[%swap3A_242, %swap3A_243] : memref<16x2560xf32, #tpu.memory_space<vmem>>, vector<16x14xf32>
    tpu.vector_store %arg3[%swap3A_242, %swap3A_243], %get3A_241 {strides = array<i32>} : memref<16x2560xf32, #tpu.memory_space<vmem>>, vector<16x14xf32>,
    %get3A_245 = arith.constant 1 : index
    %get3A_246 = arith.constant 0 : index
    %get3A_247 = arith.constant 13 : index
    %get3A_248 = arith.constant 0 : index
    %get3A_249 = vector.load %arg0[%get3A_245, %get3A_246, %get3A_247, %get3A_248] : memref<8x16x14x14xf32, #tpu.memory_space<vmem>>, vector<1x16x1x14xf32>
    %get3A_250 = vector.shape_cast %get3A_249 : vector<1x16x1x14xf32> to vector<16x14xf32>
    %swap3A_251 = arith.constant 0 : index
    %swap3A_252 = arith.constant 545 : index
    %swap3A_253 = vector.load %arg3[%swap3A_251, %swap3A_252] : memref<16x2560xf32, #tpu.memory_space<vmem>>, vector<16x14xf32>
    tpu.vector_store %arg3[%swap3A_251, %swap3A_252], %get3A_250 {strides = array<i32>} : memref<16x2560xf32, #tpu.memory_space<vmem>>, vector<16x14xf32>,
    %get3A_254 = arith.constant 2 : index
    %get3A_255 = arith.constant 0 : index
    %get3A_256 = arith.constant 0 : index
    %get3A_257 = arith.constant 0 : index
    %get3A_258 = vector.load %arg0[%get3A_254, %get3A_255, %get3A_256, %get3A_257] : memref<8x16x14x14xf32, #tpu.memory_space<vmem>>, vector<1x16x1x14xf32>
    %get3A_259 = vector.shape_cast %get3A_258 : vector<1x16x1x14xf32> to vector<16x14xf32>
    %swap3A_260 = arith.constant 0 : index
    %swap3A_261 = arith.constant 657 : index
    %swap3A_262 = vector.load %arg3[%swap3A_260, %swap3A_261] : memref<16x2560xf32, #tpu.memory_space<vmem>>, vector<16x14xf32>
    tpu.vector_store %arg3[%swap3A_260, %swap3A_261], %get3A_259 {strides = array<i32>} : memref<16x2560xf32, #tpu.memory_space<vmem>>, vector<16x14xf32>,
    %get3A_263 = arith.constant 2 : index
    %get3A_264 = arith.constant 0 : index
    %get3A_265 = arith.constant 1 : index
    %get3A_266 = arith.constant 0 : index
    %get3A_267 = vector.load %arg0[%get3A_263, %get3A_264, %get3A_265, %get3A_266] : memref<8x16x14x14xf32, #tpu.memory_space<vmem>>, vector<1x16x1x14xf32>
    %get3A_268 = vector.shape_cast %get3A_267 : vector<1x16x1x14xf32> to vector<16x14xf32>
    %swap3A_269 = arith.constant 0 : index
    %swap3A_270 = arith.constant 673 : index
    %swap3A_271 = vector.load %arg3[%swap3A_269, %swap3A_270] : memref<16x2560xf32, #tpu.memory_space<vmem>>, vector<16x14xf32>
    tpu.vector_store %arg3[%swap3A_269, %swap3A_270], %get3A_268 {strides = array<i32>} : memref<16x2560xf32, #tpu.memory_space<vmem>>, vector<16x14xf32>,
    %get3A_272 = arith.constant 2 : index
    %get3A_273 = arith.constant 0 : index
    %get3A_274 = arith.constant 2 : index
    %get3A_275 = arith.constant 0 : index
    %get3A_276 = vector.load %arg0[%get3A_272, %get3A_273, %get3A_274, %get3A_275] : memref<8x16x14x14xf32, #tpu.memory_space<vmem>>, vector<1x16x1x14xf32>
    %get3A_277 = vector.shape_cast %get3A_276 : vector<1x16x1x14xf32> to vector<16x14xf32>
    %swap3A_278 = arith.constant 0 : index
    %swap3A_279 = arith.constant 689 : index
    %swap3A_280 = vector.load %arg3[%swap3A_278, %swap3A_279] : memref<16x2560xf32, #tpu.memory_space<vmem>>, vector<16x14xf32>
    tpu.vector_store %arg3[%swap3A_278, %swap3A_279], %get3A_277 {strides = array<i32>} : memref<16x2560xf32, #tpu.memory_space<vmem>>, vector<16x14xf32>,
    %get3A_281 = arith.constant 2 : index
    %get3A_282 = arith.constant 0 : index
    %get3A_283 = arith.constant 3 : index
    %get3A_284 = arith.constant 0 : index
    %get3A_285 = vector.load %arg0[%get3A_281, %get3A_282, %get3A_283, %get3A_284] : memref<8x16x14x14xf32, #tpu.memory_space<vmem>>, vector<1x16x1x14xf32>
    %get3A_286 = vector.shape_cast %get3A_285 : vector<1x16x1x14xf32> to vector<16x14xf32>
    %swap3A_287 = arith.constant 0 : index
    %swap3A_288 = arith.constant 705 : index
    %swap3A_289 = vector.load %arg3[%swap3A_287, %swap3A_288] : memref<16x2560xf32, #tpu.memory_space<vmem>>, vector<16x14xf32>
    tpu.vector_store %arg3[%swap3A_287, %swap3A_288], %get3A_286 {strides = array<i32>} : memref<16x2560xf32, #tpu.memory_space<vmem>>, vector<16x14xf32>,
    %get3A_290 = arith.constant 2 : index
    %get3A_291 = arith.constant 0 : index
    %get3A_292 = arith.constant 4 : index
    %get3A_293 = arith.constant 0 : index
    %get3A_294 = vector.load %arg0[%get3A_290, %get3A_291, %get3A_292, %get3A_293] : memref<8x16x14x14xf32, #tpu.memory_space<vmem>>, vector<1x16x1x14xf32>
    %get3A_295 = vector.shape_cast %get3A_294 : vector<1x16x1x14xf32> to vector<16x14xf32>
    %swap3A_296 = arith.constant 0 : index
    %swap3A_297 = arith.constant 721 : index
    %swap3A_298 = vector.load %arg3[%swap3A_296, %swap3A_297] : memref<16x2560xf32, #tpu.memory_space<vmem>>, vector<16x14xf32>
    tpu.vector_store %arg3[%swap3A_296, %swap3A_297], %get3A_295 {strides = array<i32>} : memref<16x2560xf32, #tpu.memory_space<vmem>>, vector<16x14xf32>,
    %get3A_299 = arith.constant 2 : index
    %get3A_300 = arith.constant 0 : index
    %get3A_301 = arith.constant 5 : index
    %get3A_302 = arith.constant 0 : index
    %get3A_303 = vector.load %arg0[%get3A_299, %get3A_300, %get3A_301, %get3A_302] : memref<8x16x14x14xf32, #tpu.memory_space<vmem>>, vector<1x16x1x14xf32>
    %get3A_304 = vector.shape_cast %get3A_303 : vector<1x16x1x14xf32> to vector<16x14xf32>
    %swap3A_305 = arith.constant 0 : index
    %swap3A_306 = arith.constant 737 : index
    %swap3A_307 = vector.load %arg3[%swap3A_305, %swap3A_306] : memref<16x2560xf32, #tpu.memory_space<vmem>>, vector<16x14xf32>
    tpu.vector_store %arg3[%swap3A_305, %swap3A_306], %get3A_304 {strides = array<i32>} : memref<16x2560xf32, #tpu.memory_space<vmem>>, vector<16x14xf32>,
    %get3A_308 = arith.constant 2 : index
    %get3A_309 = arith.constant 0 : index
    %get3A_310 = arith.constant 6 : index
    %get3A_311 = arith.constant 0 : index
    %get3A_312 = vector.load %arg0[%get3A_308, %get3A_309, %get3A_310, %get3A_311] : memref<8x16x14x14xf32, #tpu.memory_space<vmem>>, vector<1x16x1x14xf32>
    %get3A_313 = vector.shape_cast %get3A_312 : vector<1x16x1x14xf32> to vector<16x14xf32>
    %swap3A_314 = arith.constant 0 : index
    %swap3A_315 = arith.constant 753 : index
    %swap3A_316 = vector.load %arg3[%swap3A_314, %swap3A_315] : memref<16x2560xf32, #tpu.memory_space<vmem>>, vector<16x14xf32>
    tpu.vector_store %arg3[%swap3A_314, %swap3A_315], %get3A_313 {strides = array<i32>} : memref<16x2560xf32, #tpu.memory_space<vmem>>, vector<16x14xf32>,
    %get3A_317 = arith.constant 2 : index
    %get3A_318 = arith.constant 0 : index
    %get3A_319 = arith.constant 7 : index
    %get3A_320 = arith.constant 0 : index
    %get3A_321 = vector.load %arg0[%get3A_317, %get3A_318, %get3A_319, %get3A_320] : memref<8x16x14x14xf32, #tpu.memory_space<vmem>>, vector<1x16x1x14xf32>
    %get3A_322 = vector.shape_cast %get3A_321 : vector<1x16x1x14xf32> to vector<16x14xf32>
    %swap3A_323 = arith.constant 0 : index
    %swap3A_324 = arith.constant 769 : index
    %swap3A_325 = vector.load %arg3[%swap3A_323, %swap3A_324] : memref<16x2560xf32, #tpu.memory_space<vmem>>, vector<16x14xf32>
    tpu.vector_store %arg3[%swap3A_323, %swap3A_324], %get3A_322 {strides = array<i32>} : memref<16x2560xf32, #tpu.memory_space<vmem>>, vector<16x14xf32>,
    %get3A_326 = arith.constant 2 : index
    %get3A_327 = arith.constant 0 : index
    %get3A_328 = arith.constant 8 : index
    %get3A_329 = arith.constant 0 : index
    %get3A_330 = vector.load %arg0[%get3A_326, %get3A_327, %get3A_328, %get3A_329] : memref<8x16x14x14xf32, #tpu.memory_space<vmem>>, vector<1x16x1x14xf32>
    %get3A_331 = vector.shape_cast %get3A_330 : vector<1x16x1x14xf32> to vector<16x14xf32>
    %swap3A_332 = arith.constant 0 : index
    %swap3A_333 = arith.constant 785 : index
    %swap3A_334 = vector.load %arg3[%swap3A_332, %swap3A_333] : memref<16x2560xf32, #tpu.memory_space<vmem>>, vector<16x14xf32>
    tpu.vector_store %arg3[%swap3A_332, %swap3A_333], %get3A_331 {strides = array<i32>} : memref<16x2560xf32, #tpu.memory_space<vmem>>, vector<16x14xf32>,
    %get3A_335 = arith.constant 2 : index
    %get3A_336 = arith.constant 0 : index
    %get3A_337 = arith.constant 9 : index
    %get3A_338 = arith.constant 0 : index
    %get3A_339 = vector.load %arg0[%get3A_335, %get3A_336, %get3A_337, %get3A_338] : memref<8x16x14x14xf32, #tpu.memory_space<vmem>>, vector<1x16x1x14xf32>
    %get3A_340 = vector.shape_cast %get3A_339 : vector<1x16x1x14xf32> to vector<16x14xf32>
    %swap3A_341 = arith.constant 0 : index
    %swap3A_342 = arith.constant 801 : index
    %swap3A_343 = vector.load %arg3[%swap3A_341, %swap3A_342] : memref<16x2560xf32, #tpu.memory_space<vmem>>, vector<16x14xf32>
    tpu.vector_store %arg3[%swap3A_341, %swap3A_342], %get3A_340 {strides = array<i32>} : memref<16x2560xf32, #tpu.memory_space<vmem>>, vector<16x14xf32>,
    %get3A_344 = arith.constant 2 : index
    %get3A_345 = arith.constant 0 : index
    %get3A_346 = arith.constant 10 : index
    %get3A_347 = arith.constant 0 : index
    %get3A_348 = vector.load %arg0[%get3A_344, %get3A_345, %get3A_346, %get3A_347] : memref<8x16x14x14xf32, #tpu.memory_space<vmem>>, vector<1x16x1x14xf32>
    %get3A_349 = vector.shape_cast %get3A_348 : vector<1x16x1x14xf32> to vector<16x14xf32>
    %swap3A_350 = arith.constant 0 : index
    %swap3A_351 = arith.constant 817 : index
    %swap3A_352 = vector.load %arg3[%swap3A_350, %swap3A_351] : memref<16x2560xf32, #tpu.memory_space<vmem>>, vector<16x14xf32>
    tpu.vector_store %arg3[%swap3A_350, %swap3A_351], %get3A_349 {strides = array<i32>} : memref<16x2560xf32, #tpu.memory_space<vmem>>, vector<16x14xf32>,
    %get3A_353 = arith.constant 2 : index
    %get3A_354 = arith.constant 0 : index
    %get3A_355 = arith.constant 11 : index
    %get3A_356 = arith.constant 0 : index
    %get3A_357 = vector.load %arg0[%get3A_353, %get3A_354, %get3A_355, %get3A_356] : memref<8x16x14x14xf32, #tpu.memory_space<vmem>>, vector<1x16x1x14xf32>
    %get3A_358 = vector.shape_cast %get3A_357 : vector<1x16x1x14xf32> to vector<16x14xf32>
    %swap3A_359 = arith.constant 0 : index
    %swap3A_360 = arith.constant 833 : index
    %swap3A_361 = vector.load %arg3[%swap3A_359, %swap3A_360] : memref<16x2560xf32, #tpu.memory_space<vmem>>, vector<16x14xf32>
    tpu.vector_store %arg3[%swap3A_359, %swap3A_360], %get3A_358 {strides = array<i32>} : memref<16x2560xf32, #tpu.memory_space<vmem>>, vector<16x14xf32>,
    %get3A_362 = arith.constant 2 : index
    %get3A_363 = arith.constant 0 : index
    %get3A_364 = arith.constant 12 : index
    %get3A_365 = arith.constant 0 : index
    %get3A_366 = vector.load %arg0[%get3A_362, %get3A_363, %get3A_364, %get3A_365] : memref<8x16x14x14xf32, #tpu.memory_space<vmem>>, vector<1x16x1x14xf32>
    %get3A_367 = vector.shape_cast %get3A_366 : vector<1x16x1x14xf32> to vector<16x14xf32>
    %swap3A_368 = arith.constant 0 : index
    %swap3A_369 = arith.constant 849 : index
    %swap3A_370 = vector.load %arg3[%swap3A_368, %swap3A_369] : memref<16x2560xf32, #tpu.memory_space<vmem>>, vector<16x14xf32>
    tpu.vector_store %arg3[%swap3A_368, %swap3A_369], %get3A_367 {strides = array<i32>} : memref<16x2560xf32, #tpu.memory_space<vmem>>, vector<16x14xf32>,
    %get3A_371 = arith.constant 2 : index
    %get3A_372 = arith.constant 0 : index
    %get3A_373 = arith.constant 13 : index
    %get3A_374 = arith.constant 0 : index
    %get3A_375 = vector.load %arg0[%get3A_371, %get3A_372, %get3A_373, %get3A_374] : memref<8x16x14x14xf32, #tpu.memory_space<vmem>>, vector<1x16x1x14xf32>
    %get3A_376 = vector.shape_cast %get3A_375 : vector<1x16x1x14xf32> to vector<16x14xf32>
    %swap3A_377 = arith.constant 0 : index
    %swap3A_378 = arith.constant 865 : index
    %swap3A_379 = vector.load %arg3[%swap3A_377, %swap3A_378] : memref<16x2560xf32, #tpu.memory_space<vmem>>, vector<16x14xf32>
    tpu.vector_store %arg3[%swap3A_377, %swap3A_378], %get3A_376 {strides = array<i32>} : memref<16x2560xf32, #tpu.memory_space<vmem>>, vector<16x14xf32>,
    %get3A_380 = arith.constant 3 : index
    %get3A_381 = arith.constant 0 : index
    %get3A_382 = arith.constant 0 : index
    %get3A_383 = arith.constant 0 : index
    %get3A_384 = vector.load %arg0[%get3A_380, %get3A_381, %get3A_382, %get3A_383] : memref<8x16x14x14xf32, #tpu.memory_space<vmem>>, vector<1x16x1x14xf32>
    %get3A_385 = vector.shape_cast %get3A_384 : vector<1x16x1x14xf32> to vector<16x14xf32>
    %swap3A_386 = arith.constant 0 : index
    %swap3A_387 = arith.constant 977 : index
    %swap3A_388 = vector.load %arg3[%swap3A_386, %swap3A_387] : memref<16x2560xf32, #tpu.memory_space<vmem>>, vector<16x14xf32>
    tpu.vector_store %arg3[%swap3A_386, %swap3A_387], %get3A_385 {strides = array<i32>} : memref<16x2560xf32, #tpu.memory_space<vmem>>, vector<16x14xf32>,
    %get3A_389 = arith.constant 3 : index
    %get3A_390 = arith.constant 0 : index
    %get3A_391 = arith.constant 1 : index
    %get3A_392 = arith.constant 0 : index
    %get3A_393 = vector.load %arg0[%get3A_389, %get3A_390, %get3A_391, %get3A_392] : memref<8x16x14x14xf32, #tpu.memory_space<vmem>>, vector<1x16x1x14xf32>
    %get3A_394 = vector.shape_cast %get3A_393 : vector<1x16x1x14xf32> to vector<16x14xf32>
    %swap3A_395 = arith.constant 0 : index
    %swap3A_396 = arith.constant 993 : index
    %swap3A_397 = vector.load %arg3[%swap3A_395, %swap3A_396] : memref<16x2560xf32, #tpu.memory_space<vmem>>, vector<16x14xf32>
    tpu.vector_store %arg3[%swap3A_395, %swap3A_396], %get3A_394 {strides = array<i32>} : memref<16x2560xf32, #tpu.memory_space<vmem>>, vector<16x14xf32>,
    %get3A_398 = arith.constant 3 : index
    %get3A_399 = arith.constant 0 : index
    %get3A_400 = arith.constant 2 : index
    %get3A_401 = arith.constant 0 : index
    %get3A_402 = vector.load %arg0[%get3A_398, %get3A_399, %get3A_400, %get3A_401] : memref<8x16x14x14xf32, #tpu.memory_space<vmem>>, vector<1x16x1x14xf32>
    %get3A_403 = vector.shape_cast %get3A_402 : vector<1x16x1x14xf32> to vector<16x14xf32>
    %swap3A_404 = arith.constant 0 : index
    %swap3A_405 = arith.constant 1009 : index
    %swap3A_406 = vector.load %arg3[%swap3A_404, %swap3A_405] : memref<16x2560xf32, #tpu.memory_space<vmem>>, vector<16x14xf32>
    tpu.vector_store %arg3[%swap3A_404, %swap3A_405], %get3A_403 {strides = array<i32>} : memref<16x2560xf32, #tpu.memory_space<vmem>>, vector<16x14xf32>,
    %get3A_407 = arith.constant 3 : index
    %get3A_408 = arith.constant 0 : index
    %get3A_409 = arith.constant 3 : index
    %get3A_410 = arith.constant 0 : index
    %get3A_411 = vector.load %arg0[%get3A_407, %get3A_408, %get3A_409, %get3A_410] : memref<8x16x14x14xf32, #tpu.memory_space<vmem>>, vector<1x16x1x14xf32>
    %get3A_412 = vector.shape_cast %get3A_411 : vector<1x16x1x14xf32> to vector<16x14xf32>
    %swap3A_413 = arith.constant 0 : index
    %swap3A_414 = arith.constant 1025 : index
    %swap3A_415 = vector.load %arg3[%swap3A_413, %swap3A_414] : memref<16x2560xf32, #tpu.memory_space<vmem>>, vector<16x14xf32>
    tpu.vector_store %arg3[%swap3A_413, %swap3A_414], %get3A_412 {strides = array<i32>} : memref<16x2560xf32, #tpu.memory_space<vmem>>, vector<16x14xf32>,
    %get3A_416 = arith.constant 3 : index
    %get3A_417 = arith.constant 0 : index
    %get3A_418 = arith.constant 4 : index
    %get3A_419 = arith.constant 0 : index
    %get3A_420 = vector.load %arg0[%get3A_416, %get3A_417, %get3A_418, %get3A_419] : memref<8x16x14x14xf32, #tpu.memory_space<vmem>>, vector<1x16x1x14xf32>
    %get3A_421 = vector.shape_cast %get3A_420 : vector<1x16x1x14xf32> to vector<16x14xf32>
    %swap3A_422 = arith.constant 0 : index
    %swap3A_423 = arith.constant 1041 : index
    %swap3A_424 = vector.load %arg3[%swap3A_422, %swap3A_423] : memref<16x2560xf32, #tpu.memory_space<vmem>>, vector<16x14xf32>
    tpu.vector_store %arg3[%swap3A_422, %swap3A_423], %get3A_421 {strides = array<i32>} : memref<16x2560xf32, #tpu.memory_space<vmem>>, vector<16x14xf32>,
    %get3A_425 = arith.constant 3 : index
    %get3A_426 = arith.constant 0 : index
    %get3A_427 = arith.constant 5 : index
    %get3A_428 = arith.constant 0 : index
    %get3A_429 = vector.load %arg0[%get3A_425, %get3A_426, %get3A_427, %get3A_428] : memref<8x16x14x14xf32, #tpu.memory_space<vmem>>, vector<1x16x1x14xf32>
    %get3A_430 = vector.shape_cast %get3A_429 : vector<1x16x1x14xf32> to vector<16x14xf32>
    %swap3A_431 = arith.constant 0 : index
    %swap3A_432 = arith.constant 1057 : index
    %swap3A_433 = vector.load %arg3[%swap3A_431, %swap3A_432] : memref<16x2560xf32, #tpu.memory_space<vmem>>, vector<16x14xf32>
    tpu.vector_store %arg3[%swap3A_431, %swap3A_432], %get3A_430 {strides = array<i32>} : memref<16x2560xf32, #tpu.memory_space<vmem>>, vector<16x14xf32>,
    %get3A_434 = arith.constant 3 : index
    %get3A_435 = arith.constant 0 : index
    %get3A_436 = arith.constant 6 : index
    %get3A_437 = arith.constant 0 : index
    %get3A_438 = vector.load %arg0[%get3A_434, %get3A_435, %get3A_436, %get3A_437] : memref<8x16x14x14xf32, #tpu.memory_space<vmem>>, vector<1x16x1x14xf32>
    %get3A_439 = vector.shape_cast %get3A_438 : vector<1x16x1x14xf32> to vector<16x14xf32>
    %swap3A_440 = arith.constant 0 : index
    %swap3A_441 = arith.constant 1073 : index
    %swap3A_442 = vector.load %arg3[%swap3A_440, %swap3A_441] : memref<16x2560xf32, #tpu.memory_space<vmem>>, vector<16x14xf32>
    tpu.vector_store %arg3[%swap3A_440, %swap3A_441], %get3A_439 {strides = array<i32>} : memref<16x2560xf32, #tpu.memory_space<vmem>>, vector<16x14xf32>,
    %get3A_443 = arith.constant 3 : index
    %get3A_444 = arith.constant 0 : index
    %get3A_445 = arith.constant 7 : index
    %get3A_446 = arith.constant 0 : index
    %get3A_447 = vector.load %arg0[%get3A_443, %get3A_444, %get3A_445, %get3A_446] : memref<8x16x14x14xf32, #tpu.memory_space<vmem>>, vector<1x16x1x14xf32>
    %get3A_448 = vector.shape_cast %get3A_447 : vector<1x16x1x14xf32> to vector<16x14xf32>
    %swap3A_449 = arith.constant 0 : index
    %swap3A_450 = arith.constant 1089 : index
    %swap3A_451 = vector.load %arg3[%swap3A_449, %swap3A_450] : memref<16x2560xf32, #tpu.memory_space<vmem>>, vector<16x14xf32>
    tpu.vector_store %arg3[%swap3A_449, %swap3A_450], %get3A_448 {strides = array<i32>} : memref<16x2560xf32, #tpu.memory_space<vmem>>, vector<16x14xf32>,
    %get3A_452 = arith.constant 3 : index
    %get3A_453 = arith.constant 0 : index
    %get3A_454 = arith.constant 8 : index
    %get3A_455 = arith.constant 0 : index
    %get3A_456 = vector.load %arg0[%get3A_452, %get3A_453, %get3A_454, %get3A_455] : memref<8x16x14x14xf32, #tpu.memory_space<vmem>>, vector<1x16x1x14xf32>
    %get3A_457 = vector.shape_cast %get3A_456 : vector<1x16x1x14xf32> to vector<16x14xf32>
    %swap3A_458 = arith.constant 0 : index
    %swap3A_459 = arith.constant 1105 : index
    %swap3A_460 = vector.load %arg3[%swap3A_458, %swap3A_459] : memref<16x2560xf32, #tpu.memory_space<vmem>>, vector<16x14xf32>
    tpu.vector_store %arg3[%swap3A_458, %swap3A_459], %get3A_457 {strides = array<i32>} : memref<16x2560xf32, #tpu.memory_space<vmem>>, vector<16x14xf32>,
    %get3A_461 = arith.constant 3 : index
    %get3A_462 = arith.constant 0 : index
    %get3A_463 = arith.constant 9 : index
    %get3A_464 = arith.constant 0 : index
    %get3A_465 = vector.load %arg0[%get3A_461, %get3A_462, %get3A_463, %get3A_464] : memref<8x16x14x14xf32, #tpu.memory_space<vmem>>, vector<1x16x1x14xf32>
    %get3A_466 = vector.shape_cast %get3A_465 : vector<1x16x1x14xf32> to vector<16x14xf32>
    %swap3A_467 = arith.constant 0 : index
    %swap3A_468 = arith.constant 1121 : index
    %swap3A_469 = vector.load %arg3[%swap3A_467, %swap3A_468] : memref<16x2560xf32, #tpu.memory_space<vmem>>, vector<16x14xf32>
    tpu.vector_store %arg3[%swap3A_467, %swap3A_468], %get3A_466 {strides = array<i32>} : memref<16x2560xf32, #tpu.memory_space<vmem>>, vector<16x14xf32>,
    %get3A_470 = arith.constant 3 : index
    %get3A_471 = arith.constant 0 : index
    %get3A_472 = arith.constant 10 : index
    %get3A_473 = arith.constant 0 : index
    %get3A_474 = vector.load %arg0[%get3A_470, %get3A_471, %get3A_472, %get3A_473] : memref<8x16x14x14xf32, #tpu.memory_space<vmem>>, vector<1x16x1x14xf32>
    %get3A_475 = vector.shape_cast %get3A_474 : vector<1x16x1x14xf32> to vector<16x14xf32>
    %swap3A_476 = arith.constant 0 : index
    %swap3A_477 = arith.constant 1137 : index
    %swap3A_478 = vector.load %arg3[%swap3A_476, %swap3A_477] : memref<16x2560xf32, #tpu.memory_space<vmem>>, vector<16x14xf32>
    tpu.vector_store %arg3[%swap3A_476, %swap3A_477], %get3A_475 {strides = array<i32>} : memref<16x2560xf32, #tpu.memory_space<vmem>>, vector<16x14xf32>,
    %get3A_479 = arith.constant 3 : index
    %get3A_480 = arith.constant 0 : index
    %get3A_481 = arith.constant 11 : index
    %get3A_482 = arith.constant 0 : index
    %get3A_483 = vector.load %arg0[%get3A_479, %get3A_480, %get3A_481, %get3A_482] : memref<8x16x14x14xf32, #tpu.memory_space<vmem>>, vector<1x16x1x14xf32>
    %get3A_484 = vector.shape_cast %get3A_483 : vector<1x16x1x14xf32> to vector<16x14xf32>
    %swap3A_485 = arith.constant 0 : index
    %swap3A_486 = arith.constant 1153 : index
    %swap3A_487 = vector.load %arg3[%swap3A_485, %swap3A_486] : memref<16x2560xf32, #tpu.memory_space<vmem>>, vector<16x14xf32>
    tpu.vector_store %arg3[%swap3A_485, %swap3A_486], %get3A_484 {strides = array<i32>} : memref<16x2560xf32, #tpu.memory_space<vmem>>, vector<16x14xf32>,
    %get3A_488 = arith.constant 3 : index
    %get3A_489 = arith.constant 0 : index
    %get3A_490 = arith.constant 12 : index
    %get3A_491 = arith.constant 0 : index
    %get3A_492 = vector.load %arg0[%get3A_488, %get3A_489, %get3A_490, %get3A_491] : memref<8x16x14x14xf32, #tpu.memory_space<vmem>>, vector<1x16x1x14xf32>
    %get3A_493 = vector.shape_cast %get3A_492 : vector<1x16x1x14xf32> to vector<16x14xf32>
    %swap3A_494 = arith.constant 0 : index
    %swap3A_495 = arith.constant 1169 : index
    %swap3A_496 = vector.load %arg3[%swap3A_494, %swap3A_495] : memref<16x2560xf32, #tpu.memory_space<vmem>>, vector<16x14xf32>
    tpu.vector_store %arg3[%swap3A_494, %swap3A_495], %get3A_493 {strides = array<i32>} : memref<16x2560xf32, #tpu.memory_space<vmem>>, vector<16x14xf32>,
    %get3A_497 = arith.constant 3 : index
    %get3A_498 = arith.constant 0 : index
    %get3A_499 = arith.constant 13 : index
    %get3A_500 = arith.constant 0 : index
    %get3A_501 = vector.load %arg0[%get3A_497, %get3A_498, %get3A_499, %get3A_500] : memref<8x16x14x14xf32, #tpu.memory_space<vmem>>, vector<1x16x1x14xf32>
    %get3A_502 = vector.shape_cast %get3A_501 : vector<1x16x1x14xf32> to vector<16x14xf32>
    %swap3A_503 = arith.constant 0 : index
    %swap3A_504 = arith.constant 1185 : index
    %swap3A_505 = vector.load %arg3[%swap3A_503, %swap3A_504] : memref<16x2560xf32, #tpu.memory_space<vmem>>, vector<16x14xf32>
    tpu.vector_store %arg3[%swap3A_503, %swap3A_504], %get3A_502 {strides = array<i32>} : memref<16x2560xf32, #tpu.memory_space<vmem>>, vector<16x14xf32>,
    %get3A_506 = arith.constant 4 : index
    %get3A_507 = arith.constant 0 : index
    %get3A_508 = arith.constant 0 : index
    %get3A_509 = arith.constant 0 : index
    %get3A_510 = vector.load %arg0[%get3A_506, %get3A_507, %get3A_508, %get3A_509] : memref<8x16x14x14xf32, #tpu.memory_space<vmem>>, vector<1x16x1x14xf32>
    %get3A_511 = vector.shape_cast %get3A_510 : vector<1x16x1x14xf32> to vector<16x14xf32>
    %swap3A_512 = arith.constant 0 : index
    %swap3A_513 = arith.constant 1297 : index
    %swap3A_514 = vector.load %arg3[%swap3A_512, %swap3A_513] : memref<16x2560xf32, #tpu.memory_space<vmem>>, vector<16x14xf32>
    tpu.vector_store %arg3[%swap3A_512, %swap3A_513], %get3A_511 {strides = array<i32>} : memref<16x2560xf32, #tpu.memory_space<vmem>>, vector<16x14xf32>,
    %get3A_515 = arith.constant 4 : index
    %get3A_516 = arith.constant 0 : index
    %get3A_517 = arith.constant 1 : index
    %get3A_518 = arith.constant 0 : index
    %get3A_519 = vector.load %arg0[%get3A_515, %get3A_516, %get3A_517, %get3A_518] : memref<8x16x14x14xf32, #tpu.memory_space<vmem>>, vector<1x16x1x14xf32>
    %get3A_520 = vector.shape_cast %get3A_519 : vector<1x16x1x14xf32> to vector<16x14xf32>
    %swap3A_521 = arith.constant 0 : index
    %swap3A_522 = arith.constant 1313 : index
    %swap3A_523 = vector.load %arg3[%swap3A_521, %swap3A_522] : memref<16x2560xf32, #tpu.memory_space<vmem>>, vector<16x14xf32>
    tpu.vector_store %arg3[%swap3A_521, %swap3A_522], %get3A_520 {strides = array<i32>} : memref<16x2560xf32, #tpu.memory_space<vmem>>, vector<16x14xf32>,
    %get3A_524 = arith.constant 4 : index
    %get3A_525 = arith.constant 0 : index
    %get3A_526 = arith.constant 2 : index
    %get3A_527 = arith.constant 0 : index
    %get3A_528 = vector.load %arg0[%get3A_524, %get3A_525, %get3A_526, %get3A_527] : memref<8x16x14x14xf32, #tpu.memory_space<vmem>>, vector<1x16x1x14xf32>
    %get3A_529 = vector.shape_cast %get3A_528 : vector<1x16x1x14xf32> to vector<16x14xf32>
    %swap3A_530 = arith.constant 0 : index
    %swap3A_531 = arith.constant 1329 : index
    %swap3A_532 = vector.load %arg3[%swap3A_530, %swap3A_531] : memref<16x2560xf32, #tpu.memory_space<vmem>>, vector<16x14xf32>
    tpu.vector_store %arg3[%swap3A_530, %swap3A_531], %get3A_529 {strides = array<i32>} : memref<16x2560xf32, #tpu.memory_space<vmem>>, vector<16x14xf32>,
    %get3A_533 = arith.constant 4 : index
    %get3A_534 = arith.constant 0 : index
    %get3A_535 = arith.constant 3 : index
    %get3A_536 = arith.constant 0 : index
    %get3A_537 = vector.load %arg0[%get3A_533, %get3A_534, %get3A_535, %get3A_536] : memref<8x16x14x14xf32, #tpu.memory_space<vmem>>, vector<1x16x1x14xf32>
    %get3A_538 = vector.shape_cast %get3A_537 : vector<1x16x1x14xf32> to vector<16x14xf32>
    %swap3A_539 = arith.constant 0 : index
    %swap3A_540 = arith.constant 1345 : index
    %swap3A_541 = vector.load %arg3[%swap3A_539, %swap3A_540] : memref<16x2560xf32, #tpu.memory_space<vmem>>, vector<16x14xf32>
    tpu.vector_store %arg3[%swap3A_539, %swap3A_540], %get3A_538 {strides = array<i32>} : memref<16x2560xf32, #tpu.memory_space<vmem>>, vector<16x14xf32>,
    %get3A_542 = arith.constant 4 : index
    %get3A_543 = arith.constant 0 : index
    %get3A_544 = arith.constant 4 : index
    %get3A_545 = arith.constant 0 : index
    %get3A_546 = vector.load %arg0[%get3A_542, %get3A_543, %get3A_544, %get3A_545] : memref<8x16x14x14xf32, #tpu.memory_space<vmem>>, vector<1x16x1x14xf32>
    %get3A_547 = vector.shape_cast %get3A_546 : vector<1x16x1x14xf32> to vector<16x14xf32>
    %swap3A_548 = arith.constant 0 : index
    %swap3A_549 = arith.constant 1361 : index
    %swap3A_550 = vector.load %arg3[%swap3A_548, %swap3A_549] : memref<16x2560xf32, #tpu.memory_space<vmem>>, vector<16x14xf32>
    tpu.vector_store %arg3[%swap3A_548, %swap3A_549], %get3A_547 {strides = array<i32>} : memref<16x2560xf32, #tpu.memory_space<vmem>>, vector<16x14xf32>,
    %get3A_551 = arith.constant 4 : index
    %get3A_552 = arith.constant 0 : index
    %get3A_553 = arith.constant 5 : index
    %get3A_554 = arith.constant 0 : index
    %get3A_555 = vector.load %arg0[%get3A_551, %get3A_552, %get3A_553, %get3A_554] : memref<8x16x14x14xf32, #tpu.memory_space<vmem>>, vector<1x16x1x14xf32>
    %get3A_556 = vector.shape_cast %get3A_555 : vector<1x16x1x14xf32> to vector<16x14xf32>
    %swap3A_557 = arith.constant 0 : index
    %swap3A_558 = arith.constant 1377 : index
    %swap3A_559 = vector.load %arg3[%swap3A_557, %swap3A_558] : memref<16x2560xf32, #tpu.memory_space<vmem>>, vector<16x14xf32>
    tpu.vector_store %arg3[%swap3A_557, %swap3A_558], %get3A_556 {strides = array<i32>} : memref<16x2560xf32, #tpu.memory_space<vmem>>, vector<16x14xf32>,
    %get3A_560 = arith.constant 4 : index
    %get3A_561 = arith.constant 0 : index
    %get3A_562 = arith.constant 6 : index
    %get3A_563 = arith.constant 0 : index
    %get3A_564 = vector.load %arg0[%get3A_560, %get3A_561, %get3A_562, %get3A_563] : memref<8x16x14x14xf32, #tpu.memory_space<vmem>>, vector<1x16x1x14xf32>
    %get3A_565 = vector.shape_cast %get3A_564 : vector<1x16x1x14xf32> to vector<16x14xf32>
    %swap3A_566 = arith.constant 0 : index
    %swap3A_567 = arith.constant 1393 : index
    %swap3A_568 = vector.load %arg3[%swap3A_566, %swap3A_567] : memref<16x2560xf32, #tpu.memory_space<vmem>>, vector<16x14xf32>
    tpu.vector_store %arg3[%swap3A_566, %swap3A_567], %get3A_565 {strides = array<i32>} : memref<16x2560xf32, #tpu.memory_space<vmem>>, vector<16x14xf32>,
    %get3A_569 = arith.constant 4 : index
    %get3A_570 = arith.constant 0 : index
    %get3A_571 = arith.constant 7 : index
    %get3A_572 = arith.constant 0 : index
    %get3A_573 = vector.load %arg0[%get3A_569, %get3A_570, %get3A_571, %get3A_572] : memref<8x16x14x14xf32, #tpu.memory_space<vmem>>, vector<1x16x1x14xf32>
    %get3A_574 = vector.shape_cast %get3A_573 : vector<1x16x1x14xf32> to vector<16x14xf32>
    %swap3A_575 = arith.constant 0 : index
    %swap3A_576 = arith.constant 1409 : index
    %swap3A_577 = vector.load %arg3[%swap3A_575, %swap3A_576] : memref<16x2560xf32, #tpu.memory_space<vmem>>, vector<16x14xf32>
    tpu.vector_store %arg3[%swap3A_575, %swap3A_576], %get3A_574 {strides = array<i32>} : memref<16x2560xf32, #tpu.memory_space<vmem>>, vector<16x14xf32>,
    %get3A_578 = arith.constant 4 : index
    %get3A_579 = arith.constant 0 : index
    %get3A_580 = arith.constant 8 : index
    %get3A_581 = arith.constant 0 : index
    %get3A_582 = vector.load %arg0[%get3A_578, %get3A_579, %get3A_580, %get3A_581] : memref<8x16x14x14xf32, #tpu.memory_space<vmem>>, vector<1x16x1x14xf32>
    %get3A_583 = vector.shape_cast %get3A_582 : vector<1x16x1x14xf32> to vector<16x14xf32>
    %swap3A_584 = arith.constant 0 : index
    %swap3A_585 = arith.constant 1425 : index
    %swap3A_586 = vector.load %arg3[%swap3A_584, %swap3A_585] : memref<16x2560xf32, #tpu.memory_space<vmem>>, vector<16x14xf32>
    tpu.vector_store %arg3[%swap3A_584, %swap3A_585], %get3A_583 {strides = array<i32>} : memref<16x2560xf32, #tpu.memory_space<vmem>>, vector<16x14xf32>,
    %get3A_587 = arith.constant 4 : index
    %get3A_588 = arith.constant 0 : index
    %get3A_589 = arith.constant 9 : index
    %get3A_590 = arith.constant 0 : index
    %get3A_591 = vector.load %arg0[%get3A_587, %get3A_588, %get3A_589, %get3A_590] : memref<8x16x14x14xf32, #tpu.memory_space<vmem>>, vector<1x16x1x14xf32>
    %get3A_592 = vector.shape_cast %get3A_591 : vector<1x16x1x14xf32> to vector<16x14xf32>
    %swap3A_593 = arith.constant 0 : index
    %swap3A_594 = arith.constant 1441 : index
    %swap3A_595 = vector.load %arg3[%swap3A_593, %swap3A_594] : memref<16x2560xf32, #tpu.memory_space<vmem>>, vector<16x14xf32>
    tpu.vector_store %arg3[%swap3A_593, %swap3A_594], %get3A_592 {strides = array<i32>} : memref<16x2560xf32, #tpu.memory_space<vmem>>, vector<16x14xf32>,
    %get3A_596 = arith.constant 4 : index
    %get3A_597 = arith.constant 0 : index
    %get3A_598 = arith.constant 10 : index
    %get3A_599 = arith.constant 0 : index
    %get3A_600 = vector.load %arg0[%get3A_596, %get3A_597, %get3A_598, %get3A_599] : memref<8x16x14x14xf32, #tpu.memory_space<vmem>>, vector<1x16x1x14xf32>
    %get3A_601 = vector.shape_cast %get3A_600 : vector<1x16x1x14xf32> to vector<16x14xf32>
    %swap3A_602 = arith.constant 0 : index
    %swap3A_603 = arith.constant 1457 : index
    %swap3A_604 = vector.load %arg3[%swap3A_602, %swap3A_603] : memref<16x2560xf32, #tpu.memory_space<vmem>>, vector<16x14xf32>
    tpu.vector_store %arg3[%swap3A_602, %swap3A_603], %get3A_601 {strides = array<i32>} : memref<16x2560xf32, #tpu.memory_space<vmem>>, vector<16x14xf32>,
    %get3A_605 = arith.constant 4 : index
    %get3A_606 = arith.constant 0 : index
    %get3A_607 = arith.constant 11 : index
    %get3A_608 = arith.constant 0 : index
    %get3A_609 = vector.load %arg0[%get3A_605, %get3A_606, %get3A_607, %get3A_608] : memref<8x16x14x14xf32, #tpu.memory_space<vmem>>, vector<1x16x1x14xf32>
    %get3A_610 = vector.shape_cast %get3A_609 : vector<1x16x1x14xf32> to vector<16x14xf32>
    %swap3A_611 = arith.constant 0 : index
    %swap3A_612 = arith.constant 1473 : index
    %swap3A_613 = vector.load %arg3[%swap3A_611, %swap3A_612] : memref<16x2560xf32, #tpu.memory_space<vmem>>, vector<16x14xf32>
    tpu.vector_store %arg3[%swap3A_611, %swap3A_612], %get3A_610 {strides = array<i32>} : memref<16x2560xf32, #tpu.memory_space<vmem>>, vector<16x14xf32>,
    %get3A_614 = arith.constant 4 : index
    %get3A_615 = arith.constant 0 : index
    %get3A_616 = arith.constant 12 : index
    %get3A_617 = arith.constant 0 : index
    %get3A_618 = vector.load %arg0[%get3A_614, %get3A_615, %get3A_616, %get3A_617] : memref<8x16x14x14xf32, #tpu.memory_space<vmem>>, vector<1x16x1x14xf32>
    %get3A_619 = vector.shape_cast %get3A_618 : vector<1x16x1x14xf32> to vector<16x14xf32>
    %swap3A_620 = arith.constant 0 : index
    %swap3A_621 = arith.constant 1489 : index
    %swap3A_622 = vector.load %arg3[%swap3A_620, %swap3A_621] : memref<16x2560xf32, #tpu.memory_space<vmem>>, vector<16x14xf32>
    tpu.vector_store %arg3[%swap3A_620, %swap3A_621], %get3A_619 {strides = array<i32>} : memref<16x2560xf32, #tpu.memory_space<vmem>>, vector<16x14xf32>,
    %get3A_623 = arith.constant 4 : index
    %get3A_624 = arith.constant 0 : index
    %get3A_625 = arith.constant 13 : index
    %get3A_626 = arith.constant 0 : index
    %get3A_627 = vector.load %arg0[%get3A_623, %get3A_624, %get3A_625, %get3A_626] : memref<8x16x14x14xf32, #tpu.memory_space<vmem>>, vector<1x16x1x14xf32>
    %get3A_628 = vector.shape_cast %get3A_627 : vector<1x16x1x14xf32> to vector<16x14xf32>
    %swap3A_629 = arith.constant 0 : index
    %swap3A_630 = arith.constant 1505 : index
    %swap3A_631 = vector.load %arg3[%swap3A_629, %swap3A_630] : memref<16x2560xf32, #tpu.memory_space<vmem>>, vector<16x14xf32>
    tpu.vector_store %arg3[%swap3A_629, %swap3A_630], %get3A_628 {strides = array<i32>} : memref<16x2560xf32, #tpu.memory_space<vmem>>, vector<16x14xf32>,
    %get3A_632 = arith.constant 5 : index
    %get3A_633 = arith.constant 0 : index
    %get3A_634 = arith.constant 0 : index
    %get3A_635 = arith.constant 0 : index
    %get3A_636 = vector.load %arg0[%get3A_632, %get3A_633, %get3A_634, %get3A_635] : memref<8x16x14x14xf32, #tpu.memory_space<vmem>>, vector<1x16x1x14xf32>
    %get3A_637 = vector.shape_cast %get3A_636 : vector<1x16x1x14xf32> to vector<16x14xf32>
    %swap3A_638 = arith.constant 0 : index
    %swap3A_639 = arith.constant 1617 : index
    %swap3A_640 = vector.load %arg3[%swap3A_638, %swap3A_639] : memref<16x2560xf32, #tpu.memory_space<vmem>>, vector<16x14xf32>
    tpu.vector_store %arg3[%swap3A_638, %swap3A_639], %get3A_637 {strides = array<i32>} : memref<16x2560xf32, #tpu.memory_space<vmem>>, vector<16x14xf32>,
    %get3A_641 = arith.constant 5 : index
    %get3A_642 = arith.constant 0 : index
    %get3A_643 = arith.constant 1 : index
    %get3A_644 = arith.constant 0 : index
    %get3A_645 = vector.load %arg0[%get3A_641, %get3A_642, %get3A_643, %get3A_644] : memref<8x16x14x14xf32, #tpu.memory_space<vmem>>, vector<1x16x1x14xf32>
    %get3A_646 = vector.shape_cast %get3A_645 : vector<1x16x1x14xf32> to vector<16x14xf32>
    %swap3A_647 = arith.constant 0 : index
    %swap3A_648 = arith.constant 1633 : index
    %swap3A_649 = vector.load %arg3[%swap3A_647, %swap3A_648] : memref<16x2560xf32, #tpu.memory_space<vmem>>, vector<16x14xf32>
    tpu.vector_store %arg3[%swap3A_647, %swap3A_648], %get3A_646 {strides = array<i32>} : memref<16x2560xf32, #tpu.memory_space<vmem>>, vector<16x14xf32>,
    %get3A_650 = arith.constant 5 : index
    %get3A_651 = arith.constant 0 : index
    %get3A_652 = arith.constant 2 : index
    %get3A_653 = arith.constant 0 : index
    %get3A_654 = vector.load %arg0[%get3A_650, %get3A_651, %get3A_652, %get3A_653] : memref<8x16x14x14xf32, #tpu.memory_space<vmem>>, vector<1x16x1x14xf32>
    %get3A_655 = vector.shape_cast %get3A_654 : vector<1x16x1x14xf32> to vector<16x14xf32>
    %swap3A_656 = arith.constant 0 : index
    %swap3A_657 = arith.constant 1649 : index
    %swap3A_658 = vector.load %arg3[%swap3A_656, %swap3A_657] : memref<16x2560xf32, #tpu.memory_space<vmem>>, vector<16x14xf32>
    tpu.vector_store %arg3[%swap3A_656, %swap3A_657], %get3A_655 {strides = array<i32>} : memref<16x2560xf32, #tpu.memory_space<vmem>>, vector<16x14xf32>,
    %get3A_659 = arith.constant 5 : index
    %get3A_660 = arith.constant 0 : index
    %get3A_661 = arith.constant 3 : index
    %get3A_662 = arith.constant 0 : index
    %get3A_663 = vector.load %arg0[%get3A_659, %get3A_660, %get3A_661, %get3A_662] : memref<8x16x14x14xf32, #tpu.memory_space<vmem>>, vector<1x16x1x14xf32>
    %get3A_664 = vector.shape_cast %get3A_663 : vector<1x16x1x14xf32> to vector<16x14xf32>
    %swap3A_665 = arith.constant 0 : index
    %swap3A_666 = arith.constant 1665 : index
    %swap3A_667 = vector.load %arg3[%swap3A_665, %swap3A_666] : memref<16x2560xf32, #tpu.memory_space<vmem>>, vector<16x14xf32>
    tpu.vector_store %arg3[%swap3A_665, %swap3A_666], %get3A_664 {strides = array<i32>} : memref<16x2560xf32, #tpu.memory_space<vmem>>, vector<16x14xf32>,
    %get3A_668 = arith.constant 5 : index
    %get3A_669 = arith.constant 0 : index
    %get3A_670 = arith.constant 4 : index
    %get3A_671 = arith.constant 0 : index
    %get3A_672 = vector.load %arg0[%get3A_668, %get3A_669, %get3A_670, %get3A_671] : memref<8x16x14x14xf32, #tpu.memory_space<vmem>>, vector<1x16x1x14xf32>
    %get3A_673 = vector.shape_cast %get3A_672 : vector<1x16x1x14xf32> to vector<16x14xf32>
    %swap3A_674 = arith.constant 0 : index
    %swap3A_675 = arith.constant 1681 : index
    %swap3A_676 = vector.load %arg3[%swap3A_674, %swap3A_675] : memref<16x2560xf32, #tpu.memory_space<vmem>>, vector<16x14xf32>
    tpu.vector_store %arg3[%swap3A_674, %swap3A_675], %get3A_673 {strides = array<i32>} : memref<16x2560xf32, #tpu.memory_space<vmem>>, vector<16x14xf32>,
    %get3A_677 = arith.constant 5 : index
    %get3A_678 = arith.constant 0 : index
    %get3A_679 = arith.constant 5 : index
    %get3A_680 = arith.constant 0 : index
    %get3A_681 = vector.load %arg0[%get3A_677, %get3A_678, %get3A_679, %get3A_680] : memref<8x16x14x14xf32, #tpu.memory_space<vmem>>, vector<1x16x1x14xf32>
    %get3A_682 = vector.shape_cast %get3A_681 : vector<1x16x1x14xf32> to vector<16x14xf32>
    %swap3A_683 = arith.constant 0 : index
    %swap3A_684 = arith.constant 1697 : index
    %swap3A_685 = vector.load %arg3[%swap3A_683, %swap3A_684] : memref<16x2560xf32, #tpu.memory_space<vmem>>, vector<16x14xf32>
    tpu.vector_store %arg3[%swap3A_683, %swap3A_684], %get3A_682 {strides = array<i32>} : memref<16x2560xf32, #tpu.memory_space<vmem>>, vector<16x14xf32>,
    %get3A_686 = arith.constant 5 : index
    %get3A_687 = arith.constant 0 : index
    %get3A_688 = arith.constant 6 : index
    %get3A_689 = arith.constant 0 : index
    %get3A_690 = vector.load %arg0[%get3A_686, %get3A_687, %get3A_688, %get3A_689] : memref<8x16x14x14xf32, #tpu.memory_space<vmem>>, vector<1x16x1x14xf32>
    %get3A_691 = vector.shape_cast %get3A_690 : vector<1x16x1x14xf32> to vector<16x14xf32>
    %swap3A_692 = arith.constant 0 : index
    %swap3A_693 = arith.constant 1713 : index
    %swap3A_694 = vector.load %arg3[%swap3A_692, %swap3A_693] : memref<16x2560xf32, #tpu.memory_space<vmem>>, vector<16x14xf32>
    tpu.vector_store %arg3[%swap3A_692, %swap3A_693], %get3A_691 {strides = array<i32>} : memref<16x2560xf32, #tpu.memory_space<vmem>>, vector<16x14xf32>,
    %get3A_695 = arith.constant 5 : index
    %get3A_696 = arith.constant 0 : index
    %get3A_697 = arith.constant 7 : index
    %get3A_698 = arith.constant 0 : index
    %get3A_699 = vector.load %arg0[%get3A_695, %get3A_696, %get3A_697, %get3A_698] : memref<8x16x14x14xf32, #tpu.memory_space<vmem>>, vector<1x16x1x14xf32>
    %get3A_700 = vector.shape_cast %get3A_699 : vector<1x16x1x14xf32> to vector<16x14xf32>
    %swap3A_701 = arith.constant 0 : index
    %swap3A_702 = arith.constant 1729 : index
    %swap3A_703 = vector.load %arg3[%swap3A_701, %swap3A_702] : memref<16x2560xf32, #tpu.memory_space<vmem>>, vector<16x14xf32>
    tpu.vector_store %arg3[%swap3A_701, %swap3A_702], %get3A_700 {strides = array<i32>} : memref<16x2560xf32, #tpu.memory_space<vmem>>, vector<16x14xf32>,
    %get3A_704 = arith.constant 5 : index
    %get3A_705 = arith.constant 0 : index
    %get3A_706 = arith.constant 8 : index
    %get3A_707 = arith.constant 0 : index
    %get3A_708 = vector.load %arg0[%get3A_704, %get3A_705, %get3A_706, %get3A_707] : memref<8x16x14x14xf32, #tpu.memory_space<vmem>>, vector<1x16x1x14xf32>
    %get3A_709 = vector.shape_cast %get3A_708 : vector<1x16x1x14xf32> to vector<16x14xf32>
    %swap3A_710 = arith.constant 0 : index
    %swap3A_711 = arith.constant 1745 : index
    %swap3A_712 = vector.load %arg3[%swap3A_710, %swap3A_711] : memref<16x2560xf32, #tpu.memory_space<vmem>>, vector<16x14xf32>
    tpu.vector_store %arg3[%swap3A_710, %swap3A_711], %get3A_709 {strides = array<i32>} : memref<16x2560xf32, #tpu.memory_space<vmem>>, vector<16x14xf32>,
    %get3A_713 = arith.constant 5 : index
    %get3A_714 = arith.constant 0 : index
    %get3A_715 = arith.constant 9 : index
    %get3A_716 = arith.constant 0 : index
    %get3A_717 = vector.load %arg0[%get3A_713, %get3A_714, %get3A_715, %get3A_716] : memref<8x16x14x14xf32, #tpu.memory_space<vmem>>, vector<1x16x1x14xf32>
    %get3A_718 = vector.shape_cast %get3A_717 : vector<1x16x1x14xf32> to vector<16x14xf32>
    %swap3A_719 = arith.constant 0 : index
    %swap3A_720 = arith.constant 1761 : index
    %swap3A_721 = vector.load %arg3[%swap3A_719, %swap3A_720] : memref<16x2560xf32, #tpu.memory_space<vmem>>, vector<16x14xf32>
    tpu.vector_store %arg3[%swap3A_719, %swap3A_720], %get3A_718 {strides = array<i32>} : memref<16x2560xf32, #tpu.memory_space<vmem>>, vector<16x14xf32>,
    %get3A_722 = arith.constant 5 : index
    %get3A_723 = arith.constant 0 : index
    %get3A_724 = arith.constant 10 : index
    %get3A_725 = arith.constant 0 : index
    %get3A_726 = vector.load %arg0[%get3A_722, %get3A_723, %get3A_724, %get3A_725] : memref<8x16x14x14xf32, #tpu.memory_space<vmem>>, vector<1x16x1x14xf32>
    %get3A_727 = vector.shape_cast %get3A_726 : vector<1x16x1x14xf32> to vector<16x14xf32>
    %swap3A_728 = arith.constant 0 : index
    %swap3A_729 = arith.constant 1777 : index
    %swap3A_730 = vector.load %arg3[%swap3A_728, %swap3A_729] : memref<16x2560xf32, #tpu.memory_space<vmem>>, vector<16x14xf32>
    tpu.vector_store %arg3[%swap3A_728, %swap3A_729], %get3A_727 {strides = array<i32>} : memref<16x2560xf32, #tpu.memory_space<vmem>>, vector<16x14xf32>,
    %get3A_731 = arith.constant 5 : index
    %get3A_732 = arith.constant 0 : index
    %get3A_733 = arith.constant 11 : index
    %get3A_734 = arith.constant 0 : index
    %get3A_735 = vector.load %arg0[%get3A_731, %get3A_732, %get3A_733, %get3A_734] : memref<8x16x14x14xf32, #tpu.memory_space<vmem>>, vector<1x16x1x14xf32>
    %get3A_736 = vector.shape_cast %get3A_735 : vector<1x16x1x14xf32> to vector<16x14xf32>
    %swap3A_737 = arith.constant 0 : index
    %swap3A_738 = arith.constant 1793 : index
    %swap3A_739 = vector.load %arg3[%swap3A_737, %swap3A_738] : memref<16x2560xf32, #tpu.memory_space<vmem>>, vector<16x14xf32>
    tpu.vector_store %arg3[%swap3A_737, %swap3A_738], %get3A_736 {strides = array<i32>} : memref<16x2560xf32, #tpu.memory_space<vmem>>, vector<16x14xf32>,
    %get3A_740 = arith.constant 5 : index
    %get3A_741 = arith.constant 0 : index
    %get3A_742 = arith.constant 12 : index
    %get3A_743 = arith.constant 0 : index
    %get3A_744 = vector.load %arg0[%get3A_740, %get3A_741, %get3A_742, %get3A_743] : memref<8x16x14x14xf32, #tpu.memory_space<vmem>>, vector<1x16x1x14xf32>
    %get3A_745 = vector.shape_cast %get3A_744 : vector<1x16x1x14xf32> to vector<16x14xf32>
    %swap3A_746 = arith.constant 0 : index
    %swap3A_747 = arith.constant 1809 : index
    %swap3A_748 = vector.load %arg3[%swap3A_746, %swap3A_747] : memref<16x2560xf32, #tpu.memory_space<vmem>>, vector<16x14xf32>
    tpu.vector_store %arg3[%swap3A_746, %swap3A_747], %get3A_745 {strides = array<i32>} : memref<16x2560xf32, #tpu.memory_space<vmem>>, vector<16x14xf32>,
    %get3A_749 = arith.constant 5 : index
    %get3A_750 = arith.constant 0 : index
    %get3A_751 = arith.constant 13 : index
    %get3A_752 = arith.constant 0 : index
    %get3A_753 = vector.load %arg0[%get3A_749, %get3A_750, %get3A_751, %get3A_752] : memref<8x16x14x14xf32, #tpu.memory_space<vmem>>, vector<1x16x1x14xf32>
    %get3A_754 = vector.shape_cast %get3A_753 : vector<1x16x1x14xf32> to vector<16x14xf32>
    %swap3A_755 = arith.constant 0 : index
    %swap3A_756 = arith.constant 1825 : index
    %swap3A_757 = vector.load %arg3[%swap3A_755, %swap3A_756] : memref<16x2560xf32, #tpu.memory_space<vmem>>, vector<16x14xf32>
    tpu.vector_store %arg3[%swap3A_755, %swap3A_756], %get3A_754 {strides = array<i32>} : memref<16x2560xf32, #tpu.memory_space<vmem>>, vector<16x14xf32>,
    %get3A_758 = arith.constant 6 : index
    %get3A_759 = arith.constant 0 : index
    %get3A_760 = arith.constant 0 : index
    %get3A_761 = arith.constant 0 : index
    %get3A_762 = vector.load %arg0[%get3A_758, %get3A_759, %get3A_760, %get3A_761] : memref<8x16x14x14xf32, #tpu.memory_space<vmem>>, vector<1x16x1x14xf32>
    %get3A_763 = vector.shape_cast %get3A_762 : vector<1x16x1x14xf32> to vector<16x14xf32>
    %swap3A_764 = arith.constant 0 : index
    %swap3A_765 = arith.constant 1937 : index
    %swap3A_766 = vector.load %arg3[%swap3A_764, %swap3A_765] : memref<16x2560xf32, #tpu.memory_space<vmem>>, vector<16x14xf32>
    tpu.vector_store %arg3[%swap3A_764, %swap3A_765], %get3A_763 {strides = array<i32>} : memref<16x2560xf32, #tpu.memory_space<vmem>>, vector<16x14xf32>,
    %get3A_767 = arith.constant 6 : index
    %get3A_768 = arith.constant 0 : index
    %get3A_769 = arith.constant 1 : index
    %get3A_770 = arith.constant 0 : index
    %get3A_771 = vector.load %arg0[%get3A_767, %get3A_768, %get3A_769, %get3A_770] : memref<8x16x14x14xf32, #tpu.memory_space<vmem>>, vector<1x16x1x14xf32>
    %get3A_772 = vector.shape_cast %get3A_771 : vector<1x16x1x14xf32> to vector<16x14xf32>
    %swap3A_773 = arith.constant 0 : index
    %swap3A_774 = arith.constant 1953 : index
    %swap3A_775 = vector.load %arg3[%swap3A_773, %swap3A_774] : memref<16x2560xf32, #tpu.memory_space<vmem>>, vector<16x14xf32>
    tpu.vector_store %arg3[%swap3A_773, %swap3A_774], %get3A_772 {strides = array<i32>} : memref<16x2560xf32, #tpu.memory_space<vmem>>, vector<16x14xf32>,
    %get3A_776 = arith.constant 6 : index
    %get3A_777 = arith.constant 0 : index
    %get3A_778 = arith.constant 2 : index
    %get3A_779 = arith.constant 0 : index
    %get3A_780 = vector.load %arg0[%get3A_776, %get3A_777, %get3A_778, %get3A_779] : memref<8x16x14x14xf32, #tpu.memory_space<vmem>>, vector<1x16x1x14xf32>
    %get3A_781 = vector.shape_cast %get3A_780 : vector<1x16x1x14xf32> to vector<16x14xf32>
    %swap3A_782 = arith.constant 0 : index
    %swap3A_783 = arith.constant 1969 : index
    %swap3A_784 = vector.load %arg3[%swap3A_782, %swap3A_783] : memref<16x2560xf32, #tpu.memory_space<vmem>>, vector<16x14xf32>
    tpu.vector_store %arg3[%swap3A_782, %swap3A_783], %get3A_781 {strides = array<i32>} : memref<16x2560xf32, #tpu.memory_space<vmem>>, vector<16x14xf32>,
    %get3A_785 = arith.constant 6 : index
    %get3A_786 = arith.constant 0 : index
    %get3A_787 = arith.constant 3 : index
    %get3A_788 = arith.constant 0 : index
    %get3A_789 = vector.load %arg0[%get3A_785, %get3A_786, %get3A_787, %get3A_788] : memref<8x16x14x14xf32, #tpu.memory_space<vmem>>, vector<1x16x1x14xf32>
    %get3A_790 = vector.shape_cast %get3A_789 : vector<1x16x1x14xf32> to vector<16x14xf32>
    %swap3A_791 = arith.constant 0 : index
    %swap3A_792 = arith.constant 1985 : index
    %swap3A_793 = vector.load %arg3[%swap3A_791, %swap3A_792] : memref<16x2560xf32, #tpu.memory_space<vmem>>, vector<16x14xf32>
    tpu.vector_store %arg3[%swap3A_791, %swap3A_792], %get3A_790 {strides = array<i32>} : memref<16x2560xf32, #tpu.memory_space<vmem>>, vector<16x14xf32>,
    %get3A_794 = arith.constant 6 : index
    %get3A_795 = arith.constant 0 : index
    %get3A_796 = arith.constant 4 : index
    %get3A_797 = arith.constant 0 : index
    %get3A_798 = vector.load %arg0[%get3A_794, %get3A_795, %get3A_796, %get3A_797] : memref<8x16x14x14xf32, #tpu.memory_space<vmem>>, vector<1x16x1x14xf32>
    %get3A_799 = vector.shape_cast %get3A_798 : vector<1x16x1x14xf32> to vector<16x14xf32>
    %swap3A_800 = arith.constant 0 : index
    %swap3A_801 = arith.constant 2001 : index
    %swap3A_802 = vector.load %arg3[%swap3A_800, %swap3A_801] : memref<16x2560xf32, #tpu.memory_space<vmem>>, vector<16x14xf32>
    tpu.vector_store %arg3[%swap3A_800, %swap3A_801], %get3A_799 {strides = array<i32>} : memref<16x2560xf32, #tpu.memory_space<vmem>>, vector<16x14xf32>,
    %get3A_803 = arith.constant 6 : index
    %get3A_804 = arith.constant 0 : index
    %get3A_805 = arith.constant 5 : index
    %get3A_806 = arith.constant 0 : index
    %get3A_807 = vector.load %arg0[%get3A_803, %get3A_804, %get3A_805, %get3A_806] : memref<8x16x14x14xf32, #tpu.memory_space<vmem>>, vector<1x16x1x14xf32>
    %get3A_808 = vector.shape_cast %get3A_807 : vector<1x16x1x14xf32> to vector<16x14xf32>
    %swap3A_809 = arith.constant 0 : index
    %swap3A_810 = arith.constant 2017 : index
    %swap3A_811 = vector.load %arg3[%swap3A_809, %swap3A_810] : memref<16x2560xf32, #tpu.memory_space<vmem>>, vector<16x14xf32>
    tpu.vector_store %arg3[%swap3A_809, %swap3A_810], %get3A_808 {strides = array<i32>} : memref<16x2560xf32, #tpu.memory_space<vmem>>, vector<16x14xf32>,
    %get3A_812 = arith.constant 6 : index
    %get3A_813 = arith.constant 0 : index
    %get3A_814 = arith.constant 6 : index
    %get3A_815 = arith.constant 0 : index
    %get3A_816 = vector.load %arg0[%get3A_812, %get3A_813, %get3A_814, %get3A_815] : memref<8x16x14x14xf32, #tpu.memory_space<vmem>>, vector<1x16x1x14xf32>
    %get3A_817 = vector.shape_cast %get3A_816 : vector<1x16x1x14xf32> to vector<16x14xf32>
    %swap3A_818 = arith.constant 0 : index
    %swap3A_819 = arith.constant 2033 : index
    %swap3A_820 = vector.load %arg3[%swap3A_818, %swap3A_819] : memref<16x2560xf32, #tpu.memory_space<vmem>>, vector<16x14xf32>
    tpu.vector_store %arg3[%swap3A_818, %swap3A_819], %get3A_817 {strides = array<i32>} : memref<16x2560xf32, #tpu.memory_space<vmem>>, vector<16x14xf32>,
    %get3A_821 = arith.constant 6 : index
    %get3A_822 = arith.constant 0 : index
    %get3A_823 = arith.constant 7 : index
    %get3A_824 = arith.constant 0 : index
    %get3A_825 = vector.load %arg0[%get3A_821, %get3A_822, %get3A_823, %get3A_824] : memref<8x16x14x14xf32, #tpu.memory_space<vmem>>, vector<1x16x1x14xf32>
    %get3A_826 = vector.shape_cast %get3A_825 : vector<1x16x1x14xf32> to vector<16x14xf32>
    %swap3A_827 = arith.constant 0 : index
    %swap3A_828 = arith.constant 2049 : index
    %swap3A_829 = vector.load %arg3[%swap3A_827, %swap3A_828] : memref<16x2560xf32, #tpu.memory_space<vmem>>, vector<16x14xf32>
    tpu.vector_store %arg3[%swap3A_827, %swap3A_828], %get3A_826 {strides = array<i32>} : memref<16x2560xf32, #tpu.memory_space<vmem>>, vector<16x14xf32>,
    %get3A_830 = arith.constant 6 : index
    %get3A_831 = arith.constant 0 : index
    %get3A_832 = arith.constant 8 : index
    %get3A_833 = arith.constant 0 : index
    %get3A_834 = vector.load %arg0[%get3A_830, %get3A_831, %get3A_832, %get3A_833] : memref<8x16x14x14xf32, #tpu.memory_space<vmem>>, vector<1x16x1x14xf32>
    %get3A_835 = vector.shape_cast %get3A_834 : vector<1x16x1x14xf32> to vector<16x14xf32>
    %swap3A_836 = arith.constant 0 : index
    %swap3A_837 = arith.constant 2065 : index
    %swap3A_838 = vector.load %arg3[%swap3A_836, %swap3A_837] : memref<16x2560xf32, #tpu.memory_space<vmem>>, vector<16x14xf32>
    tpu.vector_store %arg3[%swap3A_836, %swap3A_837], %get3A_835 {strides = array<i32>} : memref<16x2560xf32, #tpu.memory_space<vmem>>, vector<16x14xf32>,
    %get3A_839 = arith.constant 6 : index
    %get3A_840 = arith.constant 0 : index
    %get3A_841 = arith.constant 9 : index
    %get3A_842 = arith.constant 0 : index
    %get3A_843 = vector.load %arg0[%get3A_839, %get3A_840, %get3A_841, %get3A_842] : memref<8x16x14x14xf32, #tpu.memory_space<vmem>>, vector<1x16x1x14xf32>
    %get3A_844 = vector.shape_cast %get3A_843 : vector<1x16x1x14xf32> to vector<16x14xf32>
    %swap3A_845 = arith.constant 0 : index
    %swap3A_846 = arith.constant 2081 : index
    %swap3A_847 = vector.load %arg3[%swap3A_845, %swap3A_846] : memref<16x2560xf32, #tpu.memory_space<vmem>>, vector<16x14xf32>
    tpu.vector_store %arg3[%swap3A_845, %swap3A_846], %get3A_844 {strides = array<i32>} : memref<16x2560xf32, #tpu.memory_space<vmem>>, vector<16x14xf32>,
    %get3A_848 = arith.constant 6 : index
    %get3A_849 = arith.constant 0 : index
    %get3A_850 = arith.constant 10 : index
    %get3A_851 = arith.constant 0 : index
    %get3A_852 = vector.load %arg0[%get3A_848, %get3A_849, %get3A_850, %get3A_851] : memref<8x16x14x14xf32, #tpu.memory_space<vmem>>, vector<1x16x1x14xf32>
    %get3A_853 = vector.shape_cast %get3A_852 : vector<1x16x1x14xf32> to vector<16x14xf32>
    %swap3A_854 = arith.constant 0 : index
    %swap3A_855 = arith.constant 2097 : index
    %swap3A_856 = vector.load %arg3[%swap3A_854, %swap3A_855] : memref<16x2560xf32, #tpu.memory_space<vmem>>, vector<16x14xf32>
    tpu.vector_store %arg3[%swap3A_854, %swap3A_855], %get3A_853 {strides = array<i32>} : memref<16x2560xf32, #tpu.memory_space<vmem>>, vector<16x14xf32>,
    %get3A_857 = arith.constant 6 : index
    %get3A_858 = arith.constant 0 : index
    %get3A_859 = arith.constant 11 : index
    %get3A_860 = arith.constant 0 : index
    %get3A_861 = vector.load %arg0[%get3A_857, %get3A_858, %get3A_859, %get3A_860] : memref<8x16x14x14xf32, #tpu.memory_space<vmem>>, vector<1x16x1x14xf32>
    %get3A_862 = vector.shape_cast %get3A_861 : vector<1x16x1x14xf32> to vector<16x14xf32>
    %swap3A_863 = arith.constant 0 : index
    %swap3A_864 = arith.constant 2113 : index
    %swap3A_865 = vector.load %arg3[%swap3A_863, %swap3A_864] : memref<16x2560xf32, #tpu.memory_space<vmem>>, vector<16x14xf32>
    tpu.vector_store %arg3[%swap3A_863, %swap3A_864], %get3A_862 {strides = array<i32>} : memref<16x2560xf32, #tpu.memory_space<vmem>>, vector<16x14xf32>,
    %get3A_866 = arith.constant 6 : index
    %get3A_867 = arith.constant 0 : index
    %get3A_868 = arith.constant 12 : index
    %get3A_869 = arith.constant 0 : index
    %get3A_870 = vector.load %arg0[%get3A_866, %get3A_867, %get3A_868, %get3A_869] : memref<8x16x14x14xf32, #tpu.memory_space<vmem>>, vector<1x16x1x14xf32>
    %get3A_871 = vector.shape_cast %get3A_870 : vector<1x16x1x14xf32> to vector<16x14xf32>
    %swap3A_872 = arith.constant 0 : index
    %swap3A_873 = arith.constant 2129 : index
    %swap3A_874 = vector.load %arg3[%swap3A_872, %swap3A_873] : memref<16x2560xf32, #tpu.memory_space<vmem>>, vector<16x14xf32>
    tpu.vector_store %arg3[%swap3A_872, %swap3A_873], %get3A_871 {strides = array<i32>} : memref<16x2560xf32, #tpu.memory_space<vmem>>, vector<16x14xf32>,
    %get3A_875 = arith.constant 6 : index
    %get3A_876 = arith.constant 0 : index
    %get3A_877 = arith.constant 13 : index
    %get3A_878 = arith.constant 0 : index
    %get3A_879 = vector.load %arg0[%get3A_875, %get3A_876, %get3A_877, %get3A_878] : memref<8x16x14x14xf32, #tpu.memory_space<vmem>>, vector<1x16x1x14xf32>
    %get3A_880 = vector.shape_cast %get3A_879 : vector<1x16x1x14xf32> to vector<16x14xf32>
    %swap3A_881 = arith.constant 0 : index
    %swap3A_882 = arith.constant 2145 : index
    %swap3A_883 = vector.load %arg3[%swap3A_881, %swap3A_882] : memref<16x2560xf32, #tpu.memory_space<vmem>>, vector<16x14xf32>
    tpu.vector_store %arg3[%swap3A_881, %swap3A_882], %get3A_880 {strides = array<i32>} : memref<16x2560xf32, #tpu.memory_space<vmem>>, vector<16x14xf32>,
    %get3A_884 = arith.constant 7 : index
    %get3A_885 = arith.constant 0 : index
    %get3A_886 = arith.constant 0 : index
    %get3A_887 = arith.constant 0 : index
    %get3A_888 = vector.load %arg0[%get3A_884, %get3A_885, %get3A_886, %get3A_887] : memref<8x16x14x14xf32, #tpu.memory_space<vmem>>, vector<1x16x1x14xf32>
    %get3A_889 = vector.shape_cast %get3A_888 : vector<1x16x1x14xf32> to vector<16x14xf32>
    %swap3A_890 = arith.constant 0 : index
    %swap3A_891 = arith.constant 2257 : index
    %swap3A_892 = vector.load %arg3[%swap3A_890, %swap3A_891] : memref<16x2560xf32, #tpu.memory_space<vmem>>, vector<16x14xf32>
    tpu.vector_store %arg3[%swap3A_890, %swap3A_891], %get3A_889 {strides = array<i32>} : memref<16x2560xf32, #tpu.memory_space<vmem>>, vector<16x14xf32>,
    %get3A_893 = arith.constant 7 : index
    %get3A_894 = arith.constant 0 : index
    %get3A_895 = arith.constant 1 : index
    %get3A_896 = arith.constant 0 : index
    %get3A_897 = vector.load %arg0[%get3A_893, %get3A_894, %get3A_895, %get3A_896] : memref<8x16x14x14xf32, #tpu.memory_space<vmem>>, vector<1x16x1x14xf32>
    %get3A_898 = vector.shape_cast %get3A_897 : vector<1x16x1x14xf32> to vector<16x14xf32>
    %swap3A_899 = arith.constant 0 : index
    %swap3A_900 = arith.constant 2273 : index
    %swap3A_901 = vector.load %arg3[%swap3A_899, %swap3A_900] : memref<16x2560xf32, #tpu.memory_space<vmem>>, vector<16x14xf32>
    tpu.vector_store %arg3[%swap3A_899, %swap3A_900], %get3A_898 {strides = array<i32>} : memref<16x2560xf32, #tpu.memory_space<vmem>>, vector<16x14xf32>,
    %get3A_902 = arith.constant 7 : index
    %get3A_903 = arith.constant 0 : index
    %get3A_904 = arith.constant 2 : index
    %get3A_905 = arith.constant 0 : index
    %get3A_906 = vector.load %arg0[%get3A_902, %get3A_903, %get3A_904, %get3A_905] : memref<8x16x14x14xf32, #tpu.memory_space<vmem>>, vector<1x16x1x14xf32>
    %get3A_907 = vector.shape_cast %get3A_906 : vector<1x16x1x14xf32> to vector<16x14xf32>
    %swap3A_908 = arith.constant 0 : index
    %swap3A_909 = arith.constant 2289 : index
    %swap3A_910 = vector.load %arg3[%swap3A_908, %swap3A_909] : memref<16x2560xf32, #tpu.memory_space<vmem>>, vector<16x14xf32>
    tpu.vector_store %arg3[%swap3A_908, %swap3A_909], %get3A_907 {strides = array<i32>} : memref<16x2560xf32, #tpu.memory_space<vmem>>, vector<16x14xf32>,
    %get3A_911 = arith.constant 7 : index
    %get3A_912 = arith.constant 0 : index
    %get3A_913 = arith.constant 3 : index
    %get3A_914 = arith.constant 0 : index
    %get3A_915 = vector.load %arg0[%get3A_911, %get3A_912, %get3A_913, %get3A_914] : memref<8x16x14x14xf32, #tpu.memory_space<vmem>>, vector<1x16x1x14xf32>
    %get3A_916 = vector.shape_cast %get3A_915 : vector<1x16x1x14xf32> to vector<16x14xf32>
    %swap3A_917 = arith.constant 0 : index
    %swap3A_918 = arith.constant 2305 : index
    %swap3A_919 = vector.load %arg3[%swap3A_917, %swap3A_918] : memref<16x2560xf32, #tpu.memory_space<vmem>>, vector<16x14xf32>
    tpu.vector_store %arg3[%swap3A_917, %swap3A_918], %get3A_916 {strides = array<i32>} : memref<16x2560xf32, #tpu.memory_space<vmem>>, vector<16x14xf32>,
    %get3A_920 = arith.constant 7 : index
    %get3A_921 = arith.constant 0 : index
    %get3A_922 = arith.constant 4 : index
    %get3A_923 = arith.constant 0 : index
    %get3A_924 = vector.load %arg0[%get3A_920, %get3A_921, %get3A_922, %get3A_923] : memref<8x16x14x14xf32, #tpu.memory_space<vmem>>, vector<1x16x1x14xf32>
    %get3A_925 = vector.shape_cast %get3A_924 : vector<1x16x1x14xf32> to vector<16x14xf32>
    %swap3A_926 = arith.constant 0 : index
    %swap3A_927 = arith.constant 2321 : index
    %swap3A_928 = vector.load %arg3[%swap3A_926, %swap3A_927] : memref<16x2560xf32, #tpu.memory_space<vmem>>, vector<16x14xf32>
    tpu.vector_store %arg3[%swap3A_926, %swap3A_927], %get3A_925 {strides = array<i32>} : memref<16x2560xf32, #tpu.memory_space<vmem>>, vector<16x14xf32>,
    %get3A_929 = arith.constant 7 : index
    %get3A_930 = arith.constant 0 : index
    %get3A_931 = arith.constant 5 : index
    %get3A_932 = arith.constant 0 : index
    %get3A_933 = vector.load %arg0[%get3A_929, %get3A_930, %get3A_931, %get3A_932] : memref<8x16x14x14xf32, #tpu.memory_space<vmem>>, vector<1x16x1x14xf32>
    %get3A_934 = vector.shape_cast %get3A_933 : vector<1x16x1x14xf32> to vector<16x14xf32>
    %swap3A_935 = arith.constant 0 : index
    %swap3A_936 = arith.constant 2337 : index
    %swap3A_937 = vector.load %arg3[%swap3A_935, %swap3A_936] : memref<16x2560xf32, #tpu.memory_space<vmem>>, vector<16x14xf32>
    tpu.vector_store %arg3[%swap3A_935, %swap3A_936], %get3A_934 {strides = array<i32>} : memref<16x2560xf32, #tpu.memory_space<vmem>>, vector<16x14xf32>,
    %get3A_938 = arith.constant 7 : index
    %get3A_939 = arith.constant 0 : index
    %get3A_940 = arith.constant 6 : index
    %get3A_941 = arith.constant 0 : index
    %get3A_942 = vector.load %arg0[%get3A_938, %get3A_939, %get3A_940, %get3A_941] : memref<8x16x14x14xf32, #tpu.memory_space<vmem>>, vector<1x16x1x14xf32>
    %get3A_943 = vector.shape_cast %get3A_942 : vector<1x16x1x14xf32> to vector<16x14xf32>
    %swap3A_944 = arith.constant 0 : index
    %swap3A_945 = arith.constant 2353 : index
    %swap3A_946 = vector.load %arg3[%swap3A_944, %swap3A_945] : memref<16x2560xf32, #tpu.memory_space<vmem>>, vector<16x14xf32>
    tpu.vector_store %arg3[%swap3A_944, %swap3A_945], %get3A_943 {strides = array<i32>} : memref<16x2560xf32, #tpu.memory_space<vmem>>, vector<16x14xf32>,
    %get3A_947 = arith.constant 7 : index
    %get3A_948 = arith.constant 0 : index
    %get3A_949 = arith.constant 7 : index
    %get3A_950 = arith.constant 0 : index
    %get3A_951 = vector.load %arg0[%get3A_947, %get3A_948, %get3A_949, %get3A_950] : memref<8x16x14x14xf32, #tpu.memory_space<vmem>>, vector<1x16x1x14xf32>
    %get3A_952 = vector.shape_cast %get3A_951 : vector<1x16x1x14xf32> to vector<16x14xf32>
    %swap3A_953 = arith.constant 0 : index
    %swap3A_954 = arith.constant 2369 : index
    %swap3A_955 = vector.load %arg3[%swap3A_953, %swap3A_954] : memref<16x2560xf32, #tpu.memory_space<vmem>>, vector<16x14xf32>
    tpu.vector_store %arg3[%swap3A_953, %swap3A_954], %get3A_952 {strides = array<i32>} : memref<16x2560xf32, #tpu.memory_space<vmem>>, vector<16x14xf32>,
    %get3A_956 = arith.constant 7 : index
    %get3A_957 = arith.constant 0 : index
    %get3A_958 = arith.constant 8 : index
    %get3A_959 = arith.constant 0 : index
    %get3A_960 = vector.load %arg0[%get3A_956, %get3A_957, %get3A_958, %get3A_959] : memref<8x16x14x14xf32, #tpu.memory_space<vmem>>, vector<1x16x1x14xf32>
    %get3A_961 = vector.shape_cast %get3A_960 : vector<1x16x1x14xf32> to vector<16x14xf32>
    %swap3A_962 = arith.constant 0 : index
    %swap3A_963 = arith.constant 2385 : index
    %swap3A_964 = vector.load %arg3[%swap3A_962, %swap3A_963] : memref<16x2560xf32, #tpu.memory_space<vmem>>, vector<16x14xf32>
    tpu.vector_store %arg3[%swap3A_962, %swap3A_963], %get3A_961 {strides = array<i32>} : memref<16x2560xf32, #tpu.memory_space<vmem>>, vector<16x14xf32>,
    %get3A_965 = arith.constant 7 : index
    %get3A_966 = arith.constant 0 : index
    %get3A_967 = arith.constant 9 : index
    %get3A_968 = arith.constant 0 : index
    %get3A_969 = vector.load %arg0[%get3A_965, %get3A_966, %get3A_967, %get3A_968] : memref<8x16x14x14xf32, #tpu.memory_space<vmem>>, vector<1x16x1x14xf32>
    %get3A_970 = vector.shape_cast %get3A_969 : vector<1x16x1x14xf32> to vector<16x14xf32>
    %swap3A_971 = arith.constant 0 : index
    %swap3A_972 = arith.constant 2401 : index
    %swap3A_973 = vector.load %arg3[%swap3A_971, %swap3A_972] : memref<16x2560xf32, #tpu.memory_space<vmem>>, vector<16x14xf32>
    tpu.vector_store %arg3[%swap3A_971, %swap3A_972], %get3A_970 {strides = array<i32>} : memref<16x2560xf32, #tpu.memory_space<vmem>>, vector<16x14xf32>,
    %get3A_974 = arith.constant 7 : index
    %get3A_975 = arith.constant 0 : index
    %get3A_976 = arith.constant 10 : index
    %get3A_977 = arith.constant 0 : index
    %get3A_978 = vector.load %arg0[%get3A_974, %get3A_975, %get3A_976, %get3A_977] : memref<8x16x14x14xf32, #tpu.memory_space<vmem>>, vector<1x16x1x14xf32>
    %get3A_979 = vector.shape_cast %get3A_978 : vector<1x16x1x14xf32> to vector<16x14xf32>
    %swap3A_980 = arith.constant 0 : index
    %swap3A_981 = arith.constant 2417 : index
    %swap3A_982 = vector.load %arg3[%swap3A_980, %swap3A_981] : memref<16x2560xf32, #tpu.memory_space<vmem>>, vector<16x14xf32>
    tpu.vector_store %arg3[%swap3A_980, %swap3A_981], %get3A_979 {strides = array<i32>} : memref<16x2560xf32, #tpu.memory_space<vmem>>, vector<16x14xf32>,
    %get3A_983 = arith.constant 7 : index
    %get3A_984 = arith.constant 0 : index
    %get3A_985 = arith.constant 11 : index
    %get3A_986 = arith.constant 0 : index
    %get3A_987 = vector.load %arg0[%get3A_983, %get3A_984, %get3A_985, %get3A_986] : memref<8x16x14x14xf32, #tpu.memory_space<vmem>>, vector<1x16x1x14xf32>
    %get3A_988 = vector.shape_cast %get3A_987 : vector<1x16x1x14xf32> to vector<16x14xf32>
    %swap3A_989 = arith.constant 0 : index
    %swap3A_990 = arith.constant 2433 : index
    %swap3A_991 = vector.load %arg3[%swap3A_989, %swap3A_990] : memref<16x2560xf32, #tpu.memory_space<vmem>>, vector<16x14xf32>
    tpu.vector_store %arg3[%swap3A_989, %swap3A_990], %get3A_988 {strides = array<i32>} : memref<16x2560xf32, #tpu.memory_space<vmem>>, vector<16x14xf32>,
    %get3A_992 = arith.constant 7 : index
    %get3A_993 = arith.constant 0 : index
    %get3A_994 = arith.constant 12 : index
    %get3A_995 = arith.constant 0 : index
    %get3A_996 = vector.load %arg0[%get3A_992, %get3A_993, %get3A_994, %get3A_995] : memref<8x16x14x14xf32, #tpu.memory_space<vmem>>, vector<1x16x1x14xf32>
    %get3A_997 = vector.shape_cast %get3A_996 : vector<1x16x1x14xf32> to vector<16x14xf32>
    %swap3A_998 = arith.constant 0 : index
    %swap3A_999 = arith.constant 2449 : index
    %swap3A_1000 = vector.load %arg3[%swap3A_998, %swap3A_999] : memref<16x2560xf32, #tpu.memory_space<vmem>>, vector<16x14xf32>
    tpu.vector_store %arg3[%swap3A_998, %swap3A_999], %get3A_997 {strides = array<i32>} : memref<16x2560xf32, #tpu.memory_space<vmem>>, vector<16x14xf32>,
    %get3A_1001 = arith.constant 7 : index
    %get3A_1002 = arith.constant 0 : index
    %get3A_1003 = arith.constant 13 : index
    %get3A_1004 = arith.constant 0 : index
    %get3A_1005 = vector.load %arg0[%get3A_1001, %get3A_1002, %get3A_1003, %get3A_1004] : memref<8x16x14x14xf32, #tpu.memory_space<vmem>>, vector<1x16x1x14xf32>
    %get3A_1006 = vector.shape_cast %get3A_1005 : vector<1x16x1x14xf32> to vector<16x14xf32>
    %swap3A_1007 = arith.constant 0 : index
    %swap3A_1008 = arith.constant 2465 : index
    %swap3A_1009 = vector.load %arg3[%swap3A_1007, %swap3A_1008] : memref<16x2560xf32, #tpu.memory_space<vmem>>, vector<16x14xf32>
    tpu.vector_store %arg3[%swap3A_1007, %swap3A_1008], %get3A_1006 {strides = array<i32>} : memref<16x2560xf32, #tpu.memory_space<vmem>>, vector<16x14xf32>,
    %get3A_1010 = arith.constant 0 : index
    %get3A_1011 = arith.constant 0 : index
    %get3A_1012 = vector.load %arg3[%get3A_1010, %get3A_1011] : memref<16x2560xf32, #tpu.memory_space<vmem>>, vector<16x2560xf32>
    %logistic3A = arith.negf %get3A_1012 : vector<16x2560xf32>
    %logistic3A_1013 = math.exp %logistic3A : vector<16x2560xf32>
    %logistic3A_1014 = arith.constant 1.000000e+00 : f32
    %logistic3A_1015 = vector.broadcast %logistic3A_1014 : f32 to vector<16x2560xf32>
    %logistic3A_1016 = arith.addf %logistic3A_1015, %logistic3A_1013 : vector<16x2560xf32>
    %logistic3A_1017 = arith.divf %logistic3A_1015, %logistic3A_1016 : vector<16x2560xf32>
    %slice3A = vector.extract_strided_slice %logistic3A_1017 {offsets = [0, 0], sizes = [16, 256], strides = [1, 1]} : vector<16x2560xf32> to vector<16x256xf32>
    %slice3A_1018 = vector.extract_strided_slice %logistic3A_1017 {offsets = [0, 320], sizes = [16, 256], strides = [1, 1]} : vector<16x2560xf32> to vector<16x256xf32>
    %slice3A_1019 = vector.extract_strided_slice %logistic3A_1017 {offsets = [0, 640], sizes = [16, 256], strides = [1, 1]} : vector<16x2560xf32> to vector<16x256xf32>
    %slice3A_1020 = vector.extract_strided_slice %logistic3A_1017 {offsets = [0, 960], sizes = [16, 256], strides = [1, 1]} : vector<16x2560xf32> to vector<16x256xf32>
    %slice3A_1021 = vector.extract_strided_slice %logistic3A_1017 {offsets = [0, 1280], sizes = [16, 256], strides = [1, 1]} : vector<16x2560xf32> to vector<16x256xf32>
    %slice3A_1022 = vector.extract_strided_slice %logistic3A_1017 {offsets = [0, 1600], sizes = [16, 256], strides = [1, 1]} : vector<16x2560xf32> to vector<16x256xf32>
    %slice3A_1023 = vector.extract_strided_slice %logistic3A_1017 {offsets = [0, 1920], sizes = [16, 256], strides = [1, 1]} : vector<16x2560xf32> to vector<16x256xf32>
    %slice3A_1024 = vector.extract_strided_slice %logistic3A_1017 {offsets = [0, 2240], sizes = [16, 256], strides = [1, 1]} : vector<16x2560xf32> to vector<16x256xf32>
    %concatenate3A = tpu.concatenate %slice3A, %slice3A_1018, %slice3A_1019, %slice3A_1020, %slice3A_1021, %slice3A_1022, %slice3A_1023, %slice3A_1024 in 1 : vector<16x256xf32>, vector<16x256xf32>, vector<16x256xf32>, vector<16x256xf32>, vector<16x256xf32>, vector<16x256xf32>, vector<16x256xf32>, vector<16x256xf32> -> vector<16x2048xf32>
    %slice3A_1025 = vector.extract_strided_slice %logistic3A_1017 {offsets = [0, 1], sizes = [16, 256], strides = [1, 1]} : vector<16x2560xf32> to vector<16x256xf32>
    %slice3A_1026 = vector.extract_strided_slice %logistic3A_1017 {offsets = [0, 321], sizes = [16, 256], strides = [1, 1]} : vector<16x2560xf32> to vector<16x256xf32>
    %slice3A_1027 = vector.extract_strided_slice %logistic3A_1017 {offsets = [0, 641], sizes = [16, 256], strides = [1, 1]} : vector<16x2560xf32> to vector<16x256xf32>
    %slice3A_1028 = vector.extract_strided_slice %logistic3A_1017 {offsets = [0, 961], sizes = [16, 256], strides = [1, 1]} : vector<16x2560xf32> to vector<16x256xf32>
    %slice3A_1029 = vector.extract_strided_slice %logistic3A_1017 {offsets = [0, 1281], sizes = [16, 256], strides = [1, 1]} : vector<16x2560xf32> to vector<16x256xf32>
    %slice3A_1030 = vector.extract_strided_slice %logistic3A_1017 {offsets = [0, 1601], sizes = [16, 256], strides = [1, 1]} : vector<16x2560xf32> to vector<16x256xf32>
    %slice3A_1031 = vector.extract_strided_slice %logistic3A_1017 {offsets = [0, 1921], sizes = [16, 256], strides = [1, 1]} : vector<16x2560xf32> to vector<16x256xf32>
    %slice3A_1032 = vector.extract_strided_slice %logistic3A_1017 {offsets = [0, 2241], sizes = [16, 256], strides = [1, 1]} : vector<16x2560xf32> to vector<16x256xf32>
    %concatenate3A_1033 = tpu.concatenate %slice3A_1025, %slice3A_1026, %slice3A_1027, %slice3A_1028, %slice3A_1029, %slice3A_1030, %slice3A_1031, %slice3A_1032 in 1 : vector<16x256xf32>, vector<16x256xf32>, vector<16x256xf32>, vector<16x256xf32>, vector<16x256xf32>, vector<16x256xf32>, vector<16x256xf32>, vector<16x256xf32> -> vector<16x2048xf32>
    %slice3A_1034 = vector.extract_strided_slice %logistic3A_1017 {offsets = [0, 2], sizes = [16, 256], strides = [1, 1]} : vector<16x2560xf32> to vector<16x256xf32>
    %slice3A_1035 = vector.extract_strided_slice %logistic3A_1017 {offsets = [0, 322], sizes = [16, 256], strides = [1, 1]} : vector<16x2560xf32> to vector<16x256xf32>
    %slice3A_1036 = vector.extract_strided_slice %logistic3A_1017 {offsets = [0, 642], sizes = [16, 256], strides = [1, 1]} : vector<16x2560xf32> to vector<16x256xf32>
    %slice3A_1037 = vector.extract_strided_slice %logistic3A_1017 {offsets = [0, 962], sizes = [16, 256], strides = [1, 1]} : vector<16x2560xf32> to vector<16x256xf32>
    %slice3A_1038 = vector.extract_strided_slice %logistic3A_1017 {offsets = [0, 1282], sizes = [16, 256], strides = [1, 1]} : vector<16x2560xf32> to vector<16x256xf32>
    %slice3A_1039 = vector.extract_strided_slice %logistic3A_1017 {offsets = [0, 1602], sizes = [16, 256], strides = [1, 1]} : vector<16x2560xf32> to vector<16x256xf32>
    %slice3A_1040 = vector.extract_strided_slice %logistic3A_1017 {offsets = [0, 1922], sizes = [16, 256], strides = [1, 1]} : vector<16x2560xf32> to vector<16x256xf32>
    %slice3A_1041 = vector.extract_strided_slice %logistic3A_1017 {offsets = [0, 2242], sizes = [16, 256], strides = [1, 1]} : vector<16x2560xf32> to vector<16x256xf32>
    %concatenate3A_1042 = tpu.concatenate %slice3A_1034, %slice3A_1035, %slice3A_1036, %slice3A_1037, %slice3A_1038, %slice3A_1039, %slice3A_1040, %slice3A_1041 in 1 : vector<16x256xf32>, vector<16x256xf32>, vector<16x256xf32>, vector<16x256xf32>, vector<16x256xf32>, vector<16x256xf32>, vector<16x256xf32>, vector<16x256xf32> -> vector<16x2048xf32>
    %slice3A_1043 = vector.extract_strided_slice %logistic3A_1017 {offsets = [0, 16], sizes = [16, 256], strides = [1, 1]} : vector<16x2560xf32> to vector<16x256xf32>
    %slice3A_1044 = vector.extract_strided_slice %logistic3A_1017 {offsets = [0, 336], sizes = [16, 256], strides = [1, 1]} : vector<16x2560xf32> to vector<16x256xf32>
    %slice3A_1045 = vector.extract_strided_slice %logistic3A_1017 {offsets = [0, 656], sizes = [16, 256], strides = [1, 1]} : vector<16x2560xf32> to vector<16x256xf32>
    %slice3A_1046 = vector.extract_strided_slice %logistic3A_1017 {offsets = [0, 976], sizes = [16, 256], strides = [1, 1]} : vector<16x2560xf32> to vector<16x256xf32>
    %slice3A_1047 = vector.extract_strided_slice %logistic3A_1017 {offsets = [0, 1296], sizes = [16, 256], strides = [1, 1]} : vector<16x2560xf32> to vector<16x256xf32>
    %slice3A_1048 = vector.extract_strided_slice %logistic3A_1017 {offsets = [0, 1616], sizes = [16, 256], strides = [1, 1]} : vector<16x2560xf32> to vector<16x256xf32>
    %slice3A_1049 = vector.extract_strided_slice %logistic3A_1017 {offsets = [0, 1936], sizes = [16, 256], strides = [1, 1]} : vector<16x2560xf32> to vector<16x256xf32>
    %slice3A_1050 = vector.extract_strided_slice %logistic3A_1017 {offsets = [0, 2256], sizes = [16, 256], strides = [1, 1]} : vector<16x2560xf32> to vector<16x256xf32>
    %concatenate3A_1051 = tpu.concatenate %slice3A_1043, %slice3A_1044, %slice3A_1045, %slice3A_1046, %slice3A_1047, %slice3A_1048, %slice3A_1049, %slice3A_1050 in 1 : vector<16x256xf32>, vector<16x256xf32>, vector<16x256xf32>, vector<16x256xf32>, vector<16x256xf32>, vector<16x256xf32>, vector<16x256xf32>, vector<16x256xf32> -> vector<16x2048xf32>
    %slice3A_1052 = vector.extract_strided_slice %logistic3A_1017 {offsets = [0, 17], sizes = [16, 256], strides = [1, 1]} : vector<16x2560xf32> to vector<16x256xf32>
    %slice3A_1053 = vector.extract_strided_slice %logistic3A_1017 {offsets = [0, 337], sizes = [16, 256], strides = [1, 1]} : vector<16x2560xf32> to vector<16x256xf32>
    %slice3A_1054 = vector.extract_strided_slice %logistic3A_1017 {offsets = [0, 657], sizes = [16, 256], strides = [1, 1]} : vector<16x2560xf32> to vector<16x256xf32>
    %slice3A_1055 = vector.extract_strided_slice %logistic3A_1017 {offsets = [0, 977], sizes = [16, 256], strides = [1, 1]} : vector<16x2560xf32> to vector<16x256xf32>
    %slice3A_1056 = vector.extract_strided_slice %logistic3A_1017 {offsets = [0, 1297], sizes = [16, 256], strides = [1, 1]} : vector<16x2560xf32> to vector<16x256xf32>
    %slice3A_1057 = vector.extract_strided_slice %logistic3A_1017 {offsets = [0, 1617], sizes = [16, 256], strides = [1, 1]} : vector<16x2560xf32> to vector<16x256xf32>
    %slice3A_1058 = vector.extract_strided_slice %logistic3A_1017 {offsets = [0, 1937], sizes = [16, 256], strides = [1, 1]} : vector<16x2560xf32> to vector<16x256xf32>
    %slice3A_1059 = vector.extract_strided_slice %logistic3A_1017 {offsets = [0, 2257], sizes = [16, 256], strides = [1, 1]} : vector<16x2560xf32> to vector<16x256xf32>
    %concatenate3A_1060 = tpu.concatenate %slice3A_1052, %slice3A_1053, %slice3A_1054, %slice3A_1055, %slice3A_1056, %slice3A_1057, %slice3A_1058, %slice3A_1059 in 1 : vector<16x256xf32>, vector<16x256xf32>, vector<16x256xf32>, vector<16x256xf32>, vector<16x256xf32>, vector<16x256xf32>, vector<16x256xf32>, vector<16x256xf32> -> vector<16x2048xf32>
    %slice3A_1061 = vector.extract_strided_slice %logistic3A_1017 {offsets = [0, 18], sizes = [16, 256], strides = [1, 1]} : vector<16x2560xf32> to vector<16x256xf32>
    %slice3A_1062 = vector.extract_strided_slice %logistic3A_1017 {offsets = [0, 338], sizes = [16, 256], strides = [1, 1]} : vector<16x2560xf32> to vector<16x256xf32>
    %slice3A_1063 = vector.extract_strided_slice %logistic3A_1017 {offsets = [0, 658], sizes = [16, 256], strides = [1, 1]} : vector<16x2560xf32> to vector<16x256xf32>
    %slice3A_1064 = vector.extract_strided_slice %logistic3A_1017 {offsets = [0, 978], sizes = [16, 256], strides = [1, 1]} : vector<16x2560xf32> to vector<16x256xf32>
    %slice3A_1065 = vector.extract_strided_slice %logistic3A_1017 {offsets = [0, 1298], sizes = [16, 256], strides = [1, 1]} : vector<16x2560xf32> to vector<16x256xf32>
    %slice3A_1066 = vector.extract_strided_slice %logistic3A_1017 {offsets = [0, 1618], sizes = [16, 256], strides = [1, 1]} : vector<16x2560xf32> to vector<16x256xf32>
    %slice3A_1067 = vector.extract_strided_slice %logistic3A_1017 {offsets = [0, 1938], sizes = [16, 256], strides = [1, 1]} : vector<16x2560xf32> to vector<16x256xf32>
    %slice3A_1068 = vector.extract_strided_slice %logistic3A_1017 {offsets = [0, 2258], sizes = [16, 256], strides = [1, 1]} : vector<16x2560xf32> to vector<16x256xf32>
    %concatenate3A_1069 = tpu.concatenate %slice3A_1061, %slice3A_1062, %slice3A_1063, %slice3A_1064, %slice3A_1065, %slice3A_1066, %slice3A_1067, %slice3A_1068 in 1 : vector<16x256xf32>, vector<16x256xf32>, vector<16x256xf32>, vector<16x256xf32>, vector<16x256xf32>, vector<16x256xf32>, vector<16x256xf32>, vector<16x256xf32> -> vector<16x2048xf32>
    %slice3A_1070 = vector.extract_strided_slice %logistic3A_1017 {offsets = [0, 32], sizes = [16, 256], strides = [1, 1]} : vector<16x2560xf32> to vector<16x256xf32>
    %slice3A_1071 = vector.extract_strided_slice %logistic3A_1017 {offsets = [0, 352], sizes = [16, 256], strides = [1, 1]} : vector<16x2560xf32> to vector<16x256xf32>
    %slice3A_1072 = vector.extract_strided_slice %logistic3A_1017 {offsets = [0, 672], sizes = [16, 256], strides = [1, 1]} : vector<16x2560xf32> to vector<16x256xf32>
    %slice3A_1073 = vector.extract_strided_slice %logistic3A_1017 {offsets = [0, 992], sizes = [16, 256], strides = [1, 1]} : vector<16x2560xf32> to vector<16x256xf32>
    %slice3A_1074 = vector.extract_strided_slice %logistic3A_1017 {offsets = [0, 1312], sizes = [16, 256], strides = [1, 1]} : vector<16x2560xf32> to vector<16x256xf32>
    %slice3A_1075 = vector.extract_strided_slice %logistic3A_1017 {offsets = [0, 1632], sizes = [16, 256], strides = [1, 1]} : vector<16x2560xf32> to vector<16x256xf32>
    %slice3A_1076 = vector.extract_strided_slice %logistic3A_1017 {offsets = [0, 1952], sizes = [16, 256], strides = [1, 1]} : vector<16x2560xf32> to vector<16x256xf32>
    %slice3A_1077 = vector.extract_strided_slice %logistic3A_1017 {offsets = [0, 2272], sizes = [16, 256], strides = [1, 1]} : vector<16x2560xf32> to vector<16x256xf32>
    %concatenate3A_1078 = tpu.concatenate %slice3A_1070, %slice3A_1071, %slice3A_1072, %slice3A_1073, %slice3A_1074, %slice3A_1075, %slice3A_1076, %slice3A_1077 in 1 : vector<16x256xf32>, vector<16x256xf32>, vector<16x256xf32>, vector<16x256xf32>, vector<16x256xf32>, vector<16x256xf32>, vector<16x256xf32>, vector<16x256xf32> -> vector<16x2048xf32>
    %slice3A_1079 = vector.extract_strided_slice %logistic3A_1017 {offsets = [0, 33], sizes = [16, 256], strides = [1, 1]} : vector<16x2560xf32> to vector<16x256xf32>
    %slice3A_1080 = vector.extract_strided_slice %logistic3A_1017 {offsets = [0, 353], sizes = [16, 256], strides = [1, 1]} : vector<16x2560xf32> to vector<16x256xf32>
    %slice3A_1081 = vector.extract_strided_slice %logistic3A_1017 {offsets = [0, 673], sizes = [16, 256], strides = [1, 1]} : vector<16x2560xf32> to vector<16x256xf32>
    %slice3A_1082 = vector.extract_strided_slice %logistic3A_1017 {offsets = [0, 993], sizes = [16, 256], strides = [1, 1]} : vector<16x2560xf32> to vector<16x256xf32>
    %slice3A_1083 = vector.extract_strided_slice %logistic3A_1017 {offsets = [0, 1313], sizes = [16, 256], strides = [1, 1]} : vector<16x2560xf32> to vector<16x256xf32>
    %slice3A_1084 = vector.extract_strided_slice %logistic3A_1017 {offsets = [0, 1633], sizes = [16, 256], strides = [1, 1]} : vector<16x2560xf32> to vector<16x256xf32>
    %slice3A_1085 = vector.extract_strided_slice %logistic3A_1017 {offsets = [0, 1953], sizes = [16, 256], strides = [1, 1]} : vector<16x2560xf32> to vector<16x256xf32>
    %slice3A_1086 = vector.extract_strided_slice %logistic3A_1017 {offsets = [0, 2273], sizes = [16, 256], strides = [1, 1]} : vector<16x2560xf32> to vector<16x256xf32>
    %concatenate3A_1087 = tpu.concatenate %slice3A_1079, %slice3A_1080, %slice3A_1081, %slice3A_1082, %slice3A_1083, %slice3A_1084, %slice3A_1085, %slice3A_1086 in 1 : vector<16x256xf32>, vector<16x256xf32>, vector<16x256xf32>, vector<16x256xf32>, vector<16x256xf32>, vector<16x256xf32>, vector<16x256xf32>, vector<16x256xf32> -> vector<16x2048xf32>
    %slice3A_1088 = vector.extract_strided_slice %logistic3A_1017 {offsets = [0, 34], sizes = [16, 256], strides = [1, 1]} : vector<16x2560xf32> to vector<16x256xf32>
    %slice3A_1089 = vector.extract_strided_slice %logistic3A_1017 {offsets = [0, 354], sizes = [16, 256], strides = [1, 1]} : vector<16x2560xf32> to vector<16x256xf32>
    %slice3A_1090 = vector.extract_strided_slice %logistic3A_1017 {offsets = [0, 674], sizes = [16, 256], strides = [1, 1]} : vector<16x2560xf32> to vector<16x256xf32>
    %slice3A_1091 = vector.extract_strided_slice %logistic3A_1017 {offsets = [0, 994], sizes = [16, 256], strides = [1, 1]} : vector<16x2560xf32> to vector<16x256xf32>
    %slice3A_1092 = vector.extract_strided_slice %logistic3A_1017 {offsets = [0, 1314], sizes = [16, 256], strides = [1, 1]} : vector<16x2560xf32> to vector<16x256xf32>
    %slice3A_1093 = vector.extract_strided_slice %logistic3A_1017 {offsets = [0, 1634], sizes = [16, 256], strides = [1, 1]} : vector<16x2560xf32> to vector<16x256xf32>
    %slice3A_1094 = vector.extract_strided_slice %logistic3A_1017 {offsets = [0, 1954], sizes = [16, 256], strides = [1, 1]} : vector<16x2560xf32> to vector<16x256xf32>
    %slice3A_1095 = vector.extract_strided_slice %logistic3A_1017 {offsets = [0, 2274], sizes = [16, 256], strides = [1, 1]} : vector<16x2560xf32> to vector<16x256xf32>
    %concatenate3A_1096 = tpu.concatenate %slice3A_1088, %slice3A_1089, %slice3A_1090, %slice3A_1091, %slice3A_1092, %slice3A_1093, %slice3A_1094, %slice3A_1095 in 1 : vector<16x256xf32>, vector<16x256xf32>, vector<16x256xf32>, vector<16x256xf32>, vector<16x256xf32>, vector<16x256xf32>, vector<16x256xf32>, vector<16x256xf32> -> vector<16x2048xf32>
    %sub3A = arith.constant 5.000000e-01 : f32
    %sub3A_1097 = vector.broadcast %sub3A : f32 to vector<16x2048xf32>
    %sub3A_1098 = arith.subf %concatenate3A, %sub3A_1097 : vector<16x2048xf32>
    %convert_element_type3A = arith.truncf %sub3A_1098 : vector<16x2048xf32> to vector<16x2048xbf16>
    %swap3A_1099 = arith.constant 0 : index
    %swap3A_1100 = arith.constant 0 : index
    %swap3A_1101 = vector.load %arg4[%swap3A_1099, %swap3A_1100] : memref<768x2048xbf16, #tpu.memory_space<vmem>>, vector<16x2048xbf16>
    tpu.vector_store %arg4[%swap3A_1099, %swap3A_1100], %convert_element_type3A {strides = array<i32>} : memref<768x2048xbf16, #tpu.memory_space<vmem>>, vector<16x2048xbf16>,
    %sub3A_1102 = arith.constant 5.000000e-01 : f32
    %sub3A_1103 = vector.broadcast %sub3A_1102 : f32 to vector<16x2048xf32>
    %sub3A_1104 = arith.subf %concatenate3A_1033, %sub3A_1103 : vector<16x2048xf32>
    %convert_element_type3A_1105 = arith.truncf %sub3A_1104 : vector<16x2048xf32> to vector<16x2048xbf16>
    %swap3A_1106 = arith.constant 16 : index
    %swap3A_1107 = arith.constant 0 : index
    %swap3A_1108 = vector.load %arg4[%swap3A_1106, %swap3A_1107] : memref<768x2048xbf16, #tpu.memory_space<vmem>>, vector<16x2048xbf16>
    tpu.vector_store %arg4[%swap3A_1106, %swap3A_1107], %convert_element_type3A_1105 {strides = array<i32>} : memref<768x2048xbf16, #tpu.memory_space<vmem>>, vector<16x2048xbf16>,
    %sub3A_1109 = arith.constant 5.000000e-01 : f32
    %sub3A_1110 = vector.broadcast %sub3A_1109 : f32 to vector<16x2048xf32>
    %sub3A_1111 = arith.subf %concatenate3A_1042, %sub3A_1110 : vector<16x2048xf32>
    %convert_element_type3A_1112 = arith.truncf %sub3A_1111 : vector<16x2048xf32> to vector<16x2048xbf16>
    %swap3A_1113 = arith.constant 32 : index
    %swap3A_1114 = arith.constant 0 : index
    %swap3A_1115 = vector.load %arg4[%swap3A_1113, %swap3A_1114] : memref<768x2048xbf16, #tpu.memory_space<vmem>>, vector<16x2048xbf16>
    tpu.vector_store %arg4[%swap3A_1113, %swap3A_1114], %convert_element_type3A_1112 {strides = array<i32>} : memref<768x2048xbf16, #tpu.memory_space<vmem>>, vector<16x2048xbf16>,
    %sub3A_1116 = arith.constant 5.000000e-01 : f32
    %sub3A_1117 = vector.broadcast %sub3A_1116 : f32 to vector<16x2048xf32>
    %sub3A_1118 = arith.subf %concatenate3A_1051, %sub3A_1117 : vector<16x2048xf32>
    %convert_element_type3A_1119 = arith.truncf %sub3A_1118 : vector<16x2048xf32> to vector<16x2048xbf16>
    %swap3A_1120 = arith.constant 48 : index
    %swap3A_1121 = arith.constant 0 : index
    %swap3A_1122 = vector.load %arg4[%swap3A_1120, %swap3A_1121] : memref<768x2048xbf16, #tpu.memory_space<vmem>>, vector<16x2048xbf16>
    tpu.vector_store %arg4[%swap3A_1120, %swap3A_1121], %convert_element_type3A_1119 {strides = array<i32>} : memref<768x2048xbf16, #tpu.memory_space<vmem>>, vector<16x2048xbf16>,
    %sub3A_1123 = arith.constant 5.000000e-01 : f32
    %sub3A_1124 = vector.broadcast %sub3A_1123 : f32 to vector<16x2048xf32>
    %sub3A_1125 = arith.subf %concatenate3A_1060, %sub3A_1124 : vector<16x2048xf32>
    %convert_element_type3A_1126 = arith.truncf %sub3A_1125 : vector<16x2048xf32> to vector<16x2048xbf16>
    %swap3A_1127 = arith.constant 64 : index
    %swap3A_1128 = arith.constant 0 : index
    %swap3A_1129 = vector.load %arg4[%swap3A_1127, %swap3A_1128] : memref<768x2048xbf16, #tpu.memory_space<vmem>>, vector<16x2048xbf16>
    tpu.vector_store %arg4[%swap3A_1127, %swap3A_1128], %convert_element_type3A_1126 {strides = array<i32>} : memref<768x2048xbf16, #tpu.memory_space<vmem>>, vector<16x2048xbf16>,
    %sub3A_1130 = arith.constant 5.000000e-01 : f32
    %sub3A_1131 = vector.broadcast %sub3A_1130 : f32 to vector<16x2048xf32>
    %sub3A_1132 = arith.subf %concatenate3A_1069, %sub3A_1131 : vector<16x2048xf32>
    %convert_element_type3A_1133 = arith.truncf %sub3A_1132 : vector<16x2048xf32> to vector<16x2048xbf16>
    %swap3A_1134 = arith.constant 80 : index
    %swap3A_1135 = arith.constant 0 : index
    %swap3A_1136 = vector.load %arg4[%swap3A_1134, %swap3A_1135] : memref<768x2048xbf16, #tpu.memory_space<vmem>>, vector<16x2048xbf16>
    tpu.vector_store %arg4[%swap3A_1134, %swap3A_1135], %convert_element_type3A_1133 {strides = array<i32>} : memref<768x2048xbf16, #tpu.memory_space<vmem>>, vector<16x2048xbf16>,
    %sub3A_1137 = arith.constant 5.000000e-01 : f32
    %sub3A_1138 = vector.broadcast %sub3A_1137 : f32 to vector<16x2048xf32>
    %sub3A_1139 = arith.subf %concatenate3A_1078, %sub3A_1138 : vector<16x2048xf32>
    %convert_element_type3A_1140 = arith.truncf %sub3A_1139 : vector<16x2048xf32> to vector<16x2048xbf16>
    %swap3A_1141 = arith.constant 96 : index
    %swap3A_1142 = arith.constant 0 : index
    %swap3A_1143 = vector.load %arg4[%swap3A_1141, %swap3A_1142] : memref<768x2048xbf16, #tpu.memory_space<vmem>>, vector<16x2048xbf16>
    tpu.vector_store %arg4[%swap3A_1141, %swap3A_1142], %convert_element_type3A_1140 {strides = array<i32>} : memref<768x2048xbf16, #tpu.memory_space<vmem>>, vector<16x2048xbf16>,
    %sub3A_1144 = arith.constant 5.000000e-01 : f32
    %sub3A_1145 = vector.broadcast %sub3A_1144 : f32 to vector<16x2048xf32>
    %sub3A_1146 = arith.subf %concatenate3A_1087, %sub3A_1145 : vector<16x2048xf32>
    %convert_element_type3A_1147 = arith.truncf %sub3A_1146 : vector<16x2048xf32> to vector<16x2048xbf16>
    %swap3A_1148 = arith.constant 112 : index
    %swap3A_1149 = arith.constant 0 : index
    %swap3A_1150 = vector.load %arg4[%swap3A_1148, %swap3A_1149] : memref<768x2048xbf16, #tpu.memory_space<vmem>>, vector<16x2048xbf16>
    tpu.vector_store %arg4[%swap3A_1148, %swap3A_1149], %convert_element_type3A_1147 {strides = array<i32>} : memref<768x2048xbf16, #tpu.memory_space<vmem>>, vector<16x2048xbf16>,
    %sub3A_1151 = arith.constant 5.000000e-01 : f32
    %sub3A_1152 = vector.broadcast %sub3A_1151 : f32 to vector<16x2048xf32>
    %sub3A_1153 = arith.subf %concatenate3A_1096, %sub3A_1152 : vector<16x2048xf32>
    %convert_element_type3A_1154 = arith.truncf %sub3A_1153 : vector<16x2048xf32> to vector<16x2048xbf16>
    %swap3A_1155 = arith.constant 128 : index
    %swap3A_1156 = arith.constant 0 : index
    %swap3A_1157 = vector.load %arg4[%swap3A_1155, %swap3A_1156] : memref<768x2048xbf16, #tpu.memory_space<vmem>>, vector<16x2048xbf16>
    tpu.vector_store %arg4[%swap3A_1155, %swap3A_1156], %convert_element_type3A_1154 {strides = array<i32>} : memref<768x2048xbf16, #tpu.memory_space<vmem>>, vector<16x2048xbf16>,
    %mul3A = arith.mulf %concatenate3A, %concatenate3A_1033 : vector<16x2048xf32>
    %sub3A_1158 = arith.constant 5.000000e-01 : f32
    %sub3A_1159 = vector.broadcast %sub3A_1158 : f32 to vector<16x2048xf32>
    %sub3A_1160 = arith.subf %mul3A, %sub3A_1159 : vector<16x2048xf32>
    %convert_element_type3A_1161 = arith.truncf %sub3A_1160 : vector<16x2048xf32> to vector<16x2048xbf16>
    %swap3A_1162 = arith.constant 144 : index
    %swap3A_1163 = arith.constant 0 : index
    %swap3A_1164 = vector.load %arg4[%swap3A_1162, %swap3A_1163] : memref<768x2048xbf16, #tpu.memory_space<vmem>>, vector<16x2048xbf16>
    tpu.vector_store %arg4[%swap3A_1162, %swap3A_1163], %convert_element_type3A_1161 {strides = array<i32>} : memref<768x2048xbf16, #tpu.memory_space<vmem>>, vector<16x2048xbf16>,
    %mul3A_1165 = arith.mulf %concatenate3A, %concatenate3A_1042 : vector<16x2048xf32>
    %sub3A_1166 = arith.constant 5.000000e-01 : f32
    %sub3A_1167 = vector.broadcast %sub3A_1166 : f32 to vector<16x2048xf32>
    %sub3A_1168 = arith.subf %mul3A_1165, %sub3A_1167 : vector<16x2048xf32>
    %convert_element_type3A_1169 = arith.truncf %sub3A_1168 : vector<16x2048xf32> to vector<16x2048xbf16>
    %swap3A_1170 = arith.constant 160 : index
    %swap3A_1171 = arith.constant 0 : index
    %swap3A_1172 = vector.load %arg4[%swap3A_1170, %swap3A_1171] : memref<768x2048xbf16, #tpu.memory_space<vmem>>, vector<16x2048xbf16>
    tpu.vector_store %arg4[%swap3A_1170, %swap3A_1171], %convert_element_type3A_1169 {strides = array<i32>} : memref<768x2048xbf16, #tpu.memory_space<vmem>>, vector<16x2048xbf16>,
    %mul3A_1173 = arith.mulf %concatenate3A, %concatenate3A_1051 : vector<16x2048xf32>
    %sub3A_1174 = arith.constant 5.000000e-01 : f32
    %sub3A_1175 = vector.broadcast %sub3A_1174 : f32 to vector<16x2048xf32>
    %sub3A_1176 = arith.subf %mul3A_1173, %sub3A_1175 : vector<16x2048xf32>
    %convert_element_type3A_1177 = arith.truncf %sub3A_1176 : vector<16x2048xf32> to vector<16x2048xbf16>
    %swap3A_1178 = arith.constant 176 : index
    %swap3A_1179 = arith.constant 0 : index
    %swap3A_1180 = vector.load %arg4[%swap3A_1178, %swap3A_1179] : memref<768x2048xbf16, #tpu.memory_space<vmem>>, vector<16x2048xbf16>
    tpu.vector_store %arg4[%swap3A_1178, %swap3A_1179], %convert_element_type3A_1177 {strides = array<i32>} : memref<768x2048xbf16, #tpu.memory_space<vmem>>, vector<16x2048xbf16>,
    %mul3A_1181 = arith.mulf %concatenate3A, %concatenate3A_1060 : vector<16x2048xf32>
    %sub3A_1182 = arith.constant 5.000000e-01 : f32
    %sub3A_1183 = vector.broadcast %sub3A_1182 : f32 to vector<16x2048xf32>
    %sub3A_1184 = arith.subf %mul3A_1181, %sub3A_1183 : vector<16x2048xf32>
    %convert_element_type3A_1185 = arith.truncf %sub3A_1184 : vector<16x2048xf32> to vector<16x2048xbf16>
    %swap3A_1186 = arith.constant 192 : index
    %swap3A_1187 = arith.constant 0 : index
    %swap3A_1188 = vector.load %arg4[%swap3A_1186, %swap3A_1187] : memref<768x2048xbf16, #tpu.memory_space<vmem>>, vector<16x2048xbf16>
    tpu.vector_store %arg4[%swap3A_1186, %swap3A_1187], %convert_element_type3A_1185 {strides = array<i32>} : memref<768x2048xbf16, #tpu.memory_space<vmem>>, vector<16x2048xbf16>,
    %mul3A_1189 = arith.mulf %concatenate3A, %concatenate3A_1069 : vector<16x2048xf32>
    %sub3A_1190 = arith.constant 5.000000e-01 : f32
    %sub3A_1191 = vector.broadcast %sub3A_1190 : f32 to vector<16x2048xf32>
    %sub3A_1192 = arith.subf %mul3A_1189, %sub3A_1191 : vector<16x2048xf32>
    %convert_element_type3A_1193 = arith.truncf %sub3A_1192 : vector<16x2048xf32> to vector<16x2048xbf16>
    %swap3A_1194 = arith.constant 208 : index
    %swap3A_1195 = arith.constant 0 : index
    %swap3A_1196 = vector.load %arg4[%swap3A_1194, %swap3A_1195] : memref<768x2048xbf16, #tpu.memory_space<vmem>>, vector<16x2048xbf16>
    tpu.vector_store %arg4[%swap3A_1194, %swap3A_1195], %convert_element_type3A_1193 {strides = array<i32>} : memref<768x2048xbf16, #tpu.memory_space<vmem>>, vector<16x2048xbf16>,
    %mul3A_1197 = arith.mulf %concatenate3A, %concatenate3A_1078 : vector<16x2048xf32>
    %sub3A_1198 = arith.constant 5.000000e-01 : f32
    %sub3A_1199 = vector.broadcast %sub3A_1198 : f32 to vector<16x2048xf32>
    %sub3A_1200 = arith.subf %mul3A_1197, %sub3A_1199 : vector<16x2048xf32>
    %convert_element_type3A_1201 = arith.truncf %sub3A_1200 : vector<16x2048xf32> to vector<16x2048xbf16>
    %swap3A_1202 = arith.constant 224 : index
    %swap3A_1203 = arith.constant 0 : index
    %swap3A_1204 = vector.load %arg4[%swap3A_1202, %swap3A_1203] : memref<768x2048xbf16, #tpu.memory_space<vmem>>, vector<16x2048xbf16>
    tpu.vector_store %arg4[%swap3A_1202, %swap3A_1203], %convert_element_type3A_1201 {strides = array<i32>} : memref<768x2048xbf16, #tpu.memory_space<vmem>>, vector<16x2048xbf16>,
    %mul3A_1205 = arith.mulf %concatenate3A, %concatenate3A_1087 : vector<16x2048xf32>
    %sub3A_1206 = arith.constant 5.000000e-01 : f32
    %sub3A_1207 = vector.broadcast %sub3A_1206 : f32 to vector<16x2048xf32>
    %sub3A_1208 = arith.subf %mul3A_1205, %sub3A_1207 : vector<16x2048xf32>
    %convert_element_type3A_1209 = arith.truncf %sub3A_1208 : vector<16x2048xf32> to vector<16x2048xbf16>
    %swap3A_1210 = arith.constant 240 : index
    %swap3A_1211 = arith.constant 0 : index
    %swap3A_1212 = vector.load %arg4[%swap3A_1210, %swap3A_1211] : memref<768x2048xbf16, #tpu.memory_space<vmem>>, vector<16x2048xbf16>
    tpu.vector_store %arg4[%swap3A_1210, %swap3A_1211], %convert_element_type3A_1209 {strides = array<i32>} : memref<768x2048xbf16, #tpu.memory_space<vmem>>, vector<16x2048xbf16>,
    %mul3A_1213 = arith.mulf %concatenate3A, %concatenate3A_1096 : vector<16x2048xf32>
    %sub3A_1214 = arith.constant 5.000000e-01 : f32
    %sub3A_1215 = vector.broadcast %sub3A_1214 : f32 to vector<16x2048xf32>
    %sub3A_1216 = arith.subf %mul3A_1213, %sub3A_1215 : vector<16x2048xf32>
    %convert_element_type3A_1217 = arith.truncf %sub3A_1216 : vector<16x2048xf32> to vector<16x2048xbf16>
    %swap3A_1218 = arith.constant 256 : index
    %swap3A_1219 = arith.constant 0 : index
    %swap3A_1220 = vector.load %arg4[%swap3A_1218, %swap3A_1219] : memref<768x2048xbf16, #tpu.memory_space<vmem>>, vector<16x2048xbf16>
    tpu.vector_store %arg4[%swap3A_1218, %swap3A_1219], %convert_element_type3A_1217 {strides = array<i32>} : memref<768x2048xbf16, #tpu.memory_space<vmem>>, vector<16x2048xbf16>,
    %mul3A_1221 = arith.mulf %concatenate3A_1033, %concatenate3A_1042 : vector<16x2048xf32>
    %sub3A_1222 = arith.constant 5.000000e-01 : f32
    %sub3A_1223 = vector.broadcast %sub3A_1222 : f32 to vector<16x2048xf32>
    %sub3A_1224 = arith.subf %mul3A_1221, %sub3A_1223 : vector<16x2048xf32>
    %convert_element_type3A_1225 = arith.truncf %sub3A_1224 : vector<16x2048xf32> to vector<16x2048xbf16>
    %swap3A_1226 = arith.constant 272 : index
    %swap3A_1227 = arith.constant 0 : index
    %swap3A_1228 = vector.load %arg4[%swap3A_1226, %swap3A_1227] : memref<768x2048xbf16, #tpu.memory_space<vmem>>, vector<16x2048xbf16>
    tpu.vector_store %arg4[%swap3A_1226, %swap3A_1227], %convert_element_type3A_1225 {strides = array<i32>} : memref<768x2048xbf16, #tpu.memory_space<vmem>>, vector<16x2048xbf16>,
    %mul3A_1229 = arith.mulf %concatenate3A_1033, %concatenate3A_1051 : vector<16x2048xf32>
    %sub3A_1230 = arith.constant 5.000000e-01 : f32
    %sub3A_1231 = vector.broadcast %sub3A_1230 : f32 to vector<16x2048xf32>
    %sub3A_1232 = arith.subf %mul3A_1229, %sub3A_1231 : vector<16x2048xf32>
    %convert_element_type3A_1233 = arith.truncf %sub3A_1232 : vector<16x2048xf32> to vector<16x2048xbf16>
    %swap3A_1234 = arith.constant 288 : index
    %swap3A_1235 = arith.constant 0 : index
    %swap3A_1236 = vector.load %arg4[%swap3A_1234, %swap3A_1235] : memref<768x2048xbf16, #tpu.memory_space<vmem>>, vector<16x2048xbf16>
    tpu.vector_store %arg4[%swap3A_1234, %swap3A_1235], %convert_element_type3A_1233 {strides = array<i32>} : memref<768x2048xbf16, #tpu.memory_space<vmem>>, vector<16x2048xbf16>,
    %mul3A_1237 = arith.mulf %concatenate3A_1033, %concatenate3A_1060 : vector<16x2048xf32>
    %sub3A_1238 = arith.constant 5.000000e-01 : f32
    %sub3A_1239 = vector.broadcast %sub3A_1238 : f32 to vector<16x2048xf32>
    %sub3A_1240 = arith.subf %mul3A_1237, %sub3A_1239 : vector<16x2048xf32>
    %convert_element_type3A_1241 = arith.truncf %sub3A_1240 : vector<16x2048xf32> to vector<16x2048xbf16>
    %swap3A_1242 = arith.constant 304 : index
    %swap3A_1243 = arith.constant 0 : index
    %swap3A_1244 = vector.load %arg4[%swap3A_1242, %swap3A_1243] : memref<768x2048xbf16, #tpu.memory_space<vmem>>, vector<16x2048xbf16>
    tpu.vector_store %arg4[%swap3A_1242, %swap3A_1243], %convert_element_type3A_1241 {strides = array<i32>} : memref<768x2048xbf16, #tpu.memory_space<vmem>>, vector<16x2048xbf16>,
    %mul3A_1245 = arith.mulf %concatenate3A_1033, %concatenate3A_1069 : vector<16x2048xf32>
    %sub3A_1246 = arith.constant 5.000000e-01 : f32
    %sub3A_1247 = vector.broadcast %sub3A_1246 : f32 to vector<16x2048xf32>
    %sub3A_1248 = arith.subf %mul3A_1245, %sub3A_1247 : vector<16x2048xf32>
    %convert_element_type3A_1249 = arith.truncf %sub3A_1248 : vector<16x2048xf32> to vector<16x2048xbf16>
    %swap3A_1250 = arith.constant 320 : index
    %swap3A_1251 = arith.constant 0 : index
    %swap3A_1252 = vector.load %arg4[%swap3A_1250, %swap3A_1251] : memref<768x2048xbf16, #tpu.memory_space<vmem>>, vector<16x2048xbf16>
    tpu.vector_store %arg4[%swap3A_1250, %swap3A_1251], %convert_element_type3A_1249 {strides = array<i32>} : memref<768x2048xbf16, #tpu.memory_space<vmem>>, vector<16x2048xbf16>,
    %mul3A_1253 = arith.mulf %concatenate3A_1033, %concatenate3A_1078 : vector<16x2048xf32>
    %sub3A_1254 = arith.constant 5.000000e-01 : f32
    %sub3A_1255 = vector.broadcast %sub3A_1254 : f32 to vector<16x2048xf32>
    %sub3A_1256 = arith.subf %mul3A_1253, %sub3A_1255 : vector<16x2048xf32>
    %convert_element_type3A_1257 = arith.truncf %sub3A_1256 : vector<16x2048xf32> to vector<16x2048xbf16>
    %swap3A_1258 = arith.constant 336 : index
    %swap3A_1259 = arith.constant 0 : index
    %swap3A_1260 = vector.load %arg4[%swap3A_1258, %swap3A_1259] : memref<768x2048xbf16, #tpu.memory_space<vmem>>, vector<16x2048xbf16>
    tpu.vector_store %arg4[%swap3A_1258, %swap3A_1259], %convert_element_type3A_1257 {strides = array<i32>} : memref<768x2048xbf16, #tpu.memory_space<vmem>>, vector<16x2048xbf16>,
    %mul3A_1261 = arith.mulf %concatenate3A_1033, %concatenate3A_1087 : vector<16x2048xf32>
    %sub3A_1262 = arith.constant 5.000000e-01 : f32
    %sub3A_1263 = vector.broadcast %sub3A_1262 : f32 to vector<16x2048xf32>
    %sub3A_1264 = arith.subf %mul3A_1261, %sub3A_1263 : vector<16x2048xf32>
    %convert_element_type3A_1265 = arith.truncf %sub3A_1264 : vector<16x2048xf32> to vector<16x2048xbf16>
    %swap3A_1266 = arith.constant 352 : index
    %swap3A_1267 = arith.constant 0 : index
    %swap3A_1268 = vector.load %arg4[%swap3A_1266, %swap3A_1267] : memref<768x2048xbf16, #tpu.memory_space<vmem>>, vector<16x2048xbf16>
    tpu.vector_store %arg4[%swap3A_1266, %swap3A_1267], %convert_element_type3A_1265 {strides = array<i32>} : memref<768x2048xbf16, #tpu.memory_space<vmem>>, vector<16x2048xbf16>,
    %mul3A_1269 = arith.mulf %concatenate3A_1033, %concatenate3A_1096 : vector<16x2048xf32>
    %sub3A_1270 = arith.constant 5.000000e-01 : f32
    %sub3A_1271 = vector.broadcast %sub3A_1270 : f32 to vector<16x2048xf32>
    %sub3A_1272 = arith.subf %mul3A_1269, %sub3A_1271 : vector<16x2048xf32>
    %convert_element_type3A_1273 = arith.truncf %sub3A_1272 : vector<16x2048xf32> to vector<16x2048xbf16>
    %swap3A_1274 = arith.constant 368 : index
    %swap3A_1275 = arith.constant 0 : index
    %swap3A_1276 = vector.load %arg4[%swap3A_1274, %swap3A_1275] : memref<768x2048xbf16, #tpu.memory_space<vmem>>, vector<16x2048xbf16>
    tpu.vector_store %arg4[%swap3A_1274, %swap3A_1275], %convert_element_type3A_1273 {strides = array<i32>} : memref<768x2048xbf16, #tpu.memory_space<vmem>>, vector<16x2048xbf16>,
    %mul3A_1277 = arith.mulf %concatenate3A_1042, %concatenate3A_1051 : vector<16x2048xf32>
    %sub3A_1278 = arith.constant 5.000000e-01 : f32
    %sub3A_1279 = vector.broadcast %sub3A_1278 : f32 to vector<16x2048xf32>
    %sub3A_1280 = arith.subf %mul3A_1277, %sub3A_1279 : vector<16x2048xf32>
    %convert_element_type3A_1281 = arith.truncf %sub3A_1280 : vector<16x2048xf32> to vector<16x2048xbf16>
    %swap3A_1282 = arith.constant 384 : index
    %swap3A_1283 = arith.constant 0 : index
    %swap3A_1284 = vector.load %arg4[%swap3A_1282, %swap3A_1283] : memref<768x2048xbf16, #tpu.memory_space<vmem>>, vector<16x2048xbf16>
    tpu.vector_store %arg4[%swap3A_1282, %swap3A_1283], %convert_element_type3A_1281 {strides = array<i32>} : memref<768x2048xbf16, #tpu.memory_space<vmem>>, vector<16x2048xbf16>,
    %mul3A_1285 = arith.mulf %concatenate3A_1042, %concatenate3A_1060 : vector<16x2048xf32>
    %sub3A_1286 = arith.constant 5.000000e-01 : f32
    %sub3A_1287 = vector.broadcast %sub3A_1286 : f32 to vector<16x2048xf32>
    %sub3A_1288 = arith.subf %mul3A_1285, %sub3A_1287 : vector<16x2048xf32>
    %convert_element_type3A_1289 = arith.truncf %sub3A_1288 : vector<16x2048xf32> to vector<16x2048xbf16>
    %swap3A_1290 = arith.constant 400 : index
    %swap3A_1291 = arith.constant 0 : index
    %swap3A_1292 = vector.load %arg4[%swap3A_1290, %swap3A_1291] : memref<768x2048xbf16, #tpu.memory_space<vmem>>, vector<16x2048xbf16>
    tpu.vector_store %arg4[%swap3A_1290, %swap3A_1291], %convert_element_type3A_1289 {strides = array<i32>} : memref<768x2048xbf16, #tpu.memory_space<vmem>>, vector<16x2048xbf16>,
    %mul3A_1293 = arith.mulf %concatenate3A_1042, %concatenate3A_1069 : vector<16x2048xf32>
    %sub3A_1294 = arith.constant 5.000000e-01 : f32
    %sub3A_1295 = vector.broadcast %sub3A_1294 : f32 to vector<16x2048xf32>
    %sub3A_1296 = arith.subf %mul3A_1293, %sub3A_1295 : vector<16x2048xf32>
    %convert_element_type3A_1297 = arith.truncf %sub3A_1296 : vector<16x2048xf32> to vector<16x2048xbf16>
    %swap3A_1298 = arith.constant 416 : index
    %swap3A_1299 = arith.constant 0 : index
    %swap3A_1300 = vector.load %arg4[%swap3A_1298, %swap3A_1299] : memref<768x2048xbf16, #tpu.memory_space<vmem>>, vector<16x2048xbf16>
    tpu.vector_store %arg4[%swap3A_1298, %swap3A_1299], %convert_element_type3A_1297 {strides = array<i32>} : memref<768x2048xbf16, #tpu.memory_space<vmem>>, vector<16x2048xbf16>,
    %mul3A_1301 = arith.mulf %concatenate3A_1042, %concatenate3A_1078 : vector<16x2048xf32>
    %sub3A_1302 = arith.constant 5.000000e-01 : f32
    %sub3A_1303 = vector.broadcast %sub3A_1302 : f32 to vector<16x2048xf32>
    %sub3A_1304 = arith.subf %mul3A_1301, %sub3A_1303 : vector<16x2048xf32>
    %convert_element_type3A_1305 = arith.truncf %sub3A_1304 : vector<16x2048xf32> to vector<16x2048xbf16>
    %swap3A_1306 = arith.constant 432 : index
    %swap3A_1307 = arith.constant 0 : index
    %swap3A_1308 = vector.load %arg4[%swap3A_1306, %swap3A_1307] : memref<768x2048xbf16, #tpu.memory_space<vmem>>, vector<16x2048xbf16>
    tpu.vector_store %arg4[%swap3A_1306, %swap3A_1307], %convert_element_type3A_1305 {strides = array<i32>} : memref<768x2048xbf16, #tpu.memory_space<vmem>>, vector<16x2048xbf16>,
    %mul3A_1309 = arith.mulf %concatenate3A_1042, %concatenate3A_1087 : vector<16x2048xf32>
    %sub3A_1310 = arith.constant 5.000000e-01 : f32
    %sub3A_1311 = vector.broadcast %sub3A_1310 : f32 to vector<16x2048xf32>
    %sub3A_1312 = arith.subf %mul3A_1309, %sub3A_1311 : vector<16x2048xf32>
    %convert_element_type3A_1313 = arith.truncf %sub3A_1312 : vector<16x2048xf32> to vector<16x2048xbf16>
    %swap3A_1314 = arith.constant 448 : index
    %swap3A_1315 = arith.constant 0 : index
    %swap3A_1316 = vector.load %arg4[%swap3A_1314, %swap3A_1315] : memref<768x2048xbf16, #tpu.memory_space<vmem>>, vector<16x2048xbf16>
    tpu.vector_store %arg4[%swap3A_1314, %swap3A_1315], %convert_element_type3A_1313 {strides = array<i32>} : memref<768x2048xbf16, #tpu.memory_space<vmem>>, vector<16x2048xbf16>,
    %mul3A_1317 = arith.mulf %concatenate3A_1042, %concatenate3A_1096 : vector<16x2048xf32>
    %sub3A_1318 = arith.constant 5.000000e-01 : f32
    %sub3A_1319 = vector.broadcast %sub3A_1318 : f32 to vector<16x2048xf32>
    %sub3A_1320 = arith.subf %mul3A_1317, %sub3A_1319 : vector<16x2048xf32>
    %convert_element_type3A_1321 = arith.truncf %sub3A_1320 : vector<16x2048xf32> to vector<16x2048xbf16>
    %swap3A_1322 = arith.constant 464 : index
    %swap3A_1323 = arith.constant 0 : index
    %swap3A_1324 = vector.load %arg4[%swap3A_1322, %swap3A_1323] : memref<768x2048xbf16, #tpu.memory_space<vmem>>, vector<16x2048xbf16>
    tpu.vector_store %arg4[%swap3A_1322, %swap3A_1323], %convert_element_type3A_1321 {strides = array<i32>} : memref<768x2048xbf16, #tpu.memory_space<vmem>>, vector<16x2048xbf16>,
    %mul3A_1325 = arith.mulf %concatenate3A_1051, %concatenate3A_1060 : vector<16x2048xf32>
    %sub3A_1326 = arith.constant 5.000000e-01 : f32
    %sub3A_1327 = vector.broadcast %sub3A_1326 : f32 to vector<16x2048xf32>
    %sub3A_1328 = arith.subf %mul3A_1325, %sub3A_1327 : vector<16x2048xf32>
    %convert_element_type3A_1329 = arith.truncf %sub3A_1328 : vector<16x2048xf32> to vector<16x2048xbf16>
    %swap3A_1330 = arith.constant 480 : index
    %swap3A_1331 = arith.constant 0 : index
    %swap3A_1332 = vector.load %arg4[%swap3A_1330, %swap3A_1331] : memref<768x2048xbf16, #tpu.memory_space<vmem>>, vector<16x2048xbf16>
    tpu.vector_store %arg4[%swap3A_1330, %swap3A_1331], %convert_element_type3A_1329 {strides = array<i32>} : memref<768x2048xbf16, #tpu.memory_space<vmem>>, vector<16x2048xbf16>,
    %mul3A_1333 = arith.mulf %concatenate3A_1051, %concatenate3A_1069 : vector<16x2048xf32>
    %sub3A_1334 = arith.constant 5.000000e-01 : f32
    %sub3A_1335 = vector.broadcast %sub3A_1334 : f32 to vector<16x2048xf32>
    %sub3A_1336 = arith.subf %mul3A_1333, %sub3A_1335 : vector<16x2048xf32>
    %convert_element_type3A_1337 = arith.truncf %sub3A_1336 : vector<16x2048xf32> to vector<16x2048xbf16>
    %swap3A_1338 = arith.constant 496 : index
    %swap3A_1339 = arith.constant 0 : index
    %swap3A_1340 = vector.load %arg4[%swap3A_1338, %swap3A_1339] : memref<768x2048xbf16, #tpu.memory_space<vmem>>, vector<16x2048xbf16>
    tpu.vector_store %arg4[%swap3A_1338, %swap3A_1339], %convert_element_type3A_1337 {strides = array<i32>} : memref<768x2048xbf16, #tpu.memory_space<vmem>>, vector<16x2048xbf16>,
    %mul3A_1341 = arith.mulf %concatenate3A_1051, %concatenate3A_1078 : vector<16x2048xf32>
    %sub3A_1342 = arith.constant 5.000000e-01 : f32
    %sub3A_1343 = vector.broadcast %sub3A_1342 : f32 to vector<16x2048xf32>
    %sub3A_1344 = arith.subf %mul3A_1341, %sub3A_1343 : vector<16x2048xf32>
    %convert_element_type3A_1345 = arith.truncf %sub3A_1344 : vector<16x2048xf32> to vector<16x2048xbf16>
    %swap3A_1346 = arith.constant 512 : index
    %swap3A_1347 = arith.constant 0 : index
    %swap3A_1348 = vector.load %arg4[%swap3A_1346, %swap3A_1347] : memref<768x2048xbf16, #tpu.memory_space<vmem>>, vector<16x2048xbf16>
    tpu.vector_store %arg4[%swap3A_1346, %swap3A_1347], %convert_element_type3A_1345 {strides = array<i32>} : memref<768x2048xbf16, #tpu.memory_space<vmem>>, vector<16x2048xbf16>,
    %mul3A_1349 = arith.mulf %concatenate3A_1051, %concatenate3A_1087 : vector<16x2048xf32>
    %sub3A_1350 = arith.constant 5.000000e-01 : f32
    %sub3A_1351 = vector.broadcast %sub3A_1350 : f32 to vector<16x2048xf32>
    %sub3A_1352 = arith.subf %mul3A_1349, %sub3A_1351 : vector<16x2048xf32>
    %convert_element_type3A_1353 = arith.truncf %sub3A_1352 : vector<16x2048xf32> to vector<16x2048xbf16>
    %swap3A_1354 = arith.constant 528 : index
    %swap3A_1355 = arith.constant 0 : index
    %swap3A_1356 = vector.load %arg4[%swap3A_1354, %swap3A_1355] : memref<768x2048xbf16, #tpu.memory_space<vmem>>, vector<16x2048xbf16>
    tpu.vector_store %arg4[%swap3A_1354, %swap3A_1355], %convert_element_type3A_1353 {strides = array<i32>} : memref<768x2048xbf16, #tpu.memory_space<vmem>>, vector<16x2048xbf16>,
    %mul3A_1357 = arith.mulf %concatenate3A_1051, %concatenate3A_1096 : vector<16x2048xf32>
    %sub3A_1358 = arith.constant 5.000000e-01 : f32
    %sub3A_1359 = vector.broadcast %sub3A_1358 : f32 to vector<16x2048xf32>
    %sub3A_1360 = arith.subf %mul3A_1357, %sub3A_1359 : vector<16x2048xf32>
    %convert_element_type3A_1361 = arith.truncf %sub3A_1360 : vector<16x2048xf32> to vector<16x2048xbf16>
    %swap3A_1362 = arith.constant 544 : index
    %swap3A_1363 = arith.constant 0 : index
    %swap3A_1364 = vector.load %arg4[%swap3A_1362, %swap3A_1363] : memref<768x2048xbf16, #tpu.memory_space<vmem>>, vector<16x2048xbf16>
    tpu.vector_store %arg4[%swap3A_1362, %swap3A_1363], %convert_element_type3A_1361 {strides = array<i32>} : memref<768x2048xbf16, #tpu.memory_space<vmem>>, vector<16x2048xbf16>,
    %mul3A_1365 = arith.mulf %concatenate3A_1060, %concatenate3A_1069 : vector<16x2048xf32>
    %sub3A_1366 = arith.constant 5.000000e-01 : f32
    %sub3A_1367 = vector.broadcast %sub3A_1366 : f32 to vector<16x2048xf32>
    %sub3A_1368 = arith.subf %mul3A_1365, %sub3A_1367 : vector<16x2048xf32>
    %convert_element_type3A_1369 = arith.truncf %sub3A_1368 : vector<16x2048xf32> to vector<16x2048xbf16>
    %swap3A_1370 = arith.constant 560 : index
    %swap3A_1371 = arith.constant 0 : index
    %swap3A_1372 = vector.load %arg4[%swap3A_1370, %swap3A_1371] : memref<768x2048xbf16, #tpu.memory_space<vmem>>, vector<16x2048xbf16>
    tpu.vector_store %arg4[%swap3A_1370, %swap3A_1371], %convert_element_type3A_1369 {strides = array<i32>} : memref<768x2048xbf16, #tpu.memory_space<vmem>>, vector<16x2048xbf16>,
    %mul3A_1373 = arith.mulf %concatenate3A_1060, %concatenate3A_1078 : vector<16x2048xf32>
    %sub3A_1374 = arith.constant 5.000000e-01 : f32
    %sub3A_1375 = vector.broadcast %sub3A_1374 : f32 to vector<16x2048xf32>
    %sub3A_1376 = arith.subf %mul3A_1373, %sub3A_1375 : vector<16x2048xf32>
    %convert_element_type3A_1377 = arith.truncf %sub3A_1376 : vector<16x2048xf32> to vector<16x2048xbf16>
    %swap3A_1378 = arith.constant 576 : index
    %swap3A_1379 = arith.constant 0 : index
    %swap3A_1380 = vector.load %arg4[%swap3A_1378, %swap3A_1379] : memref<768x2048xbf16, #tpu.memory_space<vmem>>, vector<16x2048xbf16>
    tpu.vector_store %arg4[%swap3A_1378, %swap3A_1379], %convert_element_type3A_1377 {strides = array<i32>} : memref<768x2048xbf16, #tpu.memory_space<vmem>>, vector<16x2048xbf16>,
    %mul3A_1381 = arith.mulf %concatenate3A_1060, %concatenate3A_1087 : vector<16x2048xf32>
    %sub3A_1382 = arith.constant 5.000000e-01 : f32
    %sub3A_1383 = vector.broadcast %sub3A_1382 : f32 to vector<16x2048xf32>
    %sub3A_1384 = arith.subf %mul3A_1381, %sub3A_1383 : vector<16x2048xf32>
    %convert_element_type3A_1385 = arith.truncf %sub3A_1384 : vector<16x2048xf32> to vector<16x2048xbf16>
    %swap3A_1386 = arith.constant 592 : index
    %swap3A_1387 = arith.constant 0 : index
    %swap3A_1388 = vector.load %arg4[%swap3A_1386, %swap3A_1387] : memref<768x2048xbf16, #tpu.memory_space<vmem>>, vector<16x2048xbf16>
    tpu.vector_store %arg4[%swap3A_1386, %swap3A_1387], %convert_element_type3A_1385 {strides = array<i32>} : memref<768x2048xbf16, #tpu.memory_space<vmem>>, vector<16x2048xbf16>,
    %mul3A_1389 = arith.mulf %concatenate3A_1060, %concatenate3A_1096 : vector<16x2048xf32>
    %sub3A_1390 = arith.constant 5.000000e-01 : f32
    %sub3A_1391 = vector.broadcast %sub3A_1390 : f32 to vector<16x2048xf32>
    %sub3A_1392 = arith.subf %mul3A_1389, %sub3A_1391 : vector<16x2048xf32>
    %convert_element_type3A_1393 = arith.truncf %sub3A_1392 : vector<16x2048xf32> to vector<16x2048xbf16>
    %swap3A_1394 = arith.constant 608 : index
    %swap3A_1395 = arith.constant 0 : index
    %swap3A_1396 = vector.load %arg4[%swap3A_1394, %swap3A_1395] : memref<768x2048xbf16, #tpu.memory_space<vmem>>, vector<16x2048xbf16>
    tpu.vector_store %arg4[%swap3A_1394, %swap3A_1395], %convert_element_type3A_1393 {strides = array<i32>} : memref<768x2048xbf16, #tpu.memory_space<vmem>>, vector<16x2048xbf16>,
    %mul3A_1397 = arith.mulf %concatenate3A_1069, %concatenate3A_1078 : vector<16x2048xf32>
    %sub3A_1398 = arith.constant 5.000000e-01 : f32
    %sub3A_1399 = vector.broadcast %sub3A_1398 : f32 to vector<16x2048xf32>
    %sub3A_1400 = arith.subf %mul3A_1397, %sub3A_1399 : vector<16x2048xf32>
    %convert_element_type3A_1401 = arith.truncf %sub3A_1400 : vector<16x2048xf32> to vector<16x2048xbf16>
    %swap3A_1402 = arith.constant 624 : index
    %swap3A_1403 = arith.constant 0 : index
    %swap3A_1404 = vector.load %arg4[%swap3A_1402, %swap3A_1403] : memref<768x2048xbf16, #tpu.memory_space<vmem>>, vector<16x2048xbf16>
    tpu.vector_store %arg4[%swap3A_1402, %swap3A_1403], %convert_element_type3A_1401 {strides = array<i32>} : memref<768x2048xbf16, #tpu.memory_space<vmem>>, vector<16x2048xbf16>,
    %mul3A_1405 = arith.mulf %concatenate3A_1069, %concatenate3A_1087 : vector<16x2048xf32>
    %sub3A_1406 = arith.constant 5.000000e-01 : f32
    %sub3A_1407 = vector.broadcast %sub3A_1406 : f32 to vector<16x2048xf32>
    %sub3A_1408 = arith.subf %mul3A_1405, %sub3A_1407 : vector<16x2048xf32>
    %convert_element_type3A_1409 = arith.truncf %sub3A_1408 : vector<16x2048xf32> to vector<16x2048xbf16>
    %swap3A_1410 = arith.constant 640 : index
    %swap3A_1411 = arith.constant 0 : index
    %swap3A_1412 = vector.load %arg4[%swap3A_1410, %swap3A_1411] : memref<768x2048xbf16, #tpu.memory_space<vmem>>, vector<16x2048xbf16>
    tpu.vector_store %arg4[%swap3A_1410, %swap3A_1411], %convert_element_type3A_1409 {strides = array<i32>} : memref<768x2048xbf16, #tpu.memory_space<vmem>>, vector<16x2048xbf16>,
    %mul3A_1413 = arith.mulf %concatenate3A_1069, %concatenate3A_1096 : vector<16x2048xf32>
    %sub3A_1414 = arith.constant 5.000000e-01 : f32
    %sub3A_1415 = vector.broadcast %sub3A_1414 : f32 to vector<16x2048xf32>
    %sub3A_1416 = arith.subf %mul3A_1413, %sub3A_1415 : vector<16x2048xf32>
    %convert_element_type3A_1417 = arith.truncf %sub3A_1416 : vector<16x2048xf32> to vector<16x2048xbf16>
    %swap3A_1418 = arith.constant 656 : index
    %swap3A_1419 = arith.constant 0 : index
    %swap3A_1420 = vector.load %arg4[%swap3A_1418, %swap3A_1419] : memref<768x2048xbf16, #tpu.memory_space<vmem>>, vector<16x2048xbf16>
    tpu.vector_store %arg4[%swap3A_1418, %swap3A_1419], %convert_element_type3A_1417 {strides = array<i32>} : memref<768x2048xbf16, #tpu.memory_space<vmem>>, vector<16x2048xbf16>,
    %mul3A_1421 = arith.mulf %concatenate3A_1078, %concatenate3A_1087 : vector<16x2048xf32>
    %sub3A_1422 = arith.constant 5.000000e-01 : f32
    %sub3A_1423 = vector.broadcast %sub3A_1422 : f32 to vector<16x2048xf32>
    %sub3A_1424 = arith.subf %mul3A_1421, %sub3A_1423 : vector<16x2048xf32>
    %convert_element_type3A_1425 = arith.truncf %sub3A_1424 : vector<16x2048xf32> to vector<16x2048xbf16>
    %swap3A_1426 = arith.constant 672 : index
    %swap3A_1427 = arith.constant 0 : index
    %swap3A_1428 = vector.load %arg4[%swap3A_1426, %swap3A_1427] : memref<768x2048xbf16, #tpu.memory_space<vmem>>, vector<16x2048xbf16>
    tpu.vector_store %arg4[%swap3A_1426, %swap3A_1427], %convert_element_type3A_1425 {strides = array<i32>} : memref<768x2048xbf16, #tpu.memory_space<vmem>>, vector<16x2048xbf16>,
    %mul3A_1429 = arith.mulf %concatenate3A_1078, %concatenate3A_1096 : vector<16x2048xf32>
    %sub3A_1430 = arith.constant 5.000000e-01 : f32
    %sub3A_1431 = vector.broadcast %sub3A_1430 : f32 to vector<16x2048xf32>
    %sub3A_1432 = arith.subf %mul3A_1429, %sub3A_1431 : vector<16x2048xf32>
    %convert_element_type3A_1433 = arith.truncf %sub3A_1432 : vector<16x2048xf32> to vector<16x2048xbf16>
    %swap3A_1434 = arith.constant 688 : index
    %swap3A_1435 = arith.constant 0 : index
    %swap3A_1436 = vector.load %arg4[%swap3A_1434, %swap3A_1435] : memref<768x2048xbf16, #tpu.memory_space<vmem>>, vector<16x2048xbf16>
    tpu.vector_store %arg4[%swap3A_1434, %swap3A_1435], %convert_element_type3A_1433 {strides = array<i32>} : memref<768x2048xbf16, #tpu.memory_space<vmem>>, vector<16x2048xbf16>,
    %mul3A_1437 = arith.mulf %concatenate3A_1087, %concatenate3A_1096 : vector<16x2048xf32>
    %sub3A_1438 = arith.constant 5.000000e-01 : f32
    %sub3A_1439 = vector.broadcast %sub3A_1438 : f32 to vector<16x2048xf32>
    %sub3A_1440 = arith.subf %mul3A_1437, %sub3A_1439 : vector<16x2048xf32>
    %convert_element_type3A_1441 = arith.truncf %sub3A_1440 : vector<16x2048xf32> to vector<16x2048xbf16>
    %swap3A_1442 = arith.constant 704 : index
    %swap3A_1443 = arith.constant 0 : index
    %swap3A_1444 = vector.load %arg4[%swap3A_1442, %swap3A_1443] : memref<768x2048xbf16, #tpu.memory_space<vmem>>, vector<16x2048xbf16>
    tpu.vector_store %arg4[%swap3A_1442, %swap3A_1443], %convert_element_type3A_1441 {strides = array<i32>} : memref<768x2048xbf16, #tpu.memory_space<vmem>>, vector<16x2048xbf16>,
    %broadcast_in_dim3A_1445 = arith.constant 5.000000e-01 : bf16
    %broadcast_in_dim3A_1446 = vector.broadcast %broadcast_in_dim3A_1445 : bf16 to vector<1x2048xbf16>
    %broadcast_in_dim3A_1447 = arith.constant 0.000000e+00 : bf16
    %broadcast_in_dim3A_1448 = vector.broadcast %broadcast_in_dim3A_1447 : bf16 to vector<15x2048xbf16>
    %concatenate3A_1449 = tpu.concatenate %broadcast_in_dim3A_1446, %broadcast_in_dim3A_1448 in 0 : vector<1x2048xbf16>, vector<15x2048xbf16> -> vector<16x2048xbf16>
    %swap3A_1450 = arith.constant 720 : index
    %swap3A_1451 = arith.constant 0 : index
    %swap3A_1452 = vector.load %arg4[%swap3A_1450, %swap3A_1451] : memref<768x2048xbf16, #tpu.memory_space<vmem>>, vector<16x2048xbf16>
    tpu.vector_store %arg4[%swap3A_1450, %swap3A_1451], %concatenate3A_1449 {strides = array<i32>} : memref<768x2048xbf16, #tpu.memory_space<vmem>>, vector<16x2048xbf16>,
    %broadcast_in_dim3A_1453 = arith.constant 0.000000e+00 : bf16
    %broadcast_in_dim3A_1454 = vector.broadcast %broadcast_in_dim3A_1453 : bf16 to vector<32x2048xbf16>
    %swap3A_1455 = arith.constant 736 : index
    %swap3A_1456 = arith.constant 0 : index
    %swap3A_1457 = vector.load %arg4[%swap3A_1455, %swap3A_1456] : memref<768x2048xbf16, #tpu.memory_space<vmem>>, vector<32x2048xbf16>
    tpu.vector_store %arg4[%swap3A_1455, %swap3A_1456], %broadcast_in_dim3A_1454 {strides = array<i32>} : memref<768x2048xbf16, #tpu.memory_space<vmem>>, vector<32x2048xbf16>,
    %get3A_1458 = arith.constant 0 : index
    %get3A_1459 = arith.constant 0 : index
    %get3A_1460 = vector.load %arg1[%get3A_1458, %get3A_1459] : memref<32x768xf32, #tpu.memory_space<vmem>>, vector<32x768xf32>
    %convert_element_type3A_1461 = arith.truncf %get3A_1460 : vector<32x768xf32> to vector<32x768xbf16>
    %convert_element_type3A_1462 = arith.extf %convert_element_type3A_1461 : vector<32x768xbf16> to vector<32x768xf32>
    %sub3A_1463 = arith.subf %get3A_1460, %convert_element_type3A_1462 : vector<32x768xf32>
    %convert_element_type3A_1464 = arith.truncf %sub3A_1463 : vector<32x768xf32> to vector<32x768xbf16>
    %reduce_sum3A = arith.constant dense<0.000000e+00> : vector<32xf32>
    %reduce_sum3A_1465 = vector.multi_reduction <add>, %get3A_1460, %reduce_sum3A [1] : vector<32x768xf32> to vector<32xf32>
    %broadcast_in_dim3A_1466 = vector.shape_cast %reduce_sum3A_1465 : vector<32xf32> to vector<32x1xf32>
    %broadcast_in_dim3A_1467 = vector.shape_cast %broadcast_in_dim3A_1466 : vector<32x1xf32> to vector<32x1xf32>
    %broadcast_in_dim3A_1468 = vector.broadcast %broadcast_in_dim3A_1467 : vector<32x1xf32> to vector<32x512xf32>
    %mul3A_1469 = arith.constant 5.000000e-01 : f32
    %mul3A_1470 = vector.broadcast %mul3A_1469 : f32 to vector<32x512xf32>
    %mul3A_1471 = arith.mulf %mul3A_1470, %broadcast_in_dim3A_1468 : vector<32x512xf32>
    %get3A_1472 = arith.constant 0 : index
    %get3A_1473 = arith.constant 0 : index
    %get3A_1474 = vector.load %arg4[%get3A_1472, %get3A_1473] : memref<768x2048xbf16, #tpu.memory_space<vmem>>, vector<128x512xbf16>
    %slice3A_1475 = vector.extract_strided_slice %convert_element_type3A_1461 {offsets = [0, 0], sizes = [32, 128], strides = [1, 1]} : vector<32x768xbf16> to vector<32x128xbf16>
    %dot_general3A = arith.constant dense<0.000000e+00> : vector<32x512xf32>
    %dot_general3A_1476 = tpu.matmul %slice3A_1475, %get3A_1474, %dot_general3A {dimension_numbers = #tpu.dot_dimension_numbers<[1], [0], [0], [1], [0, 0, 1, 1], [], []>, transpose_lhs_hint = false} : vector<32x128xbf16>, vector<128x512xbf16>, vector<32x512xf32> -> vector<32x512xf32>
    %add3A = arith.addf %mul3A_1471, %dot_general3A_1476 : vector<32x512xf32>
    %slice3A_1477 = vector.extract_strided_slice %convert_element_type3A_1464 {offsets = [0, 0], sizes = [32, 128], strides = [1, 1]} : vector<32x768xbf16> to vector<32x128xbf16>
    %dot_general3A_1478 = arith.constant dense<0.000000e+00> : vector<32x512xf32>
    %dot_general3A_1479 = tpu.matmul %slice3A_1477, %get3A_1474, %dot_general3A_1478 {dimension_numbers = #tpu.dot_dimension_numbers<[1], [0], [0], [1], [0, 0, 1, 1], [], []>, transpose_lhs_hint = false} : vector<32x128xbf16>, vector<128x512xbf16>, vector<32x512xf32> -> vector<32x512xf32>
    %add3A_1480 = arith.addf %add3A, %dot_general3A_1479 : vector<32x512xf32>
    %get3A_1481 = arith.constant 128 : index
    %get3A_1482 = arith.constant 0 : index
    %get3A_1483 = vector.load %arg4[%get3A_1481, %get3A_1482] : memref<768x2048xbf16, #tpu.memory_space<vmem>>, vector<128x512xbf16>
    %slice3A_1484 = vector.extract_strided_slice %convert_element_type3A_1461 {offsets = [0, 128], sizes = [32, 128], strides = [1, 1]} : vector<32x768xbf16> to vector<32x128xbf16>
    %dot_general3A_1485 = arith.constant dense<0.000000e+00> : vector<32x512xf32>
    %dot_general3A_1486 = tpu.matmul %slice3A_1484, %get3A_1483, %dot_general3A_1485 {dimension_numbers = #tpu.dot_dimension_numbers<[1], [0], [0], [1], [0, 0, 1, 1], [], []>, transpose_lhs_hint = false} : vector<32x128xbf16>, vector<128x512xbf16>, vector<32x512xf32> -> vector<32x512xf32>
    %add3A_1487 = arith.addf %add3A_1480, %dot_general3A_1486 : vector<32x512xf32>
    %slice3A_1488 = vector.extract_strided_slice %convert_element_type3A_1464 {offsets = [0, 128], sizes = [32, 128], strides = [1, 1]} : vector<32x768xbf16> to vector<32x128xbf16>
    %dot_general3A_1489 = arith.constant dense<0.000000e+00> : vector<32x512xf32>
    %dot_general3A_1490 = tpu.matmul %slice3A_1488, %get3A_1483, %dot_general3A_1489 {dimension_numbers = #tpu.dot_dimension_numbers<[1], [0], [0], [1], [0, 0, 1, 1], [], []>, transpose_lhs_hint = false} : vector<32x128xbf16>, vector<128x512xbf16>, vector<32x512xf32> -> vector<32x512xf32>
    %add3A_1491 = arith.addf %add3A_1487, %dot_general3A_1490 : vector<32x512xf32>
    %get3A_1492 = arith.constant 256 : index
    %get3A_1493 = arith.constant 0 : index
    %get3A_1494 = vector.load %arg4[%get3A_1492, %get3A_1493] : memref<768x2048xbf16, #tpu.memory_space<vmem>>, vector<128x512xbf16>
    %slice3A_1495 = vector.extract_strided_slice %convert_element_type3A_1461 {offsets = [0, 256], sizes = [32, 128], strides = [1, 1]} : vector<32x768xbf16> to vector<32x128xbf16>
    %dot_general3A_1496 = arith.constant dense<0.000000e+00> : vector<32x512xf32>
    %dot_general3A_1497 = tpu.matmul %slice3A_1495, %get3A_1494, %dot_general3A_1496 {dimension_numbers = #tpu.dot_dimension_numbers<[1], [0], [0], [1], [0, 0, 1, 1], [], []>, transpose_lhs_hint = false} : vector<32x128xbf16>, vector<128x512xbf16>, vector<32x512xf32> -> vector<32x512xf32>
    %add3A_1498 = arith.addf %add3A_1491, %dot_general3A_1497 : vector<32x512xf32>
    %slice3A_1499 = vector.extract_strided_slice %convert_element_type3A_1464 {offsets = [0, 256], sizes = [32, 128], strides = [1, 1]} : vector<32x768xbf16> to vector<32x128xbf16>
    %dot_general3A_1500 = arith.constant dense<0.000000e+00> : vector<32x512xf32>
    %dot_general3A_1501 = tpu.matmul %slice3A_1499, %get3A_1494, %dot_general3A_1500 {dimension_numbers = #tpu.dot_dimension_numbers<[1], [0], [0], [1], [0, 0, 1, 1], [], []>, transpose_lhs_hint = false} : vector<32x128xbf16>, vector<128x512xbf16>, vector<32x512xf32> -> vector<32x512xf32>
    %add3A_1502 = arith.addf %add3A_1498, %dot_general3A_1501 : vector<32x512xf32>
    %get3A_1503 = arith.constant 384 : index
    %get3A_1504 = arith.constant 0 : index
    %get3A_1505 = vector.load %arg4[%get3A_1503, %get3A_1504] : memref<768x2048xbf16, #tpu.memory_space<vmem>>, vector<128x512xbf16>
    %slice3A_1506 = vector.extract_strided_slice %convert_element_type3A_1461 {offsets = [0, 384], sizes = [32, 128], strides = [1, 1]} : vector<32x768xbf16> to vector<32x128xbf16>
    %dot_general3A_1507 = arith.constant dense<0.000000e+00> : vector<32x512xf32>
    %dot_general3A_1508 = tpu.matmul %slice3A_1506, %get3A_1505, %dot_general3A_1507 {dimension_numbers = #tpu.dot_dimension_numbers<[1], [0], [0], [1], [0, 0, 1, 1], [], []>, transpose_lhs_hint = false} : vector<32x128xbf16>, vector<128x512xbf16>, vector<32x512xf32> -> vector<32x512xf32>
    %add3A_1509 = arith.addf %add3A_1502, %dot_general3A_1508 : vector<32x512xf32>
    %slice3A_1510 = vector.extract_strided_slice %convert_element_type3A_1464 {offsets = [0, 384], sizes = [32, 128], strides = [1, 1]} : vector<32x768xbf16> to vector<32x128xbf16>
    %dot_general3A_1511 = arith.constant dense<0.000000e+00> : vector<32x512xf32>
    %dot_general3A_1512 = tpu.matmul %slice3A_1510, %get3A_1505, %dot_general3A_1511 {dimension_numbers = #tpu.dot_dimension_numbers<[1], [0], [0], [1], [0, 0, 1, 1], [], []>, transpose_lhs_hint = false} : vector<32x128xbf16>, vector<128x512xbf16>, vector<32x512xf32> -> vector<32x512xf32>
    %add3A_1513 = arith.addf %add3A_1509, %dot_general3A_1512 : vector<32x512xf32>
    %get3A_1514 = arith.constant 512 : index
    %get3A_1515 = arith.constant 0 : index
    %get3A_1516 = vector.load %arg4[%get3A_1514, %get3A_1515] : memref<768x2048xbf16, #tpu.memory_space<vmem>>, vector<128x512xbf16>
    %slice3A_1517 = vector.extract_strided_slice %convert_element_type3A_1461 {offsets = [0, 512], sizes = [32, 128], strides = [1, 1]} : vector<32x768xbf16> to vector<32x128xbf16>
    %dot_general3A_1518 = arith.constant dense<0.000000e+00> : vector<32x512xf32>
    %dot_general3A_1519 = tpu.matmul %slice3A_1517, %get3A_1516, %dot_general3A_1518 {dimension_numbers = #tpu.dot_dimension_numbers<[1], [0], [0], [1], [0, 0, 1, 1], [], []>, transpose_lhs_hint = false} : vector<32x128xbf16>, vector<128x512xbf16>, vector<32x512xf32> -> vector<32x512xf32>
    %add3A_1520 = arith.addf %add3A_1513, %dot_general3A_1519 : vector<32x512xf32>
    %slice3A_1521 = vector.extract_strided_slice %convert_element_type3A_1464 {offsets = [0, 512], sizes = [32, 128], strides = [1, 1]} : vector<32x768xbf16> to vector<32x128xbf16>
    %dot_general3A_1522 = arith.constant dense<0.000000e+00> : vector<32x512xf32>
    %dot_general3A_1523 = tpu.matmul %slice3A_1521, %get3A_1516, %dot_general3A_1522 {dimension_numbers = #tpu.dot_dimension_numbers<[1], [0], [0], [1], [0, 0, 1, 1], [], []>, transpose_lhs_hint = false} : vector<32x128xbf16>, vector<128x512xbf16>, vector<32x512xf32> -> vector<32x512xf32>
    %add3A_1524 = arith.addf %add3A_1520, %dot_general3A_1523 : vector<32x512xf32>
    %get3A_1525 = arith.constant 640 : index
    %get3A_1526 = arith.constant 0 : index
    %get3A_1527 = vector.load %arg4[%get3A_1525, %get3A_1526] : memref<768x2048xbf16, #tpu.memory_space<vmem>>, vector<128x512xbf16>
    %slice3A_1528 = vector.extract_strided_slice %convert_element_type3A_1461 {offsets = [0, 640], sizes = [32, 128], strides = [1, 1]} : vector<32x768xbf16> to vector<32x128xbf16>
    %dot_general3A_1529 = arith.constant dense<0.000000e+00> : vector<32x512xf32>
    %dot_general3A_1530 = tpu.matmul %slice3A_1528, %get3A_1527, %dot_general3A_1529 {dimension_numbers = #tpu.dot_dimension_numbers<[1], [0], [0], [1], [0, 0, 1, 1], [], []>, transpose_lhs_hint = false} : vector<32x128xbf16>, vector<128x512xbf16>, vector<32x512xf32> -> vector<32x512xf32>
    %add3A_1531 = arith.addf %add3A_1524, %dot_general3A_1530 : vector<32x512xf32>
    %slice3A_1532 = vector.extract_strided_slice %convert_element_type3A_1464 {offsets = [0, 640], sizes = [32, 128], strides = [1, 1]} : vector<32x768xbf16> to vector<32x128xbf16>
    %dot_general3A_1533 = arith.constant dense<0.000000e+00> : vector<32x512xf32>
    %dot_general3A_1534 = tpu.matmul %slice3A_1532, %get3A_1527, %dot_general3A_1533 {dimension_numbers = #tpu.dot_dimension_numbers<[1], [0], [0], [1], [0, 0, 1, 1], [], []>, transpose_lhs_hint = false} : vector<32x128xbf16>, vector<128x512xbf16>, vector<32x512xf32> -> vector<32x512xf32>
    %add3A_1535 = arith.addf %add3A_1531, %dot_general3A_1534 : vector<32x512xf32>
    %slice3A_1536 = vector.extract_strided_slice %add3A_1535 {offsets = [0, 0], sizes = [32, 256], strides = [1, 1]} : vector<32x512xf32> to vector<32x256xf32>
    %swap3A_1537 = arith.constant 0 : index
    %swap3A_1538 = arith.constant 0 : index
    %swap3A_1539 = arith.constant 0 : index
    %swap3A_1540 = vector.load %arg2[%swap3A_1537, %swap3A_1538, %swap3A_1539] : memref<8x32x256xf32, #tpu.memory_space<vmem>>, vector<1x32x256xf32>
    %swap3A_1541 = vector.shape_cast %swap3A_1540 : vector<1x32x256xf32> to vector<32x256xf32>
    %swap3A_1542 = vector.shape_cast %slice3A_1536 : vector<32x256xf32> to vector<1x32x256xf32>
    tpu.vector_store %arg2[%swap3A_1537, %swap3A_1538, %swap3A_1539], %swap3A_1542 {strides = array<i32>} : memref<8x32x256xf32, #tpu.memory_space<vmem>>, vector<1x32x256xf32>,
    %slice3A_1543 = vector.extract_strided_slice %add3A_1535 {offsets = [0, 256], sizes = [32, 256], strides = [1, 1]} : vector<32x512xf32> to vector<32x256xf32>
    %swap3A_1544 = arith.constant 1 : index
    %swap3A_1545 = arith.constant 0 : index
    %swap3A_1546 = arith.constant 0 : index
    %swap3A_1547 = vector.load %arg2[%swap3A_1544, %swap3A_1545, %swap3A_1546] : memref<8x32x256xf32, #tpu.memory_space<vmem>>, vector<1x32x256xf32>
    %swap3A_1548 = vector.shape_cast %swap3A_1547 : vector<1x32x256xf32> to vector<32x256xf32>
    %swap3A_1549 = vector.shape_cast %slice3A_1543 : vector<32x256xf32> to vector<1x32x256xf32>
    tpu.vector_store %arg2[%swap3A_1544, %swap3A_1545, %swap3A_1546], %swap3A_1549 {strides = array<i32>} : memref<8x32x256xf32, #tpu.memory_space<vmem>>, vector<1x32x256xf32>,
    %get3A_1550 = arith.constant 0 : index
    %get3A_1551 = arith.constant 512 : index
    %get3A_1552 = vector.load %arg4[%get3A_1550, %get3A_1551] : memref<768x2048xbf16, #tpu.memory_space<vmem>>, vector<128x512xbf16>
    %slice3A_1553 = vector.extract_strided_slice %convert_element_type3A_1461 {offsets = [0, 0], sizes = [32, 128], strides = [1, 1]} : vector<32x768xbf16> to vector<32x128xbf16>
    %dot_general3A_1554 = arith.constant dense<0.000000e+00> : vector<32x512xf32>
    %dot_general3A_1555 = tpu.matmul %slice3A_1553, %get3A_1552, %dot_general3A_1554 {dimension_numbers = #tpu.dot_dimension_numbers<[1], [0], [0], [1], [0, 0, 1, 1], [], []>, transpose_lhs_hint = false} : vector<32x128xbf16>, vector<128x512xbf16>, vector<32x512xf32> -> vector<32x512xf32>
    %add3A_1556 = arith.addf %mul3A_1471, %dot_general3A_1555 : vector<32x512xf32>
    %slice3A_1557 = vector.extract_strided_slice %convert_element_type3A_1464 {offsets = [0, 0], sizes = [32, 128], strides = [1, 1]} : vector<32x768xbf16> to vector<32x128xbf16>
    %dot_general3A_1558 = arith.constant dense<0.000000e+00> : vector<32x512xf32>
    %dot_general3A_1559 = tpu.matmul %slice3A_1557, %get3A_1552, %dot_general3A_1558 {dimension_numbers = #tpu.dot_dimension_numbers<[1], [0], [0], [1], [0, 0, 1, 1], [], []>, transpose_lhs_hint = false} : vector<32x128xbf16>, vector<128x512xbf16>, vector<32x512xf32> -> vector<32x512xf32>
    %add3A_1560 = arith.addf %add3A_1556, %dot_general3A_1559 : vector<32x512xf32>
    %get3A_1561 = arith.constant 128 : index
    %get3A_1562 = arith.constant 512 : index
    %get3A_1563 = vector.load %arg4[%get3A_1561, %get3A_1562] : memref<768x2048xbf16, #tpu.memory_space<vmem>>, vector<128x512xbf16>
    %slice3A_1564 = vector.extract_strided_slice %convert_element_type3A_1461 {offsets = [0, 128], sizes = [32, 128], strides = [1, 1]} : vector<32x768xbf16> to vector<32x128xbf16>
    %dot_general3A_1565 = arith.constant dense<0.000000e+00> : vector<32x512xf32>
    %dot_general3A_1566 = tpu.matmul %slice3A_1564, %get3A_1563, %dot_general3A_1565 {dimension_numbers = #tpu.dot_dimension_numbers<[1], [0], [0], [1], [0, 0, 1, 1], [], []>, transpose_lhs_hint = false} : vector<32x128xbf16>, vector<128x512xbf16>, vector<32x512xf32> -> vector<32x512xf32>
    %add3A_1567 = arith.addf %add3A_1560, %dot_general3A_1566 : vector<32x512xf32>
    %slice3A_1568 = vector.extract_strided_slice %convert_element_type3A_1464 {offsets = [0, 128], sizes = [32, 128], strides = [1, 1]} : vector<32x768xbf16> to vector<32x128xbf16>
    %dot_general3A_1569 = arith.constant dense<0.000000e+00> : vector<32x512xf32>
    %dot_general3A_1570 = tpu.matmul %slice3A_1568, %get3A_1563, %dot_general3A_1569 {dimension_numbers = #tpu.dot_dimension_numbers<[1], [0], [0], [1], [0, 0, 1, 1], [], []>, transpose_lhs_hint = false} : vector<32x128xbf16>, vector<128x512xbf16>, vector<32x512xf32> -> vector<32x512xf32>
    %add3A_1571 = arith.addf %add3A_1567, %dot_general3A_1570 : vector<32x512xf32>
    %get3A_1572 = arith.constant 256 : index
    %get3A_1573 = arith.constant 512 : index
    %get3A_1574 = vector.load %arg4[%get3A_1572, %get3A_1573] : memref<768x2048xbf16, #tpu.memory_space<vmem>>, vector<128x512xbf16>
    %slice3A_1575 = vector.extract_strided_slice %convert_element_type3A_1461 {offsets = [0, 256], sizes = [32, 128], strides = [1, 1]} : vector<32x768xbf16> to vector<32x128xbf16>
    %dot_general3A_1576 = arith.constant dense<0.000000e+00> : vector<32x512xf32>
    %dot_general3A_1577 = tpu.matmul %slice3A_1575, %get3A_1574, %dot_general3A_1576 {dimension_numbers = #tpu.dot_dimension_numbers<[1], [0], [0], [1], [0, 0, 1, 1], [], []>, transpose_lhs_hint = false} : vector<32x128xbf16>, vector<128x512xbf16>, vector<32x512xf32> -> vector<32x512xf32>
    %add3A_1578 = arith.addf %add3A_1571, %dot_general3A_1577 : vector<32x512xf32>
    %slice3A_1579 = vector.extract_strided_slice %convert_element_type3A_1464 {offsets = [0, 256], sizes = [32, 128], strides = [1, 1]} : vector<32x768xbf16> to vector<32x128xbf16>
    %dot_general3A_1580 = arith.constant dense<0.000000e+00> : vector<32x512xf32>
    %dot_general3A_1581 = tpu.matmul %slice3A_1579, %get3A_1574, %dot_general3A_1580 {dimension_numbers = #tpu.dot_dimension_numbers<[1], [0], [0], [1], [0, 0, 1, 1], [], []>, transpose_lhs_hint = false} : vector<32x128xbf16>, vector<128x512xbf16>, vector<32x512xf32> -> vector<32x512xf32>
    %add3A_1582 = arith.addf %add3A_1578, %dot_general3A_1581 : vector<32x512xf32>
    %get3A_1583 = arith.constant 384 : index
    %get3A_1584 = arith.constant 512 : index
    %get3A_1585 = vector.load %arg4[%get3A_1583, %get3A_1584] : memref<768x2048xbf16, #tpu.memory_space<vmem>>, vector<128x512xbf16>
    %slice3A_1586 = vector.extract_strided_slice %convert_element_type3A_1461 {offsets = [0, 384], sizes = [32, 128], strides = [1, 1]} : vector<32x768xbf16> to vector<32x128xbf16>
    %dot_general3A_1587 = arith.constant dense<0.000000e+00> : vector<32x512xf32>
    %dot_general3A_1588 = tpu.matmul %slice3A_1586, %get3A_1585, %dot_general3A_1587 {dimension_numbers = #tpu.dot_dimension_numbers<[1], [0], [0], [1], [0, 0, 1, 1], [], []>, transpose_lhs_hint = false} : vector<32x128xbf16>, vector<128x512xbf16>, vector<32x512xf32> -> vector<32x512xf32>
    %add3A_1589 = arith.addf %add3A_1582, %dot_general3A_1588 : vector<32x512xf32>
    %slice3A_1590 = vector.extract_strided_slice %convert_element_type3A_1464 {offsets = [0, 384], sizes = [32, 128], strides = [1, 1]} : vector<32x768xbf16> to vector<32x128xbf16>
    %dot_general3A_1591 = arith.constant dense<0.000000e+00> : vector<32x512xf32>
    %dot_general3A_1592 = tpu.matmul %slice3A_1590, %get3A_1585, %dot_general3A_1591 {dimension_numbers = #tpu.dot_dimension_numbers<[1], [0], [0], [1], [0, 0, 1, 1], [], []>, transpose_lhs_hint = false} : vector<32x128xbf16>, vector<128x512xbf16>, vector<32x512xf32> -> vector<32x512xf32>
    %add3A_1593 = arith.addf %add3A_1589, %dot_general3A_1592 : vector<32x512xf32>
    %get3A_1594 = arith.constant 512 : index
    %get3A_1595 = arith.constant 512 : index
    %get3A_1596 = vector.load %arg4[%get3A_1594, %get3A_1595] : memref<768x2048xbf16, #tpu.memory_space<vmem>>, vector<128x512xbf16>
    %slice3A_1597 = vector.extract_strided_slice %convert_element_type3A_1461 {offsets = [0, 512], sizes = [32, 128], strides = [1, 1]} : vector<32x768xbf16> to vector<32x128xbf16>
    %dot_general3A_1598 = arith.constant dense<0.000000e+00> : vector<32x512xf32>
    %dot_general3A_1599 = tpu.matmul %slice3A_1597, %get3A_1596, %dot_general3A_1598 {dimension_numbers = #tpu.dot_dimension_numbers<[1], [0], [0], [1], [0, 0, 1, 1], [], []>, transpose_lhs_hint = false} : vector<32x128xbf16>, vector<128x512xbf16>, vector<32x512xf32> -> vector<32x512xf32>
    %add3A_1600 = arith.addf %add3A_1593, %dot_general3A_1599 : vector<32x512xf32>
    %slice3A_1601 = vector.extract_strided_slice %convert_element_type3A_1464 {offsets = [0, 512], sizes = [32, 128], strides = [1, 1]} : vector<32x768xbf16> to vector<32x128xbf16>
    %dot_general3A_1602 = arith.constant dense<0.000000e+00> : vector<32x512xf32>
    %dot_general3A_1603 = tpu.matmul %slice3A_1601, %get3A_1596, %dot_general3A_1602 {dimension_numbers = #tpu.dot_dimension_numbers<[1], [0], [0], [1], [0, 0, 1, 1], [], []>, transpose_lhs_hint = false} : vector<32x128xbf16>, vector<128x512xbf16>, vector<32x512xf32> -> vector<32x512xf32>
    %add3A_1604 = arith.addf %add3A_1600, %dot_general3A_1603 : vector<32x512xf32>
    %get3A_1605 = arith.constant 640 : index
    %get3A_1606 = arith.constant 512 : index
    %get3A_1607 = vector.load %arg4[%get3A_1605, %get3A_1606] : memref<768x2048xbf16, #tpu.memory_space<vmem>>, vector<128x512xbf16>
    %slice3A_1608 = vector.extract_strided_slice %convert_element_type3A_1461 {offsets = [0, 640], sizes = [32, 128], strides = [1, 1]} : vector<32x768xbf16> to vector<32x128xbf16>
    %dot_general3A_1609 = arith.constant dense<0.000000e+00> : vector<32x512xf32>
    %dot_general3A_1610 = tpu.matmul %slice3A_1608, %get3A_1607, %dot_general3A_1609 {dimension_numbers = #tpu.dot_dimension_numbers<[1], [0], [0], [1], [0, 0, 1, 1], [], []>, transpose_lhs_hint = false} : vector<32x128xbf16>, vector<128x512xbf16>, vector<32x512xf32> -> vector<32x512xf32>
    %add3A_1611 = arith.addf %add3A_1604, %dot_general3A_1610 : vector<32x512xf32>
    %slice3A_1612 = vector.extract_strided_slice %convert_element_type3A_1464 {offsets = [0, 640], sizes = [32, 128], strides = [1, 1]} : vector<32x768xbf16> to vector<32x128xbf16>
    %dot_general3A_1613 = arith.constant dense<0.000000e+00> : vector<32x512xf32>
    %dot_general3A_1614 = tpu.matmul %slice3A_1612, %get3A_1607, %dot_general3A_1613 {dimension_numbers = #tpu.dot_dimension_numbers<[1], [0], [0], [1], [0, 0, 1, 1], [], []>, transpose_lhs_hint = false} : vector<32x128xbf16>, vector<128x512xbf16>, vector<32x512xf32> -> vector<32x512xf32>
    %add3A_1615 = arith.addf %add3A_1611, %dot_general3A_1614 : vector<32x512xf32>
    %slice3A_1616 = vector.extract_strided_slice %add3A_1615 {offsets = [0, 0], sizes = [32, 256], strides = [1, 1]} : vector<32x512xf32> to vector<32x256xf32>
    %swap3A_1617 = arith.constant 2 : index
    %swap3A_1618 = arith.constant 0 : index
    %swap3A_1619 = arith.constant 0 : index
    %swap3A_1620 = vector.load %arg2[%swap3A_1617, %swap3A_1618, %swap3A_1619] : memref<8x32x256xf32, #tpu.memory_space<vmem>>, vector<1x32x256xf32>
    %swap3A_1621 = vector.shape_cast %swap3A_1620 : vector<1x32x256xf32> to vector<32x256xf32>
    %swap3A_1622 = vector.shape_cast %slice3A_1616 : vector<32x256xf32> to vector<1x32x256xf32>
    tpu.vector_store %arg2[%swap3A_1617, %swap3A_1618, %swap3A_1619], %swap3A_1622 {strides = array<i32>} : memref<8x32x256xf32, #tpu.memory_space<vmem>>, vector<1x32x256xf32>,
    %slice3A_1623 = vector.extract_strided_slice %add3A_1615 {offsets = [0, 256], sizes = [32, 256], strides = [1, 1]} : vector<32x512xf32> to vector<32x256xf32>
    %swap3A_1624 = arith.constant 3 : index
    %swap3A_1625 = arith.constant 0 : index
    %swap3A_1626 = arith.constant 0 : index
    %swap3A_1627 = vector.load %arg2[%swap3A_1624, %swap3A_1625, %swap3A_1626] : memref<8x32x256xf32, #tpu.memory_space<vmem>>, vector<1x32x256xf32>
    %swap3A_1628 = vector.shape_cast %swap3A_1627 : vector<1x32x256xf32> to vector<32x256xf32>
    %swap3A_1629 = vector.shape_cast %slice3A_1623 : vector<32x256xf32> to vector<1x32x256xf32>
    tpu.vector_store %arg2[%swap3A_1624, %swap3A_1625, %swap3A_1626], %swap3A_1629 {strides = array<i32>} : memref<8x32x256xf32, #tpu.memory_space<vmem>>, vector<1x32x256xf32>,
    %get3A_1630 = arith.constant 0 : index
    %get3A_1631 = arith.constant 1024 : index
    %get3A_1632 = vector.load %arg4[%get3A_1630, %get3A_1631] : memref<768x2048xbf16, #tpu.memory_space<vmem>>, vector<128x512xbf16>
    %slice3A_1633 = vector.extract_strided_slice %convert_element_type3A_1461 {offsets = [0, 0], sizes = [32, 128], strides = [1, 1]} : vector<32x768xbf16> to vector<32x128xbf16>
    %dot_general3A_1634 = arith.constant dense<0.000000e+00> : vector<32x512xf32>
    %dot_general3A_1635 = tpu.matmul %slice3A_1633, %get3A_1632, %dot_general3A_1634 {dimension_numbers = #tpu.dot_dimension_numbers<[1], [0], [0], [1], [0, 0, 1, 1], [], []>, transpose_lhs_hint = false} : vector<32x128xbf16>, vector<128x512xbf16>, vector<32x512xf32> -> vector<32x512xf32>
    %add3A_1636 = arith.addf %mul3A_1471, %dot_general3A_1635 : vector<32x512xf32>
    %slice3A_1637 = vector.extract_strided_slice %convert_element_type3A_1464 {offsets = [0, 0], sizes = [32, 128], strides = [1, 1]} : vector<32x768xbf16> to vector<32x128xbf16>
    %dot_general3A_1638 = arith.constant dense<0.000000e+00> : vector<32x512xf32>
    %dot_general3A_1639 = tpu.matmul %slice3A_1637, %get3A_1632, %dot_general3A_1638 {dimension_numbers = #tpu.dot_dimension_numbers<[1], [0], [0], [1], [0, 0, 1, 1], [], []>, transpose_lhs_hint = false} : vector<32x128xbf16>, vector<128x512xbf16>, vector<32x512xf32> -> vector<32x512xf32>
    %add3A_1640 = arith.addf %add3A_1636, %dot_general3A_1639 : vector<32x512xf32>
    %get3A_1641 = arith.constant 128 : index
    %get3A_1642 = arith.constant 1024 : index
    %get3A_1643 = vector.load %arg4[%get3A_1641, %get3A_1642] : memref<768x2048xbf16, #tpu.memory_space<vmem>>, vector<128x512xbf16>
    %slice3A_1644 = vector.extract_strided_slice %convert_element_type3A_1461 {offsets = [0, 128], sizes = [32, 128], strides = [1, 1]} : vector<32x768xbf16> to vector<32x128xbf16>
    %dot_general3A_1645 = arith.constant dense<0.000000e+00> : vector<32x512xf32>
    %dot_general3A_1646 = tpu.matmul %slice3A_1644, %get3A_1643, %dot_general3A_1645 {dimension_numbers = #tpu.dot_dimension_numbers<[1], [0], [0], [1], [0, 0, 1, 1], [], []>, transpose_lhs_hint = false} : vector<32x128xbf16>, vector<128x512xbf16>, vector<32x512xf32> -> vector<32x512xf32>
    %add3A_1647 = arith.addf %add3A_1640, %dot_general3A_1646 : vector<32x512xf32>
    %slice3A_1648 = vector.extract_strided_slice %convert_element_type3A_1464 {offsets = [0, 128], sizes = [32, 128], strides = [1, 1]} : vector<32x768xbf16> to vector<32x128xbf16>
    %dot_general3A_1649 = arith.constant dense<0.000000e+00> : vector<32x512xf32>
    %dot_general3A_1650 = tpu.matmul %slice3A_1648, %get3A_1643, %dot_general3A_1649 {dimension_numbers = #tpu.dot_dimension_numbers<[1], [0], [0], [1], [0, 0, 1, 1], [], []>, transpose_lhs_hint = false} : vector<32x128xbf16>, vector<128x512xbf16>, vector<32x512xf32> -> vector<32x512xf32>
    %add3A_1651 = arith.addf %add3A_1647, %dot_general3A_1650 : vector<32x512xf32>
    %get3A_1652 = arith.constant 256 : index
    %get3A_1653 = arith.constant 1024 : index
    %get3A_1654 = vector.load %arg4[%get3A_1652, %get3A_1653] : memref<768x2048xbf16, #tpu.memory_space<vmem>>, vector<128x512xbf16>
    %slice3A_1655 = vector.extract_strided_slice %convert_element_type3A_1461 {offsets = [0, 256], sizes = [32, 128], strides = [1, 1]} : vector<32x768xbf16> to vector<32x128xbf16>
    %dot_general3A_1656 = arith.constant dense<0.000000e+00> : vector<32x512xf32>
    %dot_general3A_1657 = tpu.matmul %slice3A_1655, %get3A_1654, %dot_general3A_1656 {dimension_numbers = #tpu.dot_dimension_numbers<[1], [0], [0], [1], [0, 0, 1, 1], [], []>, transpose_lhs_hint = false} : vector<32x128xbf16>, vector<128x512xbf16>, vector<32x512xf32> -> vector<32x512xf32>
    %add3A_1658 = arith.addf %add3A_1651, %dot_general3A_1657 : vector<32x512xf32>
    %slice3A_1659 = vector.extract_strided_slice %convert_element_type3A_1464 {offsets = [0, 256], sizes = [32, 128], strides = [1, 1]} : vector<32x768xbf16> to vector<32x128xbf16>
    %dot_general3A_1660 = arith.constant dense<0.000000e+00> : vector<32x512xf32>
    %dot_general3A_1661 = tpu.matmul %slice3A_1659, %get3A_1654, %dot_general3A_1660 {dimension_numbers = #tpu.dot_dimension_numbers<[1], [0], [0], [1], [0, 0, 1, 1], [], []>, transpose_lhs_hint = false} : vector<32x128xbf16>, vector<128x512xbf16>, vector<32x512xf32> -> vector<32x512xf32>
    %add3A_1662 = arith.addf %add3A_1658, %dot_general3A_1661 : vector<32x512xf32>
    %get3A_1663 = arith.constant 384 : index
    %get3A_1664 = arith.constant 1024 : index
    %get3A_1665 = vector.load %arg4[%get3A_1663, %get3A_1664] : memref<768x2048xbf16, #tpu.memory_space<vmem>>, vector<128x512xbf16>
    %slice3A_1666 = vector.extract_strided_slice %convert_element_type3A_1461 {offsets = [0, 384], sizes = [32, 128], strides = [1, 1]} : vector<32x768xbf16> to vector<32x128xbf16>
    %dot_general3A_1667 = arith.constant dense<0.000000e+00> : vector<32x512xf32>
    %dot_general3A_1668 = tpu.matmul %slice3A_1666, %get3A_1665, %dot_general3A_1667 {dimension_numbers = #tpu.dot_dimension_numbers<[1], [0], [0], [1], [0, 0, 1, 1], [], []>, transpose_lhs_hint = false} : vector<32x128xbf16>, vector<128x512xbf16>, vector<32x512xf32> -> vector<32x512xf32>
    %add3A_1669 = arith.addf %add3A_1662, %dot_general3A_1668 : vector<32x512xf32>
    %slice3A_1670 = vector.extract_strided_slice %convert_element_type3A_1464 {offsets = [0, 384], sizes = [32, 128], strides = [1, 1]} : vector<32x768xbf16> to vector<32x128xbf16>
    %dot_general3A_1671 = arith.constant dense<0.000000e+00> : vector<32x512xf32>
    %dot_general3A_1672 = tpu.matmul %slice3A_1670, %get3A_1665, %dot_general3A_1671 {dimension_numbers = #tpu.dot_dimension_numbers<[1], [0], [0], [1], [0, 0, 1, 1], [], []>, transpose_lhs_hint = false} : vector<32x128xbf16>, vector<128x512xbf16>, vector<32x512xf32> -> vector<32x512xf32>
    %add3A_1673 = arith.addf %add3A_1669, %dot_general3A_1672 : vector<32x512xf32>
    %get3A_1674 = arith.constant 512 : index
    %get3A_1675 = arith.constant 1024 : index
    %get3A_1676 = vector.load %arg4[%get3A_1674, %get3A_1675] : memref<768x2048xbf16, #tpu.memory_space<vmem>>, vector<128x512xbf16>
    %slice3A_1677 = vector.extract_strided_slice %convert_element_type3A_1461 {offsets = [0, 512], sizes = [32, 128], strides = [1, 1]} : vector<32x768xbf16> to vector<32x128xbf16>
    %dot_general3A_1678 = arith.constant dense<0.000000e+00> : vector<32x512xf32>
    %dot_general3A_1679 = tpu.matmul %slice3A_1677, %get3A_1676, %dot_general3A_1678 {dimension_numbers = #tpu.dot_dimension_numbers<[1], [0], [0], [1], [0, 0, 1, 1], [], []>, transpose_lhs_hint = false} : vector<32x128xbf16>, vector<128x512xbf16>, vector<32x512xf32> -> vector<32x512xf32>
    %add3A_1680 = arith.addf %add3A_1673, %dot_general3A_1679 : vector<32x512xf32>
    %slice3A_1681 = vector.extract_strided_slice %convert_element_type3A_1464 {offsets = [0, 512], sizes = [32, 128], strides = [1, 1]} : vector<32x768xbf16> to vector<32x128xbf16>
    %dot_general3A_1682 = arith.constant dense<0.000000e+00> : vector<32x512xf32>
    %dot_general3A_1683 = tpu.matmul %slice3A_1681, %get3A_1676, %dot_general3A_1682 {dimension_numbers = #tpu.dot_dimension_numbers<[1], [0], [0], [1], [0, 0, 1, 1], [], []>, transpose_lhs_hint = false} : vector<32x128xbf16>, vector<128x512xbf16>, vector<32x512xf32> -> vector<32x512xf32>
    %add3A_1684 = arith.addf %add3A_1680, %dot_general3A_1683 : vector<32x512xf32>
    %get3A_1685 = arith.constant 640 : index
    %get3A_1686 = arith.constant 1024 : index
    %get3A_1687 = vector.load %arg4[%get3A_1685, %get3A_1686] : memref<768x2048xbf16, #tpu.memory_space<vmem>>, vector<128x512xbf16>
    %slice3A_1688 = vector.extract_strided_slice %convert_element_type3A_1461 {offsets = [0, 640], sizes = [32, 128], strides = [1, 1]} : vector<32x768xbf16> to vector<32x128xbf16>
    %dot_general3A_1689 = arith.constant dense<0.000000e+00> : vector<32x512xf32>
    %dot_general3A_1690 = tpu.matmul %slice3A_1688, %get3A_1687, %dot_general3A_1689 {dimension_numbers = #tpu.dot_dimension_numbers<[1], [0], [0], [1], [0, 0, 1, 1], [], []>, transpose_lhs_hint = false} : vector<32x128xbf16>, vector<128x512xbf16>, vector<32x512xf32> -> vector<32x512xf32>
    %add3A_1691 = arith.addf %add3A_1684, %dot_general3A_1690 : vector<32x512xf32>
    %slice3A_1692 = vector.extract_strided_slice %convert_element_type3A_1464 {offsets = [0, 640], sizes = [32, 128], strides = [1, 1]} : vector<32x768xbf16> to vector<32x128xbf16>
    %dot_general3A_1693 = arith.constant dense<0.000000e+00> : vector<32x512xf32>
    %dot_general3A_1694 = tpu.matmul %slice3A_1692, %get3A_1687, %dot_general3A_1693 {dimension_numbers = #tpu.dot_dimension_numbers<[1], [0], [0], [1], [0, 0, 1, 1], [], []>, transpose_lhs_hint = false} : vector<32x128xbf16>, vector<128x512xbf16>, vector<32x512xf32> -> vector<32x512xf32>
    %add3A_1695 = arith.addf %add3A_1691, %dot_general3A_1694 : vector<32x512xf32>
    %slice3A_1696 = vector.extract_strided_slice %add3A_1695 {offsets = [0, 0], sizes = [32, 256], strides = [1, 1]} : vector<32x512xf32> to vector<32x256xf32>
    %swap3A_1697 = arith.constant 4 : index
    %swap3A_1698 = arith.constant 0 : index
    %swap3A_1699 = arith.constant 0 : index
    %swap3A_1700 = vector.load %arg2[%swap3A_1697, %swap3A_1698, %swap3A_1699] : memref<8x32x256xf32, #tpu.memory_space<vmem>>, vector<1x32x256xf32>
    %swap3A_1701 = vector.shape_cast %swap3A_1700 : vector<1x32x256xf32> to vector<32x256xf32>
    %swap3A_1702 = vector.shape_cast %slice3A_1696 : vector<32x256xf32> to vector<1x32x256xf32>
    tpu.vector_store %arg2[%swap3A_1697, %swap3A_1698, %swap3A_1699], %swap3A_1702 {strides = array<i32>} : memref<8x32x256xf32, #tpu.memory_space<vmem>>, vector<1x32x256xf32>,
    %slice3A_1703 = vector.extract_strided_slice %add3A_1695 {offsets = [0, 256], sizes = [32, 256], strides = [1, 1]} : vector<32x512xf32> to vector<32x256xf32>
    %swap3A_1704 = arith.constant 5 : index
    %swap3A_1705 = arith.constant 0 : index
    %swap3A_1706 = arith.constant 0 : index
    %swap3A_1707 = vector.load %arg2[%swap3A_1704, %swap3A_1705, %swap3A_1706] : memref<8x32x256xf32, #tpu.memory_space<vmem>>, vector<1x32x256xf32>
    %swap3A_1708 = vector.shape_cast %swap3A_1707 : vector<1x32x256xf32> to vector<32x256xf32>
    %swap3A_1709 = vector.shape_cast %slice3A_1703 : vector<32x256xf32> to vector<1x32x256xf32>
    tpu.vector_store %arg2[%swap3A_1704, %swap3A_1705, %swap3A_1706], %swap3A_1709 {strides = array<i32>} : memref<8x32x256xf32, #tpu.memory_space<vmem>>, vector<1x32x256xf32>,
    %get3A_1710 = arith.constant 0 : index
    %get3A_1711 = arith.constant 1536 : index
    %get3A_1712 = vector.load %arg4[%get3A_1710, %get3A_1711] : memref<768x2048xbf16, #tpu.memory_space<vmem>>, vector<128x512xbf16>
    %slice3A_1713 = vector.extract_strided_slice %convert_element_type3A_1461 {offsets = [0, 0], sizes = [32, 128], strides = [1, 1]} : vector<32x768xbf16> to vector<32x128xbf16>
    %dot_general3A_1714 = arith.constant dense<0.000000e+00> : vector<32x512xf32>
    %dot_general3A_1715 = tpu.matmul %slice3A_1713, %get3A_1712, %dot_general3A_1714 {dimension_numbers = #tpu.dot_dimension_numbers<[1], [0], [0], [1], [0, 0, 1, 1], [], []>, transpose_lhs_hint = false} : vector<32x128xbf16>, vector<128x512xbf16>, vector<32x512xf32> -> vector<32x512xf32>
    %add3A_1716 = arith.addf %mul3A_1471, %dot_general3A_1715 : vector<32x512xf32>
    %slice3A_1717 = vector.extract_strided_slice %convert_element_type3A_1464 {offsets = [0, 0], sizes = [32, 128], strides = [1, 1]} : vector<32x768xbf16> to vector<32x128xbf16>
    %dot_general3A_1718 = arith.constant dense<0.000000e+00> : vector<32x512xf32>
    %dot_general3A_1719 = tpu.matmul %slice3A_1717, %get3A_1712, %dot_general3A_1718 {dimension_numbers = #tpu.dot_dimension_numbers<[1], [0], [0], [1], [0, 0, 1, 1], [], []>, transpose_lhs_hint = false} : vector<32x128xbf16>, vector<128x512xbf16>, vector<32x512xf32> -> vector<32x512xf32>
    %add3A_1720 = arith.addf %add3A_1716, %dot_general3A_1719 : vector<32x512xf32>
    %get3A_1721 = arith.constant 128 : index
    %get3A_1722 = arith.constant 1536 : index
    %get3A_1723 = vector.load %arg4[%get3A_1721, %get3A_1722] : memref<768x2048xbf16, #tpu.memory_space<vmem>>, vector<128x512xbf16>
    %slice3A_1724 = vector.extract_strided_slice %convert_element_type3A_1461 {offsets = [0, 128], sizes = [32, 128], strides = [1, 1]} : vector<32x768xbf16> to vector<32x128xbf16>
    %dot_general3A_1725 = arith.constant dense<0.000000e+00> : vector<32x512xf32>
    %dot_general3A_1726 = tpu.matmul %slice3A_1724, %get3A_1723, %dot_general3A_1725 {dimension_numbers = #tpu.dot_dimension_numbers<[1], [0], [0], [1], [0, 0, 1, 1], [], []>, transpose_lhs_hint = false} : vector<32x128xbf16>, vector<128x512xbf16>, vector<32x512xf32> -> vector<32x512xf32>
    %add3A_1727 = arith.addf %add3A_1720, %dot_general3A_1726 : vector<32x512xf32>
    %slice3A_1728 = vector.extract_strided_slice %convert_element_type3A_1464 {offsets = [0, 128], sizes = [32, 128], strides = [1, 1]} : vector<32x768xbf16> to vector<32x128xbf16>
    %dot_general3A_1729 = arith.constant dense<0.000000e+00> : vector<32x512xf32>
    %dot_general3A_1730 = tpu.matmul %slice3A_1728, %get3A_1723, %dot_general3A_1729 {dimension_numbers = #tpu.dot_dimension_numbers<[1], [0], [0], [1], [0, 0, 1, 1], [], []>, transpose_lhs_hint = false} : vector<32x128xbf16>, vector<128x512xbf16>, vector<32x512xf32> -> vector<32x512xf32>
    %add3A_1731 = arith.addf %add3A_1727, %dot_general3A_1730 : vector<32x512xf32>
    %get3A_1732 = arith.constant 256 : index
    %get3A_1733 = arith.constant 1536 : index
    %get3A_1734 = vector.load %arg4[%get3A_1732, %get3A_1733] : memref<768x2048xbf16, #tpu.memory_space<vmem>>, vector<128x512xbf16>
    %slice3A_1735 = vector.extract_strided_slice %convert_element_type3A_1461 {offsets = [0, 256], sizes = [32, 128], strides = [1, 1]} : vector<32x768xbf16> to vector<32x128xbf16>
    %dot_general3A_1736 = arith.constant dense<0.000000e+00> : vector<32x512xf32>
    %dot_general3A_1737 = tpu.matmul %slice3A_1735, %get3A_1734, %dot_general3A_1736 {dimension_numbers = #tpu.dot_dimension_numbers<[1], [0], [0], [1], [0, 0, 1, 1], [], []>, transpose_lhs_hint = false} : vector<32x128xbf16>, vector<128x512xbf16>, vector<32x512xf32> -> vector<32x512xf32>
    %add3A_1738 = arith.addf %add3A_1731, %dot_general3A_1737 : vector<32x512xf32>
    %slice3A_1739 = vector.extract_strided_slice %convert_element_type3A_1464 {offsets = [0, 256], sizes = [32, 128], strides = [1, 1]} : vector<32x768xbf16> to vector<32x128xbf16>
    %dot_general3A_1740 = arith.constant dense<0.000000e+00> : vector<32x512xf32>
    %dot_general3A_1741 = tpu.matmul %slice3A_1739, %get3A_1734, %dot_general3A_1740 {dimension_numbers = #tpu.dot_dimension_numbers<[1], [0], [0], [1], [0, 0, 1, 1], [], []>, transpose_lhs_hint = false} : vector<32x128xbf16>, vector<128x512xbf16>, vector<32x512xf32> -> vector<32x512xf32>
    %add3A_1742 = arith.addf %add3A_1738, %dot_general3A_1741 : vector<32x512xf32>
    %get3A_1743 = arith.constant 384 : index
    %get3A_1744 = arith.constant 1536 : index
    %get3A_1745 = vector.load %arg4[%get3A_1743, %get3A_1744] : memref<768x2048xbf16, #tpu.memory_space<vmem>>, vector<128x512xbf16>
    %slice3A_1746 = vector.extract_strided_slice %convert_element_type3A_1461 {offsets = [0, 384], sizes = [32, 128], strides = [1, 1]} : vector<32x768xbf16> to vector<32x128xbf16>
    %dot_general3A_1747 = arith.constant dense<0.000000e+00> : vector<32x512xf32>
    %dot_general3A_1748 = tpu.matmul %slice3A_1746, %get3A_1745, %dot_general3A_1747 {dimension_numbers = #tpu.dot_dimension_numbers<[1], [0], [0], [1], [0, 0, 1, 1], [], []>, transpose_lhs_hint = false} : vector<32x128xbf16>, vector<128x512xbf16>, vector<32x512xf32> -> vector<32x512xf32>
    %add3A_1749 = arith.addf %add3A_1742, %dot_general3A_1748 : vector<32x512xf32>
    %slice3A_1750 = vector.extract_strided_slice %convert_element_type3A_1464 {offsets = [0, 384], sizes = [32, 128], strides = [1, 1]} : vector<32x768xbf16> to vector<32x128xbf16>
    %dot_general3A_1751 = arith.constant dense<0.000000e+00> : vector<32x512xf32>
    %dot_general3A_1752 = tpu.matmul %slice3A_1750, %get3A_1745, %dot_general3A_1751 {dimension_numbers = #tpu.dot_dimension_numbers<[1], [0], [0], [1], [0, 0, 1, 1], [], []>, transpose_lhs_hint = false} : vector<32x128xbf16>, vector<128x512xbf16>, vector<32x512xf32> -> vector<32x512xf32>
    %add3A_1753 = arith.addf %add3A_1749, %dot_general3A_1752 : vector<32x512xf32>
    %get3A_1754 = arith.constant 512 : index
    %get3A_1755 = arith.constant 1536 : index
    %get3A_1756 = vector.load %arg4[%get3A_1754, %get3A_1755] : memref<768x2048xbf16, #tpu.memory_space<vmem>>, vector<128x512xbf16>
    %slice3A_1757 = vector.extract_strided_slice %convert_element_type3A_1461 {offsets = [0, 512], sizes = [32, 128], strides = [1, 1]} : vector<32x768xbf16> to vector<32x128xbf16>
    %dot_general3A_1758 = arith.constant dense<0.000000e+00> : vector<32x512xf32>
    %dot_general3A_1759 = tpu.matmul %slice3A_1757, %get3A_1756, %dot_general3A_1758 {dimension_numbers = #tpu.dot_dimension_numbers<[1], [0], [0], [1], [0, 0, 1, 1], [], []>, transpose_lhs_hint = false} : vector<32x128xbf16>, vector<128x512xbf16>, vector<32x512xf32> -> vector<32x512xf32>
    %add3A_1760 = arith.addf %add3A_1753, %dot_general3A_1759 : vector<32x512xf32>
    %slice3A_1761 = vector.extract_strided_slice %convert_element_type3A_1464 {offsets = [0, 512], sizes = [32, 128], strides = [1, 1]} : vector<32x768xbf16> to vector<32x128xbf16>
    %dot_general3A_1762 = arith.constant dense<0.000000e+00> : vector<32x512xf32>
    %dot_general3A_1763 = tpu.matmul %slice3A_1761, %get3A_1756, %dot_general3A_1762 {dimension_numbers = #tpu.dot_dimension_numbers<[1], [0], [0], [1], [0, 0, 1, 1], [], []>, transpose_lhs_hint = false} : vector<32x128xbf16>, vector<128x512xbf16>, vector<32x512xf32> -> vector<32x512xf32>
    %add3A_1764 = arith.addf %add3A_1760, %dot_general3A_1763 : vector<32x512xf32>
    %get3A_1765 = arith.constant 640 : index
    %get3A_1766 = arith.constant 1536 : index
    %get3A_1767 = vector.load %arg4[%get3A_1765, %get3A_1766] : memref<768x2048xbf16, #tpu.memory_space<vmem>>, vector<128x512xbf16>
    %slice3A_1768 = vector.extract_strided_slice %convert_element_type3A_1461 {offsets = [0, 640], sizes = [32, 128], strides = [1, 1]} : vector<32x768xbf16> to vector<32x128xbf16>
    %dot_general3A_1769 = arith.constant dense<0.000000e+00> : vector<32x512xf32>
    %dot_general3A_1770 = tpu.matmul %slice3A_1768, %get3A_1767, %dot_general3A_1769 {dimension_numbers = #tpu.dot_dimension_numbers<[1], [0], [0], [1], [0, 0, 1, 1], [], []>, transpose_lhs_hint = false} : vector<32x128xbf16>, vector<128x512xbf16>, vector<32x512xf32> -> vector<32x512xf32>
    %add3A_1771 = arith.addf %add3A_1764, %dot_general3A_1770 : vector<32x512xf32>
    %slice3A_1772 = vector.extract_strided_slice %convert_element_type3A_1464 {offsets = [0, 640], sizes = [32, 128], strides = [1, 1]} : vector<32x768xbf16> to vector<32x128xbf16>
    %dot_general3A_1773 = arith.constant dense<0.000000e+00> : vector<32x512xf32>
    %dot_general3A_1774 = tpu.matmul %slice3A_1772, %get3A_1767, %dot_general3A_1773 {dimension_numbers = #tpu.dot_dimension_numbers<[1], [0], [0], [1], [0, 0, 1, 1], [], []>, transpose_lhs_hint = false} : vector<32x128xbf16>, vector<128x512xbf16>, vector<32x512xf32> -> vector<32x512xf32>
    %add3A_1775 = arith.addf %add3A_1771, %dot_general3A_1774 : vector<32x512xf32>
    %slice3A_1776 = vector.extract_strided_slice %add3A_1775 {offsets = [0, 0], sizes = [32, 256], strides = [1, 1]} : vector<32x512xf32> to vector<32x256xf32>
    %swap3A_1777 = arith.constant 6 : index
    %swap3A_1778 = arith.constant 0 : index
    %swap3A_1779 = arith.constant 0 : index
    %swap3A_1780 = vector.load %arg2[%swap3A_1777, %swap3A_1778, %swap3A_1779] : memref<8x32x256xf32, #tpu.memory_space<vmem>>, vector<1x32x256xf32>
    %swap3A_1781 = vector.shape_cast %swap3A_1780 : vector<1x32x256xf32> to vector<32x256xf32>
    %swap3A_1782 = vector.shape_cast %slice3A_1776 : vector<32x256xf32> to vector<1x32x256xf32>
    tpu.vector_store %arg2[%swap3A_1777, %swap3A_1778, %swap3A_1779], %swap3A_1782 {strides = array<i32>} : memref<8x32x256xf32, #tpu.memory_space<vmem>>, vector<1x32x256xf32>,
    %slice3A_1783 = vector.extract_strided_slice %add3A_1775 {offsets = [0, 256], sizes = [32, 256], strides = [1, 1]} : vector<32x512xf32> to vector<32x256xf32>
    %swap3A_1784 = arith.constant 7 : index
    %swap3A_1785 = arith.constant 0 : index
    %swap3A_1786 = arith.constant 0 : index
    %swap3A_1787 = vector.load %arg2[%swap3A_1784, %swap3A_1785, %swap3A_1786] : memref<8x32x256xf32, #tpu.memory_space<vmem>>, vector<1x32x256xf32>
    %swap3A_1788 = vector.shape_cast %swap3A_1787 : vector<1x32x256xf32> to vector<32x256xf32>
    %swap3A_1789 = vector.shape_cast %slice3A_1783 : vector<32x256xf32> to vector<1x32x256xf32>
    tpu.vector_store %arg2[%swap3A_1784, %swap3A_1785, %swap3A_1786], %swap3A_1789 {strides = array<i32>} : memref<8x32x256xf32, #tpu.memory_space<vmem>>, vector<1x32x256xf32>,
    return
  }
}

</mosaic_0001>

<sc_bundles>
// kernel: kernel.4.cloned.1.call-start
scs
__scs_entry_jumppad:
0x0: {  	(pc) =	sbr.rel $0x88, $3  }
0x1: {  	(tag) =	ssettag $0x0;
	lr =	simm.s32 $0x1  }
0x2: {  	[smem:$0x3F9E] =	sst lr;
	_ =	strace $0xD0000000  }
0x3: {  	_ = 	snop  }
0x4: {  	_ = 	snop  }
0x5: {  	_ = 	snop  }
0x6: {  	_ = 	snop  }
0x7: {  	_ = 	snop  }
__scs_overlays_trampoline_lowered:
0x8: {  	[smem:$0x3FAD] =	sst s0  }
0x9: {  	[smem:$0x3FAE] =	sst s1  }
0xa: {  	[smem:$0x3FAF] =	sst s2  }
0xb: {  	[smem:$0x3FB0] =	sst s3  }
0xc: {  	[smem:$0x3FB1] =	sst s4  }
0xd: {  	[smem:$0x3FB2] =	sst s5  }
0xe: {  	[smem:$0x3FB3] =	sst s6  }
0xf: {  	[smem:$0x3FB4] =	sst s7  }
0x10: {  	[smem:$0x3FB5] =	sst s8  }
0x11: {  	[smem:$0x3FB6] =	sst s9;
	s0 =	simm.s32 @!p0 $0x0  }
0x12: {  	s1 =	sld [smem:$0x3F9C];
	s0 =	simm.s32 @p0 $0x1  }
0x13: {  	[smem:$0x3FB7] =	sst s0;
	s0 =	simm.s32 @!p1 $0x0  }
0x14: {  	s2 =	sld [smem:$0x3F9B];
	s0 =	simm.s32 @p1 $0x1  }
0x15: {  	[smem:$0x3FB8] =	sst s0;
	s0 =	simm.s32 @!p2 $0x0  }
0x16: {  	s3 =	sld [smem:$0x3FDB];
	s0 =	simm.s32 @p2 $0x1  }
0x17: {  	s4 =	simm.s32 $0x1BF5;
	[smem:$0x3FBA] =	sst s0  }
0x18: {  	s0 =	sld [smem:$0x3F9D];
	_ =	swait.ge [sflag:s4], $0x0  }
0x19: {  	s7 =	sld [smem:$0x3F9E]  }
0x1a: {  	s8 =	sadd.s32 $0xFFFFE003, lr  }
0x1b: {  	s9 =	sadd.s32 $0xFFFFFEF7, lr;
	s5 =	simm.s32 $0xFFFFFFFF;
	p2 =	slt.u32 s8, $0xFFFFF086  }
0x1c: {  	p1 =	slt.u32 s9, $0xF7A;
	s5 =	simm.s32 @!p2 $0x0  }
0x1d: {  	s5 =	simm.s32 @p1 $0x1;
	p0 =	seq.s32 s7, s2  }
0x1e: {  	s7 =	smul.u32 @!p0 $0xF7A, s2;
	p2 =	seq.s32 @!p0 s5, $0x0  }
0x1f: {  	s9 =	smul.u32 $0xF7A, s1;
	s8 =	simm.s32 @!p0 $0x1BF5;
	p2 =	por !p2, p0  }
0x20: {  	[sflag:s8] =	ssyncset.s32 @!p0 $0xFFFFF086;
	s6 =	sadd.s32 @!p0 s3, s7;
	s7 =	simm.s32 @!p0 $0x108  }
0x21: {  	s3 =	sadd.s32 s3, s9;
	s6 =	sadd.s32 @!p0 $0x88, s6;
	s7 =	simm.s32 @p2 $0x1082  }
0x22: {  	[simem:s7], [sflag:s8] =	dma.local @!p0 [hbm:s6], $0xF7A  }
0x23: {  	s9 =	sor.u32 $0xD0000000, s2;
	s6 =	simm.s32 $0x108;
	_ =	swait.ge @!p0 [sflag:s8], $0x0  }
0x24: {  	s3 =	sadd.s32 $0x88, s3;
	s6 =	simm.s32 @!p1 $0x1082;
	[sflag:s4] =	ssyncset.s32 $0xFFFFF086  }
0x25: {  	[simem:s6], [sflag:s4] =	dma.local [hbm:s3], $0xF7A  }
0x26: {  	[smem:$0x3F9E] =	sst s1;
	(tag) =	ssettag s2;
	_ =	strace s9  }
0x27: {  	s1 =	sld [smem:$0x3FAE]  }
0x28: {  	s2 =	sld [smem:$0x3FAF]  }
0x29: {  	s4 =	sld [smem:$0x3FB1]  }
0x2a: {  	p0 =	seq.s32 s5, $0x0;
	s5 =	sld [smem:$0x3FB2]  }
0x2b: {  	s6 =	sld [smem:$0x3FB3]  }
0x2c: {  	s7 =	sld [smem:$0x3FB4]  }
0x2d: {  	s3 =	simm.s32 $0x108;
	s8 =	sld [smem:$0x3FB5]  }
0x2e: {  	s3 =	simm.s32 @!p0 $0x1082;
	s9 =	sld [smem:$0x3FB6]  }
0x2f: {  	lr =	sadd.s32 s0, s3;
	s0 =	sld [smem:$0x3FAD]  }
0x30: {  	s3 =	sld [smem:$0x3FB0]  }
0x31: {  	[smem:$0x3FB9] =	sst s10  }
0x32: {  	s10 =	sld [smem:$0x3FB7];
	_ =	sdelay $0x3  }
0x33: {  	p0 =	seq.s32 s10, $0x1;
	s10 =	sld [smem:$0x3FB9];
	_ =	sdelay $0x3  }
0x34: {  	[smem:$0x3FB9] =	sst s10  }
0x35: {  	s10 =	sld [smem:$0x3FB8];
	_ =	sdelay $0x3  }
0x36: {  	p1 =	seq.s32 s10, $0x1;
	s10 =	sld [smem:$0x3FB9];
	_ =	sdelay $0x3  }
0x37: {  	[smem:$0x3FB9] =	sst s10  }
0x38: {  	s10 =	sld [smem:$0x3FBA]  }
0x39: {  	_ = 	snop;
	(pc) =	sbr.ind lr, $3  }
0x3a: {  	_ = 	snop  }
0x3b: {  	_ = 	snop  }
0x3c: {  	p2 =	seq.s32 s10, $0x1;
	s10 =	sld [smem:$0x3FB9]  }
0x3d: {  	_ =	shalt  }
0x3e: {  	_ =	shalt  }
0x3f: {  	_ =	shalt  }
0x40: {  	_ =	shalt  }
0x41: {  	_ =	shalt  }
0x42: {  	_ =	shalt  }
0x43: {  	_ =	shalt  }
0x44: {  	_ =	shalt  }
0x45: {  	_ =	shalt  }
0x46: {  	_ =	shalt  }
0x47: {  	_ =	shalt  }
0x48: {  	_ =	shalt  }
0x49: {  	_ =	shalt  }
0x4a: {  	_ =	shalt  }
0x4b: {  	_ =	shalt  }
0x4c: {  	_ =	shalt  }
0x4d: {  	_ =	shalt  }
0x4e: {  	_ =	shalt  }
0x4f: {  	_ =	shalt  }
0x50: {  	_ =	shalt  }
0x51: {  	_ =	shalt  }
0x52: {  	_ =	shalt  }
0x53: {  	_ =	shalt  }
0x54: {  	_ =	shalt  }
0x55: {  	_ =	shalt  }
0x56: {  	_ =	shalt  }
0x57: {  	_ =	shalt  }
0x58: {  	_ =	shalt  }
0x59: {  	_ =	shalt  }
0x5a: {  	_ =	shalt  }
0x5b: {  	_ =	shalt  }
0x5c: {  	_ =	shalt  }
0x5d: {  	_ =	shalt  }
0x5e: {  	_ =	shalt  }
0x5f: {  	_ =	shalt  }
0x60: {  	_ =	shalt  }
0x61: {  	_ =	shalt  }
0x62: {  	_ =	shalt  }
0x63: {  	_ =	shalt  }
0x64: {  	_ =	shalt  }
0x65: {  	_ =	shalt  }
0x66: {  	_ =	shalt  }
0x67: {  	_ =	shalt  }
0x68: {  	_ =	shalt  }
0x69: {  	_ =	shalt  }
0x6a: {  	_ =	shalt  }
0x6b: {  	_ =	shalt  }
0x6c: {  	_ =	shalt  }
0x6d: {  	_ =	shalt  }
0x6e: {  	_ =	shalt  }
0x6f: {  	_ =	shalt  }
0x70: {  	_ =	shalt  }
0x71: {  	_ =	shalt  }
0x72: {  	_ =	shalt  }
0x73: {  	_ =	shalt  }
0x74: {  	_ =	shalt  }
0x75: {  	_ =	shalt  }
0x76: {  	_ =	shalt  }
0x77: {  	_ =	shalt  }
0x78: {  	_ =	shalt  }
0x79: {  	_ =	shalt  }
0x7a: {  	_ =	shalt  }
0x7b: {  	_ =	shalt  }
0x7c: {  	_ =	shalt  }
0x7d: {  	_ =	shalt  }
0x7e: {  	_ =	shalt  }
0x7f: {  	_ =	shalt  }
0x80: {  	_ =	shalt  }
0x81: {  	_ =	shalt  }
0x82: {  	_ =	shalt  }
0x83: {  	_ =	shalt  }
0x84: {  	_ =	shalt  }
0x85: {  	_ =	shalt  }
0x86: {  	_ =	shalt  }
0x87: {  	_ =	shalt  }
.Lfunc_end0:
.L_simem_size_0:
called_computation_lowered:
.L_overlay_start_0:
0x88: {  	s2 =	sld [smem:$0x3FD9]  }
0x89: {  	s3 =	sld [smem:$0x3FFE];
	_ =	sdelay $0x1  }
0x8a: {  	s1 =	srdreg.scid  }
0x8b: {  	s0 =	sand.u32 $0x1, s1  }
0x8c: {  	s17 =	sshll.u32 s0, $0xA;
	s2 =	sadd.s32 s3, s2  }
0x8d: {  	s2 =	sadd.s32 s2, s17  }
0x8e: {  	[smem:$0x3FC5] =	sst s2  }
0x8f: {  	_ = 	snop  }
0x90: {  	s2 =	sld [smem:$0x3FD0];
	(tm) =	ssettm $0x1  }
0x91: {  	s18 =	sld [smem:$0x3FFB];
	_ =	sdelay $0x3  }
0x92: {  	_ =	strace s18  }
0x93: {  	s3 =	sld [smem:$0x3FFC];
	_ =	sdelay $0x3  }
0x94: {  	_ =	strace s3  }
0x95: {  	s3 =	sld [smem:$0x3FFD];
	_ =	sdelay $0x3  }
0x96: {  	_ =	strace s3  }
0x97: {  	_ =	strace $0x8FFFFFFF  }
0x98: {  	s19 =	sld [smem:$0x3FDB];
	_ =	sdelay $0x1  }
0x99: {  	s4 =	simm.s32 $_scs_section_size  }
0x9a: {  	s5 =	simm.s32 $_size__tile_overlayer_lowered;
	s6 =	simm.s32 $_tile_overlayer_lowered  }
0x9b: {  	s22 =	simm.s32 $0x1BFF;
	s21 =	sshll.u32 s6, $0x1;
	s3 =	sadd.s32 s4, s19  }
0x9c: {  	s7 =	simm.s32 $0x0;
	s20 =	sshll.u32 s5, $0x1;
	s5 =	sadd.s32 s21, s3  }
0x9d: {  	[timem:s7], [sflag:s22] =	dma.local [hbm:s5], s20  }
0x9e: {  	_ =	swait.ge [sflag:s22], s20  }
0x9f: {  	s4 =	ssub.s32 $0x0, s20;
	[sflag:s22] =	ssyncset.done $0x0  }
0xa0: {  	[sflag:s22] =	ssyncadd.s32 s4;
	_ =	sdelay $0x1  }
0xa1: {  	s23 =	simm.s32 $0x1B8B  }
0xa2: {  	_ =	swait.ge [sflag:s23], $0x1  }
0xa3: {  	[sflag:s23] =	ssyncset.done $0x0  }
0xa4: {  	s25 =	simm.s32 $0x1B8E;
	s24 =	sld [smem:$0x3FFE];
	[sflag:s23] =	ssyncadd.s32 $0xFFFFFFFF  }
0xa5: {  	s26 =	simm.s32 $execute0_lowered;
	[smem:$0x3FD2] =	sst s25  }
0xa6: {  	s5 =	sshll.u32 s26, $0x1;
	_ =	strace $0x80000046;
	[dreg:$0x1] =	wrdreg $0xFFFFFFFF  }
0xa7: {  	s28 =	simm.s32 $_size_execute0_lowered;
	s3 =	sadd.s32 s3, s5;
	[dreg:$0x0] =	wrdreg $0x0  }
0xa8: {  	s5 =	sshll.u32 s28, $0x1;
	[dreg:$0x2] =	wrdreg s3  }
0xa9: {  	[dreg:$0x3] =	wrdreg s5  }
0xaa: {  	[dreg:$0x4] =	wrdreg $0xC0  }
0xab: {  	_ =	task [dreg:s7], $0x5FFFF  }
0xac: {  	[dreg:$0x1] =	wrdreg $0xFFFFFFFF  }
0xad: {  	[dreg:$0x0] =	wrdreg $0x60  }
0xae: {  	[dreg:$0x2] =	wrdreg s2  }
0xaf: {  	[dreg:$0x3] =	wrdreg s24  }
0xb0: {  	[dreg:$0x4] =	wrdreg $0x9  }
0xb1: {  	_ =	task.clear_ibuf [dreg:s7], $0x5FFFF;
	_ =	strace $0x90000046  }
0xb2: {  	s29 =	simm.s32 $0x9;
	_ =	strace $0x80000048  }
0xb3: {  	_ =	swait.ge [sflag:s29], $0x1  }
0xb4: {  	[sflag:s29] =	ssyncadd.s32 $0xFFFFFFFF  }
0xb5: {  	_ =	strace $0x90000048  }
0xb6: {  	_ =	sfence  }
0xb7: {  	s30 =	sld [smem:$0x0];
	_ =	sdelay $0x2  }
0xb8: {  	s31 =	sshll.u32 s1, $0xD;
	s1 =	sshrl.u32 s1, $0x2  }
0xb9: {  	s3 =	sand.u32 $0x4000, s31;
	s1 =	sadd.s32 s1, s30  }
0xba: {  	s0 =	sor.u32 s3, s0;
	s1 =	sshll.u32 s1, $0x11  }
0xbb: {  	s0 =	sor.u32 s1, s0  }
0xbc: {  	s0 =	sadd.s32 $0x8F2B, s0  }
0xbd: {  	[sflag:s0] =	ssyncadd.remote.s32 $0x1  }
0xbe: {  	_ =	sfence.sel $0xFFFF  }
0xbf: {  	[dreg:$0x0] =	wrdreg $0xFFFFFFFF;
	(pc) =	sbr.abs _section_cstart, $3  }
0xc0: {  	[dreg:$0x1] =	wrdreg $0xFFFFFFFF  }
0xc1: {  	_ =	task.clear_ibuf [dreg:s7], $0x2FFFF;
	_ =	strace $0x9FFFFFFF  }
0xc2: {  	(tm) =	ssettm $0x7FFFFFFF  }
0xc3: {  	_ =	shalt  }
tec
execute0_lowered:
.L_overlay_start_1:
0x0: {  	(tag) =	ssettag $0x1  }
0x1: {  	v0 =	vlaneseq.u32  }
0x2: {  	v1 =	vmul.u32 $0x36, v0  }
0x3: {  	v2 =	vimm.f32 $0.0e+00;
	vm0 =	vmmov $0x1;
	v4 =	vmul.u32 $0x24, v0  }
0x4: {  	v3 =	vor.u32 $0x1, v1;
	v0 =	vadd.s32 $0x2, v1;
	v21 =	vadd.s32 $0xD, v1  }
0x5: {  	v22 =	vadd.s32 $0xE, v1;
	v23 =	vadd.s32 $0x10, v1;
	v24 =	vadd.s32 $0x11, v1  }
0x6: {  	v25 =	vadd.s32 $0x8, v4;
	v26 =	vadd.s32 $0x9, v4;
	v27 =	vadd.s32 $0xA, v4;
	[tilespmem:$0x1FEF0] =	vst v3  }
0x7: {  	v28 =	vadd.s32 $0xB, v4;
	v29 =	vadd.s32 $0x12, v1;
	[tilespmem:$0x1FF00] =	vst v0;
	v0 =	vadd.s32 $0x4, v1  }
0x8: {  	v30 =	vadd.s32 $0x13, v1;
	v31 =	vadd.s32 $0x14, v1;
	[tilespmem:$0x1FF10] =	vst v0;
	v0 =	vadd.s32 $0x5, v1  }
0x9: {  	v32 =	vadd.s32 $0x16, v1;
	v33 =	vadd.s32 $0x17, v1;
	[tilespmem:$0x1FF20] =	vst v0;
	v0 =	vor.u32 $0x1, v4  }
0xa: {  	v34 =	vadd.s32 $0xC, v4;
	v35 =	vadd.s32 $0xD, v4;
	[tilespmem:$0x1FF30] =	vst v0;
	v0 =	vor.u32 $0x2, v4  }
0xb: {  	s3 =	rddreg [dreg:$0x0];
	v36 =	vadd.s32 $0xE, v4;
	v37 =	vadd.s32 $0xF, v4;
	[tilespmem:$0x1FF40] =	vst v0;
	v0 =	vor.u32 $0x3, v4  }
0xc: {  	s4 =	rddreg [dreg:$0x1];
	v38 =	vadd.s32 $0x18, v1;
	v39 =	vadd.s32 $0x19, v1;
	[tilespmem:$0x1FF50] =	vst v0;
	v0 =	vadd.s32 $0x6, v1  }
0xd: {  	s0 =	rddreg [dreg:$0x2];
	s5 =	srdreg.scid;
	v41 =	vadd.s32 $0x1C, v1;
	v42 =	vadd.s32 $0x1D, v1;
	[tilespmem:$0x1FF60] =	vst v0;
	v0 =	vadd.s32 $0x7, v1  }
0xe: {  	s1 =	stileid.u32;
	s2 =	simm.s32 $0x0;
	s10 =	simm.s32 $0x80;
	v43 =	vadd.s32 $0x10, v4;
	v44 =	vadd.s32 $0x11, v4;
	[tilespmem:$0x1FF70] =	vst v0;
	v0 =	vadd.s32 $0x8, v1  }
0xf: {  	s5 =	sand.u32 $0x1, s5;
	s6 =	sshll.u32 s1, $0x1;
	s7 =	sshrl.u32 s1, $0x2;
	v45 =	vadd.s32 $0x12, v4;
	v46 =	vadd.s32 $0x13, v4;
	[tilespmem:$0x1FF80] =	vst v0;
	v0 =	vadd.s32 $0xA, v1  }
0x10: {  	s11 =	simm.s32 $0x400;
	s6 =	sor.u32 s5, s6;
	s7 =	smul.u32 $0x1800, s7;
	v47 =	vadd.s32 $0x1E, v1;
	v48 =	vadd.s32 $0x1F, v1;
	[tilespmem:$0x1FF90] =	vst v0;
	v0 =	vadd.s32 $0xB, v1  }
0x11: {  	s12 =	simm.s32 $0x2;
	s8 =	sshll.u32 s6, $0x7;
	s9 =	smul.u32 $0x48, s6;
	v49 =	vadd.s32 $0x20, v1;
	v50 =	vadd.s32 $0x22, v1;
	[tilespmem:$0x1FFA0] =	vst v0;
	v0 =	vadd.s32 $0x4, v4  }
0x12: {  	s5 =	ssub.s32 $0x2, s5;
	s6 =	smul.u32 $0x6C, s6;
	v51 =	vadd.s32 $0x23, v1;
	v52 =	vadd.s32 $0x14, v4;
	s8 =	sand.u32 $0x380, s8;
	[tilespmem:$0x1FFB0] =	vst v0;
	v0 =	vadd.s32 $0x5, v4  }
0x13: {  	[smem:$0x7FF] =	sst s2;
	s31 =	sshrl.u32 s5, $0x1;
	v53 =	vadd.s32 $0x15, v4;
	v54 =	vadd.s32 $0x16, v4;
	s7 =	sor.u32 s7, s8;
	[tilespmem:$0x1FFC0] =	vst v0;
	v0 =	vadd.s32 $0x6, v4  }
0x14: {  	v55 =	vadd.s32 $0x17, v4;
	v56 =	vadd.s32 $0x24, v1;
	s30 =	sadd.s32 s9, s4;
	s9 =	ssub.s32 s5, s31;
	s3 =	sadd.s32 s3, s6;
	[tilespmem:$0x1FFD0] =	vst v0;
	v0 =	vadd.s32 $0x7, v4  }
0x15: {  	v57 =	vadd.s32 $0x25, v1;
	v58 =	vadd.s32 $0x26, v1;
	s8 =	simm.s32 $0x1;
	s7 =	sshrl.u32 s7, $0x3;
	s6 =	smax.u32 s9, $0x1;
	[tilespmem:$0x1FFE0] =	vst v0;
	v0 =	vadd.s32 $0xC, v1  }
0x16: {  	v59 =	vadd.s32 $0x28, v1;
	v60 =	vadd.s32 $0x29, v1;
	v61 =	vadd.s32 $0x18, v4;
	s9 =	simm.s32 $0x600;
	s7 =	sadd.s32 s7, s4;
	s4 =	sadd.s32 $0xA00, s30;
	[tilespmem:$0x1FFF0] =	vst v0  }
0x17: {  	v40 =	vadd.s32 $0x1A, v1;
	v62 =	vadd.s32 $0x19, v4;
	v63 =	vadd.s32 $0x1A, v4;
	s5 =	sadd.s32 $0x1400, s7;
	s7 =	simm.s32 $0x380;
	_ =	strace $0x80000047  }
.LBB2_1:
0x18: {  	[tilespmem:s2], [sflag:$0x1] =	stream.linear.gather [hbm4b:s3+s2], $0x360, $0x38;
	[tilespmem:$0x900] =	vst v63  }
0x19: {  	_ = 	snop  }
0x1a: {  	[tilespmem:s7], [sflag:$0x1] =	stream.linear.gather [hbm4b:s4+s2], $0x240, $0x38;
	[tilespmem:$0x900] =	vst v63  }
0x1b: {  	[tilespmem:$0x600] =	vst v2  }
0x1c: {  	[tilespmem:$0x610] =	vst v2  }
0x1d: {  	[tilespmem:$0x620] =	vst v2  }
0x1e: {  	[tilespmem:$0x630] =	vst v2  }
0x1f: {  	[tilespmem:$0x640] =	vst v2  }
0x20: {  	[tilespmem:$0x650] =	vst v2  }
0x21: {  	[tilespmem:$0x660] =	vst v2  }
0x22: {  	[tilespmem:$0x670] =	vst v2  }
0x23: {  	[tilespmem:$0x680] =	vst v2  }
0x24: {  	[tilespmem:$0x690] =	vst v2  }
0x25: {  	[tilespmem:$0x6A0] =	vst v2  }
0x26: {  	[tilespmem:$0x6B0] =	vst v2  }
0x27: {  	[tilespmem:$0x6C0] =	vst v2  }
0x28: {  	[tilespmem:$0x6D0] =	vst v2  }
0x29: {  	[tilespmem:$0x6E0] =	vst v2  }
0x2a: {  	[tilespmem:$0x6F0] =	vst v2  }
0x2b: {  	[tilespmem:$0x700] =	vst v2  }
0x2c: {  	[tilespmem:$0x710] =	vst v2  }
0x2d: {  	[tilespmem:$0x720] =	vst v2  }
0x2e: {  	[tilespmem:$0x730] =	vst v2  }
0x2f: {  	[tilespmem:$0x740] =	vst v2  }
0x30: {  	[tilespmem:$0x750] =	vst v2  }
0x31: {  	[tilespmem:$0x760] =	vst v2  }
0x32: {  	[tilespmem:$0x770] =	vst v2  }
0x33: {  	[tilespmem:$0x780] =	vst v2  }
0x34: {  	[tilespmem:$0x790] =	vst v2  }
0x35: {  	[tilespmem:$0x7A0] =	vst v2  }
0x36: {  	[tilespmem:$0x7B0] =	vst v2  }
0x37: {  	[tilespmem:$0x7C0] =	vst v2  }
0x38: {  	[tilespmem:$0x7D0] =	vst v2  }
0x39: {  	[tilespmem:$0x7E0] =	vst v2  }
0x3a: {  	[tilespmem:$0x7F0] =	vst v2  }
0x3b: {  	[tilespmem:$0x800] =	vst v2  }
0x3c: {  	[tilespmem:$0x810] =	vst v2  }
0x3d: {  	[tilespmem:$0x820] =	vst v2  }
0x3e: {  	[tilespmem:$0x830] =	vst v2  }
0x3f: {  	[tilespmem:$0x840] =	vst v2  }
0x40: {  	[tilespmem:$0x850] =	vst v2  }
0x41: {  	[tilespmem:$0x860] =	vst v2  }
0x42: {  	[tilespmem:$0x870] =	vst v2  }
0x43: {  	[tilespmem:$0x880] =	vst v2  }
0x44: {  	[tilespmem:$0x890] =	vst v2  }
0x45: {  	[tilespmem:$0x8A0] =	vst v2  }
0x46: {  	[tilespmem:$0x8B0] =	vst v2  }
0x47: {  	[tilespmem:$0x8C0] =	vst v2  }
0x48: {  	[tilespmem:$0x8D0] =	vst v2  }
0x49: {  	[tilespmem:$0x8E0] =	vst v2  }
0x4a: {  	[tilespmem:$0x8F0] =	vst v2  }
0x4b: {  	_ =	swait.ge [sflag:s8], $0x360  }
0x4c: {  	[sflag:s8] =	ssyncset.done $0x0  }
0x4d: {  	[sflag:s8] =	ssyncadd.s32 $0xFFFFFCA0  }
0x4e: {  	_ =	swait.ge [sflag:s8], $0x240  }
0x4f: {  	v0 =	vld [tilespmem:$0x1FEF0]  }
0x50: {  	v3 =	vld [tilespmem:$0x1FF10]  }
0x51: {  	v5 =	vld [tilespmem:$0x1FF00]  }
0x52: {  	v6 =	vld [tilespmem:$0x1FF20];
	_ =	sdelay $0x2  }
0x53: {  	[sflag:s8] =	ssyncset.done $0x0  }
0x54: {  	v9 =	vld [tilespmem:$0x1FF30];
	[sflag:s8] =	ssyncadd.s32 $0xFFFFFDC0  }
0x55: {  	v0 =	vld.idx.msk [tilespmem:v0+s2+$0x0], $0xffff  }
0x56: {  	v3 =	vld.idx.msk [tilespmem:v3+s2+$0x0], $0xffff  }
0x57: {  	v5 =	vld.idx.msk [tilespmem:v5+s2+$0x0], $0xffff  }
0x58: {  	v6 =	vld.idx.msk [tilespmem:v6+s2+$0x0], $0xffff;
	_ =	sdelay $0x2  }
0x59: {  	v19 =	vld [tilespmem:$0x1FF40];
	v0 =	vmul.u32 $0x3, v0;
	v3 =	vmul.u32 $0x3, v3;
	_ =	sdelay $0x1  }
0x5a: {  	v12 =	vld [tilespmem:$0x1FF50];
	v5 =	vadd.s32 v5, v0;
	v3 =	vadd.s32 v6, v3  }
0x5b: {  	vm1 =	vlt.s32 v5, v3  }
0x5c: {  	v7 =	vld.idx.msk [tilespmem:v1+s2+$0x0], $0xffff;
	v6 =	vsel vm1, v5, v3  }
0x5d: {  	v9 =	vld.idx.msk [tilespmem:v9+s7+$0x0], $0xffff;
	v10 =	vsub.s32 v3, v5;
	v8 =	vadd.s32 $0xFFFFFFFF, v6  }
0x5e: {  	v0 =	vld.idx.msk [tilespmem:v4+s7+$0x0], $0xffff;
	v11 =	vsub.s32 v5, v3;
	vm1 =	vgt.s32 v5, v3;
	v8 =	vmul.u32 v6, v8  }
0x5f: {  	v10 =	vsel vm1, v11, v10;
	v6 =	vshll.u32 v6, $0x3  }
0x60: {  	v5 =	vshll.u32 v5, $0x4;
	v11 =	vld.idx.msk [tilespmem:v19+s7+$0x0], $0xffff;
	v6 =	vadd.s32 v6, v10;
	v8 =	vshrl.u32 v8, $0x1  }
0x61: {  	v3 =	vshll.u32 v3, $0x4;
	v5 =	vadd.s32 v7, v5;
	v6 =	vsub.s32 v6, v8  }
0x62: {  	v3 =	vadd.s32 v7, v3;
	v8 =	vld.idx.msk [tilespmem:v12+s7+$0x0], $0xffff;
	v6 =	vadd.s32 $0x8, v6  }
0x63: {  	v13 =	vsub.f32 v0, v9;
	v6 =	vshll.u32 v6, $0x4  }
0x64: {  	v6 =	vadd.s32 v7, v6;
	v7 =	vsub.f32 v9, v0  }
0x65: {  	v14 =	vsub.f32 v13, v11;
	v15 =	vsub.f32 v11, v0  }
0x66: {  	[tilespmem:v5+s9+$0x0] =	vst.idx.add.f32.msk $0xffff, v7  }
0x67: {  	v5 =	vadd.f32 v8, v14;
	[tilespmem:v3+s9+$0x0] =	vst.idx.add.f32.msk $0xffff, v15  }
0x68: {  	v3 =	vld [tilespmem:$0x1FF70]  }
0x69: {  	[tilespmem:v6+s9+$0x0] =	vst.idx.add.f32.msk $0xffff, v5  }
0x6a: {  	v6 =	vld [tilespmem:$0x1FF80];
	_ =	sdelay $0x5  }
0x6b: {  	v3 =	vld.idx.msk [tilespmem:v3+s2+$0x0], $0xffff;
	_ =	sdelay $0x1  }
0x6c: {  	v6 =	vld.idx.msk [tilespmem:v6+s2+$0x0], $0xffff;
	_ =	sdelay $0x2  }
0x6d: {  	v5 =	vld [tilespmem:$0x1FF90];
	v3 =	vmul.u32 $0x3, v3  }
0x6e: {  	v7 =	vld [tilespmem:$0x1FFA0]  }
0x6f: {  	v6 =	vadd.s32 v6, v3;
	v3 =	vld [tilespmem:$0x1FF60];
	_ =	sdelay $0x4  }
0x70: {  	v17 =	vld [tilespmem:$0x1FFC0]  }
0x71: {  	v5 =	vld.idx.msk [tilespmem:v5+s2+$0x0], $0xffff  }
0x72: {  	v7 =	vld.idx.msk [tilespmem:v7+s2+$0x0], $0xffff  }
0x73: {  	v8 =	vld.idx.msk [tilespmem:v3+s2+$0x0], $0xffff  }
0x74: {  	v3 =	vld [tilespmem:$0x1FFB0];
	_ =	sdelay $0x1  }
0x75: {  	v19 =	vld [tilespmem:$0x1FFD0];
	v5 =	vmul.u32 $0x3, v5;
	_ =	sdelay $0x1  }
0x76: {  	v14 =	vld [tilespmem:$0x1FFE0];
	v5 =	vadd.s32 v7, v5  }
0x77: {  	vm1 =	vlt.s32 v6, v5  }
0x78: {  	v7 =	vsel vm1, v6, v5  }
0x79: {  	v10 =	vld.idx.msk [tilespmem:v17+s7+$0x0], $0xffff;
	v18 =	vsub.s32 v5, v6;
	v16 =	vadd.s32 $0xFFFFFFFF, v7  }
0x7a: {  	v12 =	vsub.s32 v6, v5;
	vm1 =	vgt.s32 v6, v5;
	v9 =	vmul.u32 v7, v16;
	v3 =	vld.idx.msk [tilespmem:v3+s7+$0x0], $0xffff  }
0x7b: {  	v11 =	vsel vm1, v12, v18;
	v7 =	vshll.u32 v7, $0x3  }
0x7c: {  	v12 =	vld.idx.msk [tilespmem:v19+s7+$0x0], $0xffff;
	v7 =	vadd.s32 v7, v11;
	v9 =	vshrl.u32 v9, $0x1  }
0x7d: {  	v6 =	vshll.u32 v6, $0x4;
	v7 =	vsub.s32 v7, v9  }
0x7e: {  	v5 =	vshll.u32 v5, $0x4;
	v9 =	vld.idx.msk [tilespmem:v14+s7+$0x0], $0xffff;
	v7 =	vshll.u32 v7, $0x4;
	v6 =	vadd.s32 v8, v6  }
0x7f: {  	v7 =	vadd.s32 $0x80, v7;
	v5 =	vadd.s32 v8, v5;
	v15 =	vsub.f32 v3, v10  }
0x80: {  	v7 =	vadd.s32 v8, v7  }
0x81: {  	v16 =	vsub.f32 v10, v3;
	v17 =	vsub.f32 v15, v12  }
0x82: {  	v18 =	vsub.f32 v12, v3  }
0x83: {  	[tilespmem:v6+s9+$0x0] =	vst.idx.add.f32.msk $0xffff, v16;
	v6 =	vadd.f32 v9, v17  }
0x84: {  	[tilespmem:v5+s9+$0x0] =	vst.idx.add.f32.msk $0xffff, v18  }
0x85: {  	[tilespmem:v7+s9+$0x0] =	vst.idx.add.f32.msk $0xffff, v6  }
0x86: {  	v5 =	vld.idx.msk [tilespmem:v21+s2+$0x0], $0xffff;
	_ =	sdelay $0x1  }
0x87: {  	v7 =	vld.idx.msk [tilespmem:v22+s2+$0x0], $0xffff;
	_ =	sdelay $0x2  }
0x88: {  	v6 =	vld.idx.msk [tilespmem:v23+s2+$0x0], $0xffff;
	v5 =	vmul.u32 $0x3, v5  }
0x89: {  	v8 =	vld.idx.msk [tilespmem:v24+s2+$0x0], $0xffff  }
0x8a: {  	v7 =	vadd.s32 v7, v5;
	v5 =	vld [tilespmem:$0x1FFF0];
	_ =	sdelay $0x2  }
0x8b: {  	v6 =	vmul.u32 $0x3, v6;
	_ =	sdelay $0x1  }
0x8c: {  	v6 =	vadd.s32 v8, v6  }
0x8d: {  	vm1 =	vlt.s32 v7, v6  }
0x8e: {  	v11 =	vld.idx.msk [tilespmem:v26+s7+$0x0], $0xffff;
	v8 =	vsel vm1, v7, v6  }
0x8f: {  	v16 =	vsub.s32 v6, v7;
	v15 =	vadd.s32 $0xFFFFFFFF, v8;
	v19 =	vld.idx.msk [tilespmem:v5+s2+$0x0], $0xffff  }
0x90: {  	v13 =	vsub.s32 v7, v6;
	vm1 =	vgt.s32 v7, v6;
	v10 =	vmul.u32 v8, v15;
	v5 =	vld.idx.msk [tilespmem:v25+s7+$0x0], $0xffff  }
0x91: {  	v12 =	vsel vm1, v13, v16;
	v8 =	vshll.u32 v8, $0x3  }
0x92: {  	v17 =	vld.idx.msk [tilespmem:v27+s7+$0x0], $0xffff;
	v8 =	vadd.s32 v8, v12;
	v10 =	vshrl.u32 v10, $0x1  }
0x93: {  	v7 =	vshll.u32 v7, $0x4;
	v8 =	vsub.s32 v8, v10  }
0x94: {  	v6 =	vshll.u32 v6, $0x4;
	v10 =	vld.idx.msk [tilespmem:v28+s7+$0x0], $0xffff;
	v8 =	vshll.u32 v8, $0x4;
	v7 =	vadd.s32 v19, v7  }
0x95: {  	v8 =	vadd.s32 $0x80, v8;
	v6 =	vadd.s32 v19, v6;
	v18 =	vsub.f32 v5, v11  }
0x96: {  	v8 =	vadd.s32 v19, v8  }
0x97: {  	v19 =	vsub.f32 v11, v5;
	v16 =	vsub.f32 v18, v17  }
0x98: {  	v17 =	vsub.f32 v17, v5  }
0x99: {  	[tilespmem:v7+s9+$0x0] =	vst.idx.add.f32.msk $0xffff, v19;
	v7 =	vadd.f32 v10, v16  }
0x9a: {  	[tilespmem:v6+s9+$0x0] =	vst.idx.add.f32.msk $0xffff, v17  }
0x9b: {  	[tilespmem:v8+s9+$0x0] =	vst.idx.add.f32.msk $0xffff, v7  }
0x9c: {  	v6 =	vld.idx.msk [tilespmem:v30+s2+$0x0], $0xffff  }
0x9d: {  	v7 =	vld.idx.msk [tilespmem:v32+s2+$0x0], $0xffff  }
0x9e: {  	v8 =	vld.idx.msk [tilespmem:v31+s2+$0x0], $0xffff  }
0x9f: {  	v9 =	vld.idx.msk [tilespmem:v33+s2+$0x0], $0xffff;
	_ =	sdelay $0x2  }
0xa0: {  	v6 =	vmul.u32 $0x3, v6;
	v7 =	vmul.u32 $0x3, v7;
	_ =	sdelay $0x1  }
0xa1: {  	v8 =	vadd.s32 v8, v6;
	v7 =	vadd.s32 v9, v7  }
0xa2: {  	vm1 =	vlt.s32 v8, v7  }
0xa3: {  	v10 =	vld.idx.msk [tilespmem:v29+s2+$0x0], $0xffff;
	v9 =	vsel vm1, v8, v7  }
0xa4: {  	v12 =	vld.idx.msk [tilespmem:v35+s7+$0x0], $0xffff;
	v19 =	vsub.s32 v7, v8;
	v18 =	vadd.s32 $0xFFFFFFFF, v9  }
0xa5: {  	v6 =	vld.idx.msk [tilespmem:v34+s7+$0x0], $0xffff;
	v14 =	vsub.s32 v8, v7;
	vm1 =	vgt.s32 v8, v7;
	v11 =	vmul.u32 v9, v18  }
0xa6: {  	v13 =	vsel vm1, v14, v19;
	v9 =	vshll.u32 v9, $0x3  }
0xa7: {  	v16 =	vld.idx.msk [tilespmem:v36+s7+$0x0], $0xffff;
	v9 =	vadd.s32 v9, v13;
	v11 =	vshrl.u32 v11, $0x1  }
0xa8: {  	v8 =	vshll.u32 v8, $0x4;
	v9 =	vsub.s32 v9, v11  }
0xa9: {  	v7 =	vshll.u32 v7, $0x4;
	v8 =	vadd.s32 v10, v8;
	v11 =	vld.idx.msk [tilespmem:v37+s7+$0x0], $0xffff;
	v9 =	vshll.u32 v9, $0x4  }
0xaa: {  	v7 =	vadd.s32 v10, v7;
	v17 =	vsub.f32 v6, v12;
	v9 =	vadd.s32 $0x80, v9  }
0xab: {  	v9 =	vadd.s32 v10, v9  }
0xac: {  	v18 =	vsub.f32 v12, v6;
	v19 =	vsub.f32 v17, v16  }
0xad: {  	v16 =	vsub.f32 v16, v6  }
0xae: {  	[tilespmem:v8+s9+$0x0] =	vst.idx.add.f32.msk $0xffff, v18;
	v17 =	vadd.f32 v11, v19  }
0xaf: {  	[tilespmem:v7+s9+$0x0] =	vst.idx.add.f32.msk $0xffff, v16  }
0xb0: {  	[tilespmem:v9+s9+$0x0] =	vst.idx.add.f32.msk $0xffff, v17  }
0xb1: {  	v7 =	vld.idx.msk [tilespmem:v39+s2+$0x0], $0xffff  }
0xb2: {  	v8 =	vld.idx.msk [tilespmem:v41+s2+$0x0], $0xffff  }
0xb3: {  	v9 =	vld.idx.msk [tilespmem:v40+s2+$0x0], $0xffff  }
0xb4: {  	v10 =	vld.idx.msk [tilespmem:v42+s2+$0x0], $0xffff;
	_ =	sdelay $0x2  }
0xb5: {  	v7 =	vmul.u32 $0x3, v7;
	v8 =	vmul.u32 $0x3, v8;
	_ =	sdelay $0x1  }
0xb6: {  	v9 =	vadd.s32 v9, v7;
	v8 =	vadd.s32 v10, v8  }
0xb7: {  	vm1 =	vlt.s32 v9, v8  }
0xb8: {  	v11 =	vld.idx.msk [tilespmem:v38+s2+$0x0], $0xffff;
	v10 =	vsel vm1, v9, v8  }
0xb9: {  	v13 =	vld.idx.msk [tilespmem:v44+s7+$0x0], $0xffff;
	v19 =	vsub.s32 v8, v9;
	v18 =	vadd.s32 $0xFFFFFFFF, v10  }
0xba: {  	v7 =	vld.idx.msk [tilespmem:v43+s7+$0x0], $0xffff;
	v15 =	vsub.s32 v9, v8;
	vm1 =	vgt.s32 v9, v8;
	v12 =	vmul.u32 v10, v18  }
0xbb: {  	v14 =	vsel vm1, v15, v19;
	v10 =	vshll.u32 v10, $0x3  }
0xbc: {  	v15 =	vld.idx.msk [tilespmem:v45+s7+$0x0], $0xffff;
	v10 =	vadd.s32 v10, v14;
	v12 =	vshrl.u32 v12, $0x1  }
0xbd: {  	v9 =	vshll.u32 v9, $0x4;
	v10 =	vsub.s32 v10, v12  }
0xbe: {  	v8 =	vshll.u32 v8, $0x4;
	v9 =	vadd.s32 v11, v9;
	v12 =	vld.idx.msk [tilespmem:v46+s7+$0x0], $0xffff;
	v10 =	vshll.u32 v10, $0x4  }
0xbf: {  	v8 =	vadd.s32 v11, v8;
	v17 =	vsub.f32 v7, v13;
	v10 =	vadd.s32 $0x80, v10  }
0xc0: {  	v10 =	vadd.s32 v11, v10  }
0xc1: {  	v18 =	vsub.f32 v13, v7;
	v19 =	vsub.f32 v17, v15  }
0xc2: {  	v16 =	vsub.f32 v15, v7  }
0xc3: {  	[tilespmem:v9+s9+$0x0] =	vst.idx.add.f32.msk $0xffff, v18;
	v17 =	vadd.f32 v12, v19  }
0xc4: {  	[tilespmem:v8+s9+$0x0] =	vst.idx.add.f32.msk $0xffff, v16  }
0xc5: {  	[tilespmem:v10+s9+$0x0] =	vst.idx.add.f32.msk $0xffff, v17  }
0xc6: {  	v8 =	vld.idx.msk [tilespmem:v48+s2+$0x0], $0xffff  }
0xc7: {  	v9 =	vld.idx.msk [tilespmem:v50+s2+$0x0], $0xffff  }
0xc8: {  	v10 =	vld.idx.msk [tilespmem:v49+s2+$0x0], $0xffff  }
0xc9: {  	v11 =	vld.idx.msk [tilespmem:v51+s2+$0x0], $0xffff;
	_ =	sdelay $0x2  }
0xca: {  	v8 =	vmul.u32 $0x3, v8;
	v9 =	vmul.u32 $0x3, v9;
	_ =	sdelay $0x1  }
0xcb: {  	v10 =	vadd.s32 v10, v8;
	v9 =	vadd.s32 v11, v9  }
0xcc: {  	vm1 =	vlt.s32 v10, v9  }
0xcd: {  	v12 =	vld.idx.msk [tilespmem:v47+s2+$0x0], $0xffff;
	v11 =	vsel vm1, v10, v9  }
0xce: {  	v14 =	vld.idx.msk [tilespmem:v53+s7+$0x0], $0xffff;
	v15 =	vsub.s32 v9, v10;
	v18 =	vadd.s32 $0xFFFFFFFF, v11  }
0xcf: {  	v8 =	vld.idx.msk [tilespmem:v52+s7+$0x0], $0xffff;
	v16 =	vsub.s32 v10, v9;
	vm1 =	vgt.s32 v10, v9;
	v13 =	vmul.u32 v11, v18  }
0xd0: {  	v15 =	vsel vm1, v16, v15;
	v11 =	vshll.u32 v11, $0x3  }
0xd1: {  	v16 =	vld.idx.msk [tilespmem:v54+s7+$0x0], $0xffff;
	v11 =	vadd.s32 v11, v15;
	v13 =	vshrl.u32 v13, $0x1  }
0xd2: {  	v10 =	vshll.u32 v10, $0x4;
	v11 =	vsub.s32 v11, v13  }
0xd3: {  	v9 =	vshll.u32 v9, $0x4;
	v10 =	vadd.s32 v12, v10;
	v13 =	vld.idx.msk [tilespmem:v55+s7+$0x0], $0xffff;
	v11 =	vshll.u32 v11, $0x4  }
0xd4: {  	v9 =	vadd.s32 v12, v9;
	v19 =	vsub.f32 v8, v14;
	v11 =	vadd.s32 $0x80, v11  }
0xd5: {  	v11 =	vadd.s32 v12, v11  }
0xd6: {  	v18 =	vsub.f32 v19, v16;
	v12 =	vsub.f32 v14, v8  }
0xd7: {  	v19 =	vsub.f32 v16, v8  }
0xd8: {  	[tilespmem:v10+s9+$0x0] =	vst.idx.add.f32.msk $0xffff, v12;
	v17 =	vadd.f32 v13, v18  }
0xd9: {  	[tilespmem:v9+s9+$0x0] =	vst.idx.add.f32.msk $0xffff, v19  }
0xda: {  	[tilespmem:v11+s9+$0x0] =	vst.idx.add.f32.msk $0xffff, v17  }
0xdb: {  	v9 =	vld.idx.msk [tilespmem:v57+s2+$0x0], $0xffff  }
0xdc: {  	v10 =	vld.idx.msk [tilespmem:v59+s2+$0x0], $0xffff  }
0xdd: {  	v11 =	vld.idx.msk [tilespmem:v58+s2+$0x0], $0xffff  }
0xde: {  	v12 =	vld.idx.msk [tilespmem:v60+s2+$0x0], $0xffff;
	_ =	sdelay $0x2  }
0xdf: {  	v9 =	vmul.u32 $0x3, v9;
	v10 =	vmul.u32 $0x3, v10;
	_ =	sdelay $0x1  }
0xe0: {  	v9 =	vadd.s32 v11, v9;
	v10 =	vadd.s32 v12, v10  }
0xe1: {  	vm1 =	vlt.s32 v9, v10  }
0xe2: {  	v14 =	vld.idx.msk [tilespmem:v61+s7+$0x0], $0xffff;
	v11 =	vsel vm1, v9, v10  }
0xe3: {  	v15 =	vadd.s32 $0x1B, v4;
	v12 =	vld.idx.msk [tilespmem:v56+s2+$0x0], $0xffff;
	v17 =	vsub.s32 v10, v9;
	v18 =	vadd.s32 $0xFFFFFFFF, v11  }
0xe4: {  	v16 =	vld.idx.msk [tilespmem:v62+s7+$0x0], $0xffff;
	vm1 =	vgt.s32 v9, v10;
	v13 =	vmul.u32 v11, v18;
	v18 =	vsub.s32 v9, v10  }
0xe5: {  	v11 =	vshll.u32 v11, $0x3;
	v17 =	vsel vm1, v18, v17  }
0xe6: {  	v18 =	vld.idx.msk [tilespmem:v63+s7+$0x0], $0xffff;
	v13 =	vshrl.u32 v13, $0x1;
	v11 =	vadd.s32 v11, v17  }
0xe7: {  	v9 =	vshll.u32 v9, $0x4;
	v11 =	vsub.s32 v11, v13  }
0xe8: {  	v10 =	vshll.u32 v10, $0x4;
	v9 =	vadd.s32 v12, v9;
	v13 =	vld.idx.msk [tilespmem:v15+s7+$0x0], $0xffff;
	v11 =	vshll.u32 v11, $0x4  }
0xe9: {  	v19 =	vsub.f32 v14, v16;
	v10 =	vadd.s32 v12, v10;
	v11 =	vadd.s32 $0x80, v11  }
0xea: {  	v11 =	vadd.s32 v12, v11  }
0xeb: {  	v12 =	vsub.f32 v16, v14;
	v15 =	vsub.f32 v19, v18;
	v16 =	vadd.s32 $0x2B, v1  }
0xec: {  	v17 =	vsub.f32 v18, v14;
	v18 =	vadd.s32 $0x2E, v1  }
0xed: {  	v19 =	vadd.s32 $0x2C, v1;
	[tilespmem:v9+s9+$0x0] =	vst.idx.add.f32.msk $0xffff, v12;
	v9 =	vadd.f32 v13, v15  }
0xee: {  	[tilespmem:v10+s9+$0x0] =	vst.idx.add.f32.msk $0xffff, v17;
	v17 =	vadd.s32 $0x2F, v1  }
0xef: {  	[tilespmem:v11+s9+$0x0] =	vst.idx.add.f32.msk $0xffff, v9  }
0xf0: {  	v9 =	vld.idx.msk [tilespmem:v16+s2+$0x0], $0xffff  }
0xf1: {  	v11 =	vld.idx.msk [tilespmem:v18+s2+$0x0], $0xffff  }
0xf2: {  	v12 =	vld.idx.msk [tilespmem:v19+s2+$0x0], $0xffff  }
0xf3: {  	v10 =	vld.idx.msk [tilespmem:v17+s2+$0x0], $0xffff;
	_ =	sdelay $0x1  }
0xf4: {  	v13 =	vadd.s32 $0x2A, v1  }
0xf5: {  	v15 =	vadd.s32 $0x1C, v4;
	v9 =	vmul.u32 $0x3, v9;
	v11 =	vmul.u32 $0x3, v11  }
0xf6: {  	v16 =	vadd.s32 $0x1D, v4  }
0xf7: {  	v9 =	vadd.s32 v12, v9;
	v10 =	vadd.s32 v10, v11  }
0xf8: {  	v11 =	vadd.s32 $0x1E, v4;
	vm1 =	vlt.s32 v9, v10  }
0xf9: {  	v13 =	vld.idx.msk [tilespmem:v13+s2+$0x0], $0xffff;
	v12 =	vsel vm1, v9, v10  }
0xfa: {  	v18 =	vadd.s32 $0x1F, v4;
	v15 =	vld.idx.msk [tilespmem:v15+s7+$0x0], $0xffff;
	v19 =	vsub.s32 v10, v9;
	v17 =	vadd.s32 $0xFFFFFFFF, v12  }
0xfb: {  	v16 =	vld.idx.msk [tilespmem:v16+s7+$0x0], $0xffff;
	v20 =	vsub.s32 v9, v10;
	vm1 =	vgt.s32 v9, v10;
	v17 =	vmul.u32 v12, v17  }
0xfc: {  	v19 =	vsel vm1, v20, v19;
	v12 =	vshll.u32 v12, $0x3  }
0xfd: {  	v12 =	vadd.s32 v12, v19;
	v11 =	vld.idx.msk [tilespmem:v11+s7+$0x0], $0xffff;
	v17 =	vshrl.u32 v17, $0x1  }
0xfe: {  	v0 =	vadd.f32 $0.0e+00, v0;
	v9 =	vshll.u32 v9, $0x4;
	v12 =	vsub.s32 v12, v17  }
0xff: {  	v10 =	vshll.u32 v10, $0x4;
	v9 =	vadd.s32 v13, v9;
	v17 =	vld.idx.msk [tilespmem:v18+s7+$0x0], $0xffff;
	v12 =	vshll.u32 v12, $0x4  }
0x100: {  	v10 =	vadd.s32 v13, v10;
	v18 =	vsub.f32 v15, v16;
	v12 =	vadd.s32 $0x80, v12  }
0x101: {  	v0 =	vadd.f32 v3, v0;
	v3 =	vadd.s32 v13, v12  }
0x102: {  	v12 =	vsub.f32 v16, v15;
	v13 =	vsub.f32 v18, v11;
	v16 =	vadd.s32 $0x31, v1  }
0x103: {  	v11 =	vsub.f32 v11, v15;
	v18 =	vadd.s32 $0x34, v1  }
0x104: {  	v0 =	vadd.f32 v5, v0;
	v19 =	vadd.s32 $0x32, v1;
	[tilespmem:v9+s9+$0x0] =	vst.idx.add.f32.msk $0xffff, v12;
	v5 =	vadd.f32 v17, v13  }
0x105: {  	v12 =	vadd.s32 $0x35, v1;
	[tilespmem:v10+s9+$0x0] =	vst.idx.add.f32.msk $0xffff, v11  }
0x106: {  	v0 =	vadd.f32 v6, v0;
	[tilespmem:v3+s9+$0x0] =	vst.idx.add.f32.msk $0xffff, v5;
	v3 =	vadd.s32 $0x20, v4  }
0x107: {  	v5 =	vld.idx.msk [tilespmem:v16+s2+$0x0], $0xffff  }
0x108: {  	v0 =	vadd.f32 v7, v0;
	v6 =	vld.idx.msk [tilespmem:v18+s2+$0x0], $0xffff  }
0x109: {  	v7 =	vld.idx.msk [tilespmem:v19+s2+$0x0], $0xffff  }
0x10a: {  	v0 =	vadd.f32 v8, v0;
	v13 =	vld.idx.msk [tilespmem:v12+s2+$0x0], $0xffff  }
0x10b: {  	v3 =	vld.idx.msk [tilespmem:v3+s7+$0x0], $0xffff  }
0x10c: {  	v0 =	vadd.f32 v14, v0  }
0x10d: {  	v14 =	vadd.s32 $0x30, v1  }
0x10e: {  	v0 =	vadd.f32 v15, v0;
	v5 =	vmul.u32 $0x3, v5;
	v6 =	vmul.u32 $0x3, v6  }
0x10f: {  	v15 =	vadd.s32 $0x21, v4  }
0x110: {  	v5 =	vadd.s32 v7, v5;
	v6 =	vadd.s32 v13, v6;
	v0 =	vadd.f32 v3, v0  }
0x111: {  	v7 =	vadd.s32 $0x22, v4;
	vm1 =	vlt.s32 v5, v6  }
0x112: {  	v8 =	vsel vm1, v5, v6;
	(xrf2) =	vadd.scan.msk.f32 $0xffff, v0  }
0x113: {  	v17 =	vadd.s32 $0x23, v4;
	v18 =	vsub.s32 v6, v5;
	v16 =	vadd.s32 $0xFFFFFFFF, v8;
	v0 =	vld.idx.msk [tilespmem:v14+s2+$0x0], $0xffff  }
0x114: {  	v10 =	vld.idx.msk [tilespmem:v15+s7+$0x0], $0xffff;
	v19 =	vsub.s32 v5, v6;
	vm1 =	vgt.s32 v5, v6;
	v11 =	vmul.u32 v8, v16  }
0x115: {  	v12 =	vsel vm1, v19, v18;
	v8 =	vshll.u32 v8, $0x3  }
0x116: {  	v8 =	vadd.s32 v8, v12;
	v7 =	vld.idx.msk [tilespmem:v7+s7+$0x0], $0xffff;
	v11 =	vshrl.u32 v11, $0x1  }
0x117: {  	v5 =	vshll.u32 v5, $0x4;
	v8 =	vsub.s32 v8, v11  }
0x118: {  	v9 =	vld.idx.msk [tilespmem:v17+s7+$0x0], $0xffff;
	v6 =	vshll.u32 v6, $0x4;
	v8 =	vshll.u32 v8, $0x4;
	v5 =	vadd.s32 v0, v5  }
0x119: {  	v16 =	vsub.f32 v3, v10;
	v6 =	vadd.s32 v0, v6;
	v8 =	vadd.s32 $0x80, v8  }
0x11a: {  	v19 =	vlaneseq.u32;
	v0 =	vadd.s32 v0, v8  }
0x11b: {  	v17 =	vsub.f32 v10, v3;
	v11 =	vor.u32 $0x2D0, v19;
	v18 =	vsub.f32 v16, v7  }
0x11c: {  	v3 =	vsub.f32 v7, v3;
	v7, _, _ =	vpop (xrf2)  }
0x11d: {  	[tilespmem:v5+s9+$0x0] =	vst.idx.add.f32.msk $0xffff, v17;
	v5 =	vadd.f32 v9, v18;
	v7 =	vbroadcast v7, $0xF  }
0x11e: {  	[tilespmem:v6+s9+$0x0] =	vst.idx.add.f32.msk $0xffff, v3  }
0x11f: {  	p0 =	sne.s32 s6, $0x1;
	[tilespmem:v0+s9+$0x0] =	vst.idx.add.f32.msk $0xffff, v5;
	v0 =	vnsel vm0, $0x0, v7  }
.Ltmp0:
0x120: {  	[tilespmem:v11+s9+$0x0] =	vst.idx.msk $0xffff, v0;
	(pc) =	sbr.rel @p0 .LBB2_1-.Ltmp0, $4  }
0x121: {  	[hbm4b:s5+s10] =	stream.strided.scatter [tilespmem:s9], [sflag:$0x2], $0x300, s11, s10, $0x38;
	[tilespmem:$0x900] =	vst v63  }
0x122: {  	_ =	swait.ge [sflag:s12], $0x300  }
0x123: {  	[sflag:s12] =	ssyncset.done $0x0  }
0x124: {  	s6 =	sadd.s32 $0xFFFFFFFF, s6;
	[sflag:s12] =	ssyncadd.s32 $0xFFFFFD00  }
0x125: {  	_ =	sfence.sel $0x180000  }
0x126: {  	[bflag:$0x0] =	sbarrier.arrive $0xFFFF  }
0x127: {  	p0 =	sne.s32 s1, $0x0;
	_ =	strace $0x90000047  }
0x128: {  	s0 =	sadd.s32 @!p0 $0x100000, s0;
	[bflag:$0x2] =	sbarrier.arrive $0xFFFF  }
0x129: {  	[sflag:s0] =	ssyncadd.tile.s32 @!p0 $0x1;
	_ =	shalt  }
.Lfunc_end2:
_tile_overlayer_lowered:
.L_overlay_start_2:
0x12a: {  	(tag) =	ssettag $0x2  }
0x12b: {  	s0 =	rddreg [dreg:$0x0];
	s2 =	stileid.u32  }
0x12c: {  	s1 =	rddreg [dreg:$0x1];
	p0 =	sne.s32 s2, $0x0  }
0x12d: {  	s3 =	rddreg [dreg:$0x2];
	[bflag:$0x3] =	sbarrier.arrive $0xFFFF;
	s2 =	simm.s32 @!p0 $0x1C02  }
0x12e: {  	[timem:s3], [sflag:s2] =	dma.local @!p0 [hbm:s0], s1  }
0x12f: {  	s0 =	simm.s32 @!p0 $0x2  }
0x130: {  	_ =	swait.ge @!p0 [sflag:s0], s1  }
0x131: {  	s1 =	ssub.s32 @!p0 $0x0, s1;
	[sflag:s0] =	ssyncset.done @!p0 $0x0  }
0x132: {  	[sflag:s0] =	ssyncadd.s32 @!p0 s1  }
0x133: {  	[bflag:$0x3] =	sbarrier.arrive $0xFFFF  }
0x134: {  	_ =	shalt  }

</sc_bundles>
